<compile_context>
chip_gen: v7x
topology: tpu7x:2x2x1
jax: 0.10.2.dev20260603
libtpu: 0.0.44.dev20260713+nightly
codegen_flags: <defaults>
</compile_context>

<pallas_src>
import functools

import jax
import jax.numpy as jnp
from jax import lax
from jax.experimental import pallas as pl
from jax.experimental.pallas import tpu as pltpu
from jax.experimental.pallas import tpu_sc as plsc

_B, _S, _D = 4096, 26, 64
_NW = 32
_CH = 128
_NSLAB = _S


def _gather(xk, table):
    mesh = plsc.VectorSubcoreMesh(core_axis_name="c", subcore_axis_name="s")

    @functools.partial(
        pl.kernel,
        mesh=mesh,
        out_type=jax.ShapeDtypeStruct((_S, 8, _NW, 8, 128), jnp.float32),
        compiler_params=pltpu.CompilerParams(
            use_tc_tiling_on_sc=False, needs_layout_passes=False),
        scratch_types=[
            pltpu.VMEM((_S, _CH), jnp.int32),
            pltpu.VMEM((2, _CH, _D), jnp.float32),
            pltpu.VMEM((2, _D, 129), jnp.float32),
            pltpu.SemaphoreType.DMA,
            pltpu.SemaphoreType.DMA,
            pltpu.SemaphoreType.DMA,
            pltpu.SemaphoreType.DMA,
        ],
    )
    def body(xk_hbm, table_hbm, out_hbm, kv, rows_v, slab_v, g0, g1, s0, s1):
        gsems = (g0, g1)
        ssems = (s0, s1)
        w = lax.axis_index("s") * 2 + lax.axis_index("c")
        lane16 = lax.iota(jnp.int32, 16)
        dk = [k * 16 + lane16 for k in range(4)]

        pltpu.sync_copy(xk_hbm.at[:, w], kv)
        pltpu.async_copy(table_hbm.at[kv.at[0]], rows_v.at[0], gsems[0])

        def out_slab_copy(s, b):
            return [
                pltpu.make_async_copy(
                    slab_v.at[b, pl.ds(dt * 8, 8), pl.ds(0, 128)],
                    out_hbm.at[s, dt, w], ssems[b])
                for dt in range(8)
            ]

        def pair(jj, carry):
            for b in range(2):
                nb = 1 - b
                s = jj * 2 + b

                @pl.when(s + 1 < _NSLAB)
                def _():
                    pltpu.async_copy(
                        table_hbm.at[kv.at[s + 1]], rows_v.at[nb], gsems[nb])

                pltpu.make_async_copy(
                    table_hbm.at[kv.at[s]], rows_v.at[b], gsems[b]).wait()

                @pl.when(s >= 2)
                def _():
                    for c in out_slab_copy(s - 2, b):
                        c.wait()

                def col(i, carry2):
                    j0 = i * 8
                    for jj in range(8):
                        j = j0 + jj
                        jv = jnp.full((16,), j, jnp.int32)
                        for k in range(4):
                            vals = rows_v[b, j, pl.ds(k * 16, 16)]
                            plsc.store_scatter(
                                slab_v.at[b], [dk[k], jv], vals)
                    return carry2

                lax.fori_loop(0, _CH // 8, col, 0)

                for c in out_slab_copy(s, b):
                    c.start()
            return carry

        lax.fori_loop(0, _NSLAB // 2, pair, 0)
        for b in range(2):
            for c in out_slab_copy(_NSLAB - 2 + b, b):
                c.wait()

    return body(xk, table)


def kernel(x, table):
    xk = x.astype(jnp.int32).reshape(_NW, _CH, _S).transpose(2, 0, 1)
    out = _gather(xk, table)
    return out.transpose(2, 4, 0, 1, 3).reshape(_B, _S, _D)

# --- scband reference (transcript-rebuilt; emitter-appended) ---
"""Pipeline reference for scband-fnetwork-34308198761164 (READ-ONLY COPY).

The authoritative reference and input builder live on the scoring server;
editing this copy changes nothing except your own understanding.
"""

import jax, jax.numpy as jnp
import numpy as np

N_ACTION = 100000
EMBED_DIM = 64
K = 1

def setup_inputs(seed: int = 0) -> dict:
    key = jax.random.key(seed)
    k1, k2 = jax.random.split(key)
    x = jax.random.randint(k1, (4096, 26), 0, N_ACTION, dtype=jnp.int64) if jax.config.jax_enable_x64 else jax.random.randint(k1, (4096, 26), 0, N_ACTION, dtype=jnp.int32)
    table = jax.random.normal(k2, (N_ACTION * K, EMBED_DIM * K), dtype=jnp.float32) * 0.02
    return {"x": x, "table": table}

def reference(x, table):
    # FNetwork.forward: self.embedding(x) -> nn.Embedding(n_action*k, embed_dim*k) lookup
    return jnp.take(table, x, axis=0)

if __name__ == "__main__":
    import jax
    _d = setup_inputs()
    print(jax.jit(kernel)(*tuple(_d.values())))

</pallas_src>

<mosaic_0001>
#map = affine_map<(d0, d1) -> (0, 0, 0)>
#map1 = affine_map<(d0, d1) -> (0, 0)>
#map2 = affine_map<(d0, d1) -> (0, 0, 0, 0, 0)>
module attributes {stable_mosaic.version = 14 : i64} {
  func.func @body(%arg0: i32, %arg1: i32, %arg2: memref<26x32x128xi32, #tpu.memory_space<hbm>>, %arg3: memref<100000x64xf32, #tpu.memory_space<hbm>>, %arg4: memref<26x8x32x8x128xf32, #tpu.memory_space<hbm>>, %arg5: memref<26x128xi32, #tpu.memory_space<vmem>>, %arg6: memref<2x128x64xf32, #tpu.memory_space<vmem>>, %arg7: memref<2x64x129xf32, #tpu.memory_space<vmem>>, %arg8: memref<!tpu.dma_semaphore, #tpu.memory_space<semaphore_mem>>, %arg9: memref<!tpu.dma_semaphore, #tpu.memory_space<semaphore_mem>>, %arg10: memref<!tpu.dma_semaphore, #tpu.memory_space<semaphore_mem>>, %arg11: memref<!tpu.dma_semaphore, #tpu.memory_space<semaphore_mem>>) attributes {dimension_semantics = [#tpu.dimension_semantics<core_parallel>, #tpu.dimension_semantics<subcore_parallel>], iteration_bounds = array<i64: 2, 16>, scalar_prefetch = 0 : i64, scratch_operands = 7 : i64, tpu.core_type = #tpu.core_type<sc_vector_subcore>, window_params = [{transform_indices = #map}, {transform_indices = #map1}, {transform_indices = #map2}]} {
    %mul3A = arith.constant 2 : i32
    %mul3A_0 = arith.muli %arg1, %mul3A : i32
    %add3A = arith.addi %mul3A_0, %arg0 : i32
    %iota3A = tpu.iota {dimensions = array<i32: 0>} : vector<16xi32>
    %add3A_1 = arith.constant 0 : i32
    %add3A_2 = vector.broadcast %add3A_1 : i32 to vector<16xi32>
    %add3A_3 = arith.addi %add3A_2, %iota3A : vector<16xi32>
    %add3A_4 = arith.constant 16 : i32
    %add3A_5 = vector.broadcast %add3A_4 : i32 to vector<16xi32>
    %add3A_6 = arith.addi %add3A_5, %iota3A : vector<16xi32>
    %add3A_7 = arith.constant 32 : i32
    %add3A_8 = vector.broadcast %add3A_7 : i32 to vector<16xi32>
    %add3A_9 = arith.addi %add3A_8, %iota3A : vector<16xi32>
    %add3A_10 = arith.constant 48 : i32
    %add3A_11 = vector.broadcast %add3A_10 : i32 to vector<16xi32>
    %add3A_12 = arith.addi %add3A_11, %iota3A : vector<16xi32>
    "tpu.region"() ({
      %run_scoped3A = tpu.sem_alloc : memref<!tpu.dma_semaphore, #tpu.memory_space<semaphore_mem>>
      %dma_start3A_332 = arith.constant 0 : i32
      %dma_start3A_333 = arith.constant 0 : i32
      %dma_start3A_334 = tpu.memref_slice %arg2[%dma_start3A_332, %add3A, %dma_start3A_333] : memref<26x32x128xi32, #tpu.memory_space<hbm>> -> memref<26x1x128xi32, #tpu.memory_space<hbm>>
      %dma_start3A_335 = tpu.memref_squeeze %dma_start3A_334 : memref<26x1x128xi32, #tpu.memory_space<hbm>> -> memref<26x128xi32, #tpu.memory_space<hbm>>
      %dma_start3A_336 = arith.constant 0 : i32
      %dma_start3A_337 = arith.constant 0 : i32
      %dma_start3A_338 = tpu.memref_slice %arg2[%dma_start3A_336, %add3A, %dma_start3A_337] : memref<26x32x128xi32, #tpu.memory_space<hbm>> -> memref<26x1x128xi32, #tpu.memory_space<hbm>>
      %dma_start3A_339 = tpu.memref_squeeze %dma_start3A_338 : memref<26x1x128xi32, #tpu.memory_space<hbm>> -> memref<26x128xi32, #tpu.memory_space<hbm>>
      tpu.enqueue_dma source(%dma_start3A_339 : memref<26x128xi32, #tpu.memory_space<hbm>>) target(%arg5 : memref<26x128xi32, #tpu.memory_space<vmem>>) target_semaphore(%run_scoped3A : memref<!tpu.dma_semaphore, #tpu.memory_space<semaphore_mem>>)
      %dma_wait3A_340 = arith.constant 0 : i32
      %dma_wait3A_341 = arith.constant 0 : i32
      %dma_wait3A_342 = tpu.memref_slice %arg2[%dma_wait3A_340, %add3A, %dma_wait3A_341] : memref<26x32x128xi32, #tpu.memory_space<hbm>> -> memref<26x1x128xi32, #tpu.memory_space<hbm>>
      %dma_wait3A_343 = tpu.memref_squeeze %dma_wait3A_342 : memref<26x1x128xi32, #tpu.memory_space<hbm>> -> memref<26x128xi32, #tpu.memory_space<hbm>>
      %dma_wait3A_344 = arith.constant 0 : i32
      %dma_wait3A_345 = arith.constant 0 : i32
      %dma_wait3A_346 = tpu.memref_slice %arg2[%dma_wait3A_344, %add3A, %dma_wait3A_345] : memref<26x32x128xi32, #tpu.memory_space<hbm>> -> memref<26x1x128xi32, #tpu.memory_space<hbm>>
      %dma_wait3A_347 = tpu.memref_squeeze %dma_wait3A_346 : memref<26x1x128xi32, #tpu.memory_space<hbm>> -> memref<26x128xi32, #tpu.memory_space<hbm>>
      tpu.wait_dma2 semaphore(%run_scoped3A : memref<!tpu.dma_semaphore, #tpu.memory_space<semaphore_mem>>) src(%dma_wait3A_347 : memref<26x128xi32, #tpu.memory_space<hbm>>) dst(%arg5 : memref<26x128xi32, #tpu.memory_space<vmem>>)
      tpu.yield
    }) : () -> ()
    %dma_start3A = arith.constant 0 : i32
    %dma_start3A_13 = arith.constant 0 : i32
    %dma_start3A_14 = arith.constant 0 : i32
    %dma_start3A_15 = arith.constant 0 : i32
    %dma_start3A_16 = tpu.memref_slice %arg6[%dma_start3A_13, %dma_start3A_14, %dma_start3A_15] : memref<2x128x64xf32, #tpu.memory_space<vmem>> -> memref<1x128x64xf32, #tpu.memory_space<vmem>>
    %dma_start3A_17 = tpu.memref_squeeze %dma_start3A_16 : memref<1x128x64xf32, #tpu.memory_space<vmem>> -> memref<128x64xf32, #tpu.memory_space<vmem>>
    %dma_start3A_18 = arith.constant 0 : i32
    %dma_start3A_19 = tpu.memref_slice %arg5[%dma_start3A, %dma_start3A_18] : memref<26x128xi32, #tpu.memory_space<vmem>> -> memref<1x128xi32, #tpu.memory_space<vmem>>
    %dma_start3A_20 = tpu.memref_squeeze %dma_start3A_19 : memref<1x128xi32, #tpu.memory_space<vmem>> -> memref<128xi32, #tpu.memory_space<vmem>>
    %dma_start3A_21 = arith.constant 0 : i32
    %dma_start3A_22 = arith.constant 0 : i32
    %dma_start3A_23 = tpu.memref_slice %arg3[%dma_start3A_21, %dma_start3A_22] : memref<100000x64xf32, #tpu.memory_space<hbm>> -> memref<100000x64xf32, #tpu.memory_space<hbm>>
    tpu.enqueue_indirect_dma source(%dma_start3A_23 : memref<100000x64xf32, #tpu.memory_space<hbm>>) target(%dma_start3A_17 : memref<128x64xf32, #tpu.memory_space<vmem>>) offsets(%dma_start3A_20 : memref<128xi32, #tpu.memory_space<vmem>>) semaphore(%arg8 : memref<!tpu.dma_semaphore, #tpu.memory_space<semaphore_mem>>)
    %scan3A = arith.constant 0 : i32
    %scan3A_24 = arith.constant 0 : i32
    %scan3A_25 = arith.constant 13 : i32
    %scan3A_26 = arith.addi %scan3A_24, %scan3A_25 : i32
    %scan3A_27 = arith.constant 1 : i32
    scf.for %scan3A_332 = %scan3A_24 to %scan3A_26 step %scan3A_27  : i32 {
      %mul3A_333 = arith.constant 2 : i32
      %mul3A_334 = arith.muli %scan3A_332, %mul3A_333 : i32
      %add3A_335 = arith.constant 0 : i32
      %add3A_336 = arith.addi %mul3A_334, %add3A_335 : i32
      %add3A_337 = arith.constant 1 : i32
      %add3A_338 = arith.addi %add3A_336, %add3A_337 : i32
      %lt3A = arith.constant 26 : i32
      %lt3A_339 = arith.cmpi slt, %add3A_338, %lt3A : i32
      %convert_element_type3A = arith.extui %lt3A_339 : i1 to i32
      %cond3A = arith.constant 0 : i32
      %cond3A_340 = arith.cmpi ne, %convert_element_type3A, %cond3A : i32
      scf.if %cond3A_340 {
        %add3A_683 = arith.constant 1 : i32
        %add3A_684 = arith.addi %add3A_336, %add3A_683 : i32
        %dma_start3A_685 = arith.constant 1 : i32
        %dma_start3A_686 = arith.constant 0 : i32
        %dma_start3A_687 = arith.constant 0 : i32
        %dma_start3A_688 = tpu.memref_slice %arg6[%dma_start3A_685, %dma_start3A_686, %dma_start3A_687] : memref<2x128x64xf32, #tpu.memory_space<vmem>> -> memref<1x128x64xf32, #tpu.memory_space<vmem>>
        %dma_start3A_689 = tpu.memref_squeeze %dma_start3A_688 : memref<1x128x64xf32, #tpu.memory_space<vmem>> -> memref<128x64xf32, #tpu.memory_space<vmem>>
        %dma_start3A_690 = arith.constant 0 : i32
        %dma_start3A_691 = tpu.memref_slice %arg5[%add3A_684, %dma_start3A_690] : memref<26x128xi32, #tpu.memory_space<vmem>> -> memref<1x128xi32, #tpu.memory_space<vmem>>
        %dma_start3A_692 = tpu.memref_squeeze %dma_start3A_691 : memref<1x128xi32, #tpu.memory_space<vmem>> -> memref<128xi32, #tpu.memory_space<vmem>>
        %dma_start3A_693 = arith.constant 0 : i32
        %dma_start3A_694 = arith.constant 0 : i32
        %dma_start3A_695 = tpu.memref_slice %arg3[%dma_start3A_693, %dma_start3A_694] : memref<100000x64xf32, #tpu.memory_space<hbm>> -> memref<100000x64xf32, #tpu.memory_space<hbm>>
        tpu.enqueue_indirect_dma source(%dma_start3A_695 : memref<100000x64xf32, #tpu.memory_space<hbm>>) target(%dma_start3A_689 : memref<128x64xf32, #tpu.memory_space<vmem>>) offsets(%dma_start3A_692 : memref<128xi32, #tpu.memory_space<vmem>>) semaphore(%arg9 : memref<!tpu.dma_semaphore, #tpu.memory_space<semaphore_mem>>)
      } else {
      }
      %dma_wait3A_341 = arith.constant 0 : i32
      %dma_wait3A_342 = arith.constant 0 : i32
      %dma_wait3A_343 = arith.constant 0 : i32
      %dma_wait3A_344 = tpu.memref_slice %arg6[%dma_wait3A_341, %dma_wait3A_342, %dma_wait3A_343] : memref<2x128x64xf32, #tpu.memory_space<vmem>> -> memref<1x128x64xf32, #tpu.memory_space<vmem>>
      %dma_wait3A_345 = tpu.memref_squeeze %dma_wait3A_344 : memref<1x128x64xf32, #tpu.memory_space<vmem>> -> memref<128x64xf32, #tpu.memory_space<vmem>>
      %dma_wait3A_346 = arith.constant 0 : i32
      %dma_wait3A_347 = tpu.memref_slice %arg5[%add3A_336, %dma_wait3A_346] : memref<26x128xi32, #tpu.memory_space<vmem>> -> memref<1x128xi32, #tpu.memory_space<vmem>>
      %dma_wait3A_348 = tpu.memref_squeeze %dma_wait3A_347 : memref<1x128xi32, #tpu.memory_space<vmem>> -> memref<128xi32, #tpu.memory_space<vmem>>
      %dma_wait3A_349 = arith.constant 0 : i32
      %dma_wait3A_350 = arith.constant 0 : i32
      %dma_wait3A_351 = tpu.memref_slice %arg3[%dma_wait3A_349, %dma_wait3A_350] : memref<100000x64xf32, #tpu.memory_space<hbm>> -> memref<100000x64xf32, #tpu.memory_space<hbm>>
      tpu.wait_indirect_dma semaphore(%arg8 : memref<!tpu.dma_semaphore, #tpu.memory_space<semaphore_mem>>) src(%dma_wait3A_351 : memref<100000x64xf32, #tpu.memory_space<hbm>>) dst(%dma_wait3A_345 : memref<128x64xf32, #tpu.memory_space<vmem>>)
      %ge3A = arith.constant 2 : i32
      %ge3A_352 = arith.cmpi sge, %add3A_336, %ge3A : i32
      %convert_element_type3A_353 = arith.extui %ge3A_352 : i1 to i32
      %cond3A_354 = arith.constant 0 : i32
      %cond3A_355 = arith.cmpi ne, %convert_element_type3A_353, %cond3A_354 : i32
      scf.if %cond3A_355 {
        %sub3A = arith.constant 2 : i32
        %sub3A_683 = arith.subi %add3A_336, %sub3A : i32
        %dma_wait3A_684 = arith.constant 0 : i32
        %dma_wait3A_685 = arith.constant 0 : i32
        %dma_wait3A_686 = arith.constant 0 : i32
        %dma_wait3A_687 = arith.constant 0 : i32
        %dma_wait3A_688 = tpu.memref_slice %arg7[%dma_wait3A_684, %dma_wait3A_686, %dma_wait3A_687] : memref<2x64x129xf32, #tpu.memory_space<vmem>> -> memref<1x8x128xf32, #tpu.memory_space<vmem>>
        %dma_wait3A_689 = tpu.memref_squeeze %dma_wait3A_688 : memref<1x8x128xf32, #tpu.memory_space<vmem>> -> memref<8x128xf32, #tpu.memory_space<vmem>>
        %dma_wait3A_690 = arith.constant 0 : i32
        %dma_wait3A_691 = arith.constant 0 : i32
        %dma_wait3A_692 = tpu.memref_slice %arg4[%sub3A_683, %dma_wait3A_685, %add3A, %dma_wait3A_690, %dma_wait3A_691] : memref<26x8x32x8x128xf32, #tpu.memory_space<hbm>> -> memref<1x1x1x8x128xf32, #tpu.memory_space<hbm>>
        %dma_wait3A_693 = tpu.memref_squeeze %dma_wait3A_692 : memref<1x1x1x8x128xf32, #tpu.memory_space<hbm>> -> memref<8x128xf32, #tpu.memory_space<hbm>>
        %dma_wait3A_694 = arith.constant 0 : i32
        %dma_wait3A_695 = arith.constant 0 : i32
        %dma_wait3A_696 = tpu.memref_slice %arg4[%sub3A_683, %dma_wait3A_685, %add3A, %dma_wait3A_694, %dma_wait3A_695] : memref<26x8x32x8x128xf32, #tpu.memory_space<hbm>> -> memref<1x1x1x8x128xf32, #tpu.memory_space<hbm>>
        %dma_wait3A_697 = tpu.memref_squeeze %dma_wait3A_696 : memref<1x1x1x8x128xf32, #tpu.memory_space<hbm>> -> memref<8x128xf32, #tpu.memory_space<hbm>>
        %dma_wait3A_698 = arith.constant 0 : i32
        %dma_wait3A_699 = arith.constant 0 : i32
        %dma_wait3A_700 = tpu.memref_slice %arg7[%dma_wait3A_684, %dma_wait3A_698, %dma_wait3A_699] : memref<2x64x129xf32, #tpu.memory_space<vmem>> -> memref<1x8x128xf32, #tpu.memory_space<vmem>>
        %dma_wait3A_701 = tpu.memref_squeeze %dma_wait3A_700 : memref<1x8x128xf32, #tpu.memory_space<vmem>> -> memref<8x128xf32, #tpu.memory_space<vmem>>
        tpu.wait_dma2 semaphore(%arg10 : memref<!tpu.dma_semaphore, #tpu.memory_space<semaphore_mem>>) src(%dma_wait3A_701 : memref<8x128xf32, #tpu.memory_space<vmem>>) dst(%dma_wait3A_697 : memref<8x128xf32, #tpu.memory_space<hbm>>)
        %dma_wait3A_702 = arith.constant 0 : i32
        %dma_wait3A_703 = arith.constant 1 : i32
        %dma_wait3A_704 = arith.constant 8 : i32
        %dma_wait3A_705 = arith.constant 0 : i32
        %dma_wait3A_706 = tpu.memref_slice %arg7[%dma_wait3A_702, %dma_wait3A_704, %dma_wait3A_705] : memref<2x64x129xf32, #tpu.memory_space<vmem>> -> memref<1x8x128xf32, #tpu.memory_space<vmem>>
        %dma_wait3A_707 = tpu.memref_squeeze %dma_wait3A_706 : memref<1x8x128xf32, #tpu.memory_space<vmem>> -> memref<8x128xf32, #tpu.memory_space<vmem>>
        %dma_wait3A_708 = arith.constant 0 : i32
        %dma_wait3A_709 = arith.constant 0 : i32
        %dma_wait3A_710 = tpu.memref_slice %arg4[%sub3A_683, %dma_wait3A_703, %add3A, %dma_wait3A_708, %dma_wait3A_709] : memref<26x8x32x8x128xf32, #tpu.memory_space<hbm>> -> memref<1x1x1x8x128xf32, #tpu.memory_space<hbm>>
        %dma_wait3A_711 = tpu.memref_squeeze %dma_wait3A_710 : memref<1x1x1x8x128xf32, #tpu.memory_space<hbm>> -> memref<8x128xf32, #tpu.memory_space<hbm>>
        %dma_wait3A_712 = arith.constant 0 : i32
        %dma_wait3A_713 = arith.constant 0 : i32
        %dma_wait3A_714 = tpu.memref_slice %arg4[%sub3A_683, %dma_wait3A_703, %add3A, %dma_wait3A_712, %dma_wait3A_713] : memref<26x8x32x8x128xf32, #tpu.memory_space<hbm>> -> memref<1x1x1x8x128xf32, #tpu.memory_space<hbm>>
        %dma_wait3A_715 = tpu.memref_squeeze %dma_wait3A_714 : memref<1x1x1x8x128xf32, #tpu.memory_space<hbm>> -> memref<8x128xf32, #tpu.memory_space<hbm>>
        %dma_wait3A_716 = arith.constant 8 : i32
        %dma_wait3A_717 = arith.constant 0 : i32
        %dma_wait3A_718 = tpu.memref_slice %arg7[%dma_wait3A_702, %dma_wait3A_716, %dma_wait3A_717] : memref<2x64x129xf32, #tpu.memory_space<vmem>> -> memref<1x8x128xf32, #tpu.memory_space<vmem>>
        %dma_wait3A_719 = tpu.memref_squeeze %dma_wait3A_718 : memref<1x8x128xf32, #tpu.memory_space<vmem>> -> memref<8x128xf32, #tpu.memory_space<vmem>>
        tpu.wait_dma2 semaphore(%arg10 : memref<!tpu.dma_semaphore, #tpu.memory_space<semaphore_mem>>) src(%dma_wait3A_719 : memref<8x128xf32, #tpu.memory_space<vmem>>) dst(%dma_wait3A_715 : memref<8x128xf32, #tpu.memory_space<hbm>>)
        %dma_wait3A_720 = arith.constant 0 : i32
        %dma_wait3A_721 = arith.constant 2 : i32
        %dma_wait3A_722 = arith.constant 16 : i32
        %dma_wait3A_723 = arith.constant 0 : i32
        %dma_wait3A_724 = tpu.memref_slice %arg7[%dma_wait3A_720, %dma_wait3A_722, %dma_wait3A_723] : memref<2x64x129xf32, #tpu.memory_space<vmem>> -> memref<1x8x128xf32, #tpu.memory_space<vmem>>
        %dma_wait3A_725 = tpu.memref_squeeze %dma_wait3A_724 : memref<1x8x128xf32, #tpu.memory_space<vmem>> -> memref<8x128xf32, #tpu.memory_space<vmem>>
        %dma_wait3A_726 = arith.constant 0 : i32
        %dma_wait3A_727 = arith.constant 0 : i32
        %dma_wait3A_728 = tpu.memref_slice %arg4[%sub3A_683, %dma_wait3A_721, %add3A, %dma_wait3A_726, %dma_wait3A_727] : memref<26x8x32x8x128xf32, #tpu.memory_space<hbm>> -> memref<1x1x1x8x128xf32, #tpu.memory_space<hbm>>
        %dma_wait3A_729 = tpu.memref_squeeze %dma_wait3A_728 : memref<1x1x1x8x128xf32, #tpu.memory_space<hbm>> -> memref<8x128xf32, #tpu.memory_space<hbm>>
        %dma_wait3A_730 = arith.constant 0 : i32
        %dma_wait3A_731 = arith.constant 0 : i32
        %dma_wait3A_732 = tpu.memref_slice %arg4[%sub3A_683, %dma_wait3A_721, %add3A, %dma_wait3A_730, %dma_wait3A_731] : memref<26x8x32x8x128xf32, #tpu.memory_space<hbm>> -> memref<1x1x1x8x128xf32, #tpu.memory_space<hbm>>
        %dma_wait3A_733 = tpu.memref_squeeze %dma_wait3A_732 : memref<1x1x1x8x128xf32, #tpu.memory_space<hbm>> -> memref<8x128xf32, #tpu.memory_space<hbm>>
        %dma_wait3A_734 = arith.constant 16 : i32
        %dma_wait3A_735 = arith.constant 0 : i32
        %dma_wait3A_736 = tpu.memref_slice %arg7[%dma_wait3A_720, %dma_wait3A_734, %dma_wait3A_735] : memref<2x64x129xf32, #tpu.memory_space<vmem>> -> memref<1x8x128xf32, #tpu.memory_space<vmem>>
        %dma_wait3A_737 = tpu.memref_squeeze %dma_wait3A_736 : memref<1x8x128xf32, #tpu.memory_space<vmem>> -> memref<8x128xf32, #tpu.memory_space<vmem>>
        tpu.wait_dma2 semaphore(%arg10 : memref<!tpu.dma_semaphore, #tpu.memory_space<semaphore_mem>>) src(%dma_wait3A_737 : memref<8x128xf32, #tpu.memory_space<vmem>>) dst(%dma_wait3A_733 : memref<8x128xf32, #tpu.memory_space<hbm>>)
        %dma_wait3A_738 = arith.constant 0 : i32
        %dma_wait3A_739 = arith.constant 3 : i32
        %dma_wait3A_740 = arith.constant 24 : i32
        %dma_wait3A_741 = arith.constant 0 : i32
        %dma_wait3A_742 = tpu.memref_slice %arg7[%dma_wait3A_738, %dma_wait3A_740, %dma_wait3A_741] : memref<2x64x129xf32, #tpu.memory_space<vmem>> -> memref<1x8x128xf32, #tpu.memory_space<vmem>>
        %dma_wait3A_743 = tpu.memref_squeeze %dma_wait3A_742 : memref<1x8x128xf32, #tpu.memory_space<vmem>> -> memref<8x128xf32, #tpu.memory_space<vmem>>
        %dma_wait3A_744 = arith.constant 0 : i32
        %dma_wait3A_745 = arith.constant 0 : i32
        %dma_wait3A_746 = tpu.memref_slice %arg4[%sub3A_683, %dma_wait3A_739, %add3A, %dma_wait3A_744, %dma_wait3A_745] : memref<26x8x32x8x128xf32, #tpu.memory_space<hbm>> -> memref<1x1x1x8x128xf32, #tpu.memory_space<hbm>>
        %dma_wait3A_747 = tpu.memref_squeeze %dma_wait3A_746 : memref<1x1x1x8x128xf32, #tpu.memory_space<hbm>> -> memref<8x128xf32, #tpu.memory_space<hbm>>
        %dma_wait3A_748 = arith.constant 0 : i32
        %dma_wait3A_749 = arith.constant 0 : i32
        %dma_wait3A_750 = tpu.memref_slice %arg4[%sub3A_683, %dma_wait3A_739, %add3A, %dma_wait3A_748, %dma_wait3A_749] : memref<26x8x32x8x128xf32, #tpu.memory_space<hbm>> -> memref<1x1x1x8x128xf32, #tpu.memory_space<hbm>>
        %dma_wait3A_751 = tpu.memref_squeeze %dma_wait3A_750 : memref<1x1x1x8x128xf32, #tpu.memory_space<hbm>> -> memref<8x128xf32, #tpu.memory_space<hbm>>
        %dma_wait3A_752 = arith.constant 24 : i32
        %dma_wait3A_753 = arith.constant 0 : i32
        %dma_wait3A_754 = tpu.memref_slice %arg7[%dma_wait3A_738, %dma_wait3A_752, %dma_wait3A_753] : memref<2x64x129xf32, #tpu.memory_space<vmem>> -> memref<1x8x128xf32, #tpu.memory_space<vmem>>
        %dma_wait3A_755 = tpu.memref_squeeze %dma_wait3A_754 : memref<1x8x128xf32, #tpu.memory_space<vmem>> -> memref<8x128xf32, #tpu.memory_space<vmem>>
        tpu.wait_dma2 semaphore(%arg10 : memref<!tpu.dma_semaphore, #tpu.memory_space<semaphore_mem>>) src(%dma_wait3A_755 : memref<8x128xf32, #tpu.memory_space<vmem>>) dst(%dma_wait3A_751 : memref<8x128xf32, #tpu.memory_space<hbm>>)
        %dma_wait3A_756 = arith.constant 0 : i32
        %dma_wait3A_757 = arith.constant 4 : i32
        %dma_wait3A_758 = arith.constant 32 : i32
        %dma_wait3A_759 = arith.constant 0 : i32
        %dma_wait3A_760 = tpu.memref_slice %arg7[%dma_wait3A_756, %dma_wait3A_758, %dma_wait3A_759] : memref<2x64x129xf32, #tpu.memory_space<vmem>> -> memref<1x8x128xf32, #tpu.memory_space<vmem>>
        %dma_wait3A_761 = tpu.memref_squeeze %dma_wait3A_760 : memref<1x8x128xf32, #tpu.memory_space<vmem>> -> memref<8x128xf32, #tpu.memory_space<vmem>>
        %dma_wait3A_762 = arith.constant 0 : i32
        %dma_wait3A_763 = arith.constant 0 : i32
        %dma_wait3A_764 = tpu.memref_slice %arg4[%sub3A_683, %dma_wait3A_757, %add3A, %dma_wait3A_762, %dma_wait3A_763] : memref<26x8x32x8x128xf32, #tpu.memory_space<hbm>> -> memref<1x1x1x8x128xf32, #tpu.memory_space<hbm>>
        %dma_wait3A_765 = tpu.memref_squeeze %dma_wait3A_764 : memref<1x1x1x8x128xf32, #tpu.memory_space<hbm>> -> memref<8x128xf32, #tpu.memory_space<hbm>>
        %dma_wait3A_766 = arith.constant 0 : i32
        %dma_wait3A_767 = arith.constant 0 : i32
        %dma_wait3A_768 = tpu.memref_slice %arg4[%sub3A_683, %dma_wait3A_757, %add3A, %dma_wait3A_766, %dma_wait3A_767] : memref<26x8x32x8x128xf32, #tpu.memory_space<hbm>> -> memref<1x1x1x8x128xf32, #tpu.memory_space<hbm>>
        %dma_wait3A_769 = tpu.memref_squeeze %dma_wait3A_768 : memref<1x1x1x8x128xf32, #tpu.memory_space<hbm>> -> memref<8x128xf32, #tpu.memory_space<hbm>>
        %dma_wait3A_770 = arith.constant 32 : i32
        %dma_wait3A_771 = arith.constant 0 : i32
        %dma_wait3A_772 = tpu.memref_slice %arg7[%dma_wait3A_756, %dma_wait3A_770, %dma_wait3A_771] : memref<2x64x129xf32, #tpu.memory_space<vmem>> -> memref<1x8x128xf32, #tpu.memory_space<vmem>>
        %dma_wait3A_773 = tpu.memref_squeeze %dma_wait3A_772 : memref<1x8x128xf32, #tpu.memory_space<vmem>> -> memref<8x128xf32, #tpu.memory_space<vmem>>
        tpu.wait_dma2 semaphore(%arg10 : memref<!tpu.dma_semaphore, #tpu.memory_space<semaphore_mem>>) src(%dma_wait3A_773 : memref<8x128xf32, #tpu.memory_space<vmem>>) dst(%dma_wait3A_769 : memref<8x128xf32, #tpu.memory_space<hbm>>)
        %dma_wait3A_774 = arith.constant 0 : i32
        %dma_wait3A_775 = arith.constant 5 : i32
        %dma_wait3A_776 = arith.constant 40 : i32
        %dma_wait3A_777 = arith.constant 0 : i32
        %dma_wait3A_778 = tpu.memref_slice %arg7[%dma_wait3A_774, %dma_wait3A_776, %dma_wait3A_777] : memref<2x64x129xf32, #tpu.memory_space<vmem>> -> memref<1x8x128xf32, #tpu.memory_space<vmem>>
        %dma_wait3A_779 = tpu.memref_squeeze %dma_wait3A_778 : memref<1x8x128xf32, #tpu.memory_space<vmem>> -> memref<8x128xf32, #tpu.memory_space<vmem>>
        %dma_wait3A_780 = arith.constant 0 : i32
        %dma_wait3A_781 = arith.constant 0 : i32
        %dma_wait3A_782 = tpu.memref_slice %arg4[%sub3A_683, %dma_wait3A_775, %add3A, %dma_wait3A_780, %dma_wait3A_781] : memref<26x8x32x8x128xf32, #tpu.memory_space<hbm>> -> memref<1x1x1x8x128xf32, #tpu.memory_space<hbm>>
        %dma_wait3A_783 = tpu.memref_squeeze %dma_wait3A_782 : memref<1x1x1x8x128xf32, #tpu.memory_space<hbm>> -> memref<8x128xf32, #tpu.memory_space<hbm>>
        %dma_wait3A_784 = arith.constant 0 : i32
        %dma_wait3A_785 = arith.constant 0 : i32
        %dma_wait3A_786 = tpu.memref_slice %arg4[%sub3A_683, %dma_wait3A_775, %add3A, %dma_wait3A_784, %dma_wait3A_785] : memref<26x8x32x8x128xf32, #tpu.memory_space<hbm>> -> memref<1x1x1x8x128xf32, #tpu.memory_space<hbm>>
        %dma_wait3A_787 = tpu.memref_squeeze %dma_wait3A_786 : memref<1x1x1x8x128xf32, #tpu.memory_space<hbm>> -> memref<8x128xf32, #tpu.memory_space<hbm>>
        %dma_wait3A_788 = arith.constant 40 : i32
        %dma_wait3A_789 = arith.constant 0 : i32
        %dma_wait3A_790 = tpu.memref_slice %arg7[%dma_wait3A_774, %dma_wait3A_788, %dma_wait3A_789] : memref<2x64x129xf32, #tpu.memory_space<vmem>> -> memref<1x8x128xf32, #tpu.memory_space<vmem>>
        %dma_wait3A_791 = tpu.memref_squeeze %dma_wait3A_790 : memref<1x8x128xf32, #tpu.memory_space<vmem>> -> memref<8x128xf32, #tpu.memory_space<vmem>>
        tpu.wait_dma2 semaphore(%arg10 : memref<!tpu.dma_semaphore, #tpu.memory_space<semaphore_mem>>) src(%dma_wait3A_791 : memref<8x128xf32, #tpu.memory_space<vmem>>) dst(%dma_wait3A_787 : memref<8x128xf32, #tpu.memory_space<hbm>>)
        %dma_wait3A_792 = arith.constant 0 : i32
        %dma_wait3A_793 = arith.constant 6 : i32
        %dma_wait3A_794 = arith.constant 48 : i32
        %dma_wait3A_795 = arith.constant 0 : i32
        %dma_wait3A_796 = tpu.memref_slice %arg7[%dma_wait3A_792, %dma_wait3A_794, %dma_wait3A_795] : memref<2x64x129xf32, #tpu.memory_space<vmem>> -> memref<1x8x128xf32, #tpu.memory_space<vmem>>
        %dma_wait3A_797 = tpu.memref_squeeze %dma_wait3A_796 : memref<1x8x128xf32, #tpu.memory_space<vmem>> -> memref<8x128xf32, #tpu.memory_space<vmem>>
        %dma_wait3A_798 = arith.constant 0 : i32
        %dma_wait3A_799 = arith.constant 0 : i32
        %dma_wait3A_800 = tpu.memref_slice %arg4[%sub3A_683, %dma_wait3A_793, %add3A, %dma_wait3A_798, %dma_wait3A_799] : memref<26x8x32x8x128xf32, #tpu.memory_space<hbm>> -> memref<1x1x1x8x128xf32, #tpu.memory_space<hbm>>
        %dma_wait3A_801 = tpu.memref_squeeze %dma_wait3A_800 : memref<1x1x1x8x128xf32, #tpu.memory_space<hbm>> -> memref<8x128xf32, #tpu.memory_space<hbm>>
        %dma_wait3A_802 = arith.constant 0 : i32
        %dma_wait3A_803 = arith.constant 0 : i32
        %dma_wait3A_804 = tpu.memref_slice %arg4[%sub3A_683, %dma_wait3A_793, %add3A, %dma_wait3A_802, %dma_wait3A_803] : memref<26x8x32x8x128xf32, #tpu.memory_space<hbm>> -> memref<1x1x1x8x128xf32, #tpu.memory_space<hbm>>
        %dma_wait3A_805 = tpu.memref_squeeze %dma_wait3A_804 : memref<1x1x1x8x128xf32, #tpu.memory_space<hbm>> -> memref<8x128xf32, #tpu.memory_space<hbm>>
        %dma_wait3A_806 = arith.constant 48 : i32
        %dma_wait3A_807 = arith.constant 0 : i32
        %dma_wait3A_808 = tpu.memref_slice %arg7[%dma_wait3A_792, %dma_wait3A_806, %dma_wait3A_807] : memref<2x64x129xf32, #tpu.memory_space<vmem>> -> memref<1x8x128xf32, #tpu.memory_space<vmem>>
        %dma_wait3A_809 = tpu.memref_squeeze %dma_wait3A_808 : memref<1x8x128xf32, #tpu.memory_space<vmem>> -> memref<8x128xf32, #tpu.memory_space<vmem>>
        tpu.wait_dma2 semaphore(%arg10 : memref<!tpu.dma_semaphore, #tpu.memory_space<semaphore_mem>>) src(%dma_wait3A_809 : memref<8x128xf32, #tpu.memory_space<vmem>>) dst(%dma_wait3A_805 : memref<8x128xf32, #tpu.memory_space<hbm>>)
        %dma_wait3A_810 = arith.constant 0 : i32
        %dma_wait3A_811 = arith.constant 7 : i32
        %dma_wait3A_812 = arith.constant 56 : i32
        %dma_wait3A_813 = arith.constant 0 : i32
        %dma_wait3A_814 = tpu.memref_slice %arg7[%dma_wait3A_810, %dma_wait3A_812, %dma_wait3A_813] : memref<2x64x129xf32, #tpu.memory_space<vmem>> -> memref<1x8x128xf32, #tpu.memory_space<vmem>>
        %dma_wait3A_815 = tpu.memref_squeeze %dma_wait3A_814 : memref<1x8x128xf32, #tpu.memory_space<vmem>> -> memref<8x128xf32, #tpu.memory_space<vmem>>
        %dma_wait3A_816 = arith.constant 0 : i32
        %dma_wait3A_817 = arith.constant 0 : i32
        %dma_wait3A_818 = tpu.memref_slice %arg4[%sub3A_683, %dma_wait3A_811, %add3A, %dma_wait3A_816, %dma_wait3A_817] : memref<26x8x32x8x128xf32, #tpu.memory_space<hbm>> -> memref<1x1x1x8x128xf32, #tpu.memory_space<hbm>>
        %dma_wait3A_819 = tpu.memref_squeeze %dma_wait3A_818 : memref<1x1x1x8x128xf32, #tpu.memory_space<hbm>> -> memref<8x128xf32, #tpu.memory_space<hbm>>
        %dma_wait3A_820 = arith.constant 0 : i32
        %dma_wait3A_821 = arith.constant 0 : i32
        %dma_wait3A_822 = tpu.memref_slice %arg4[%sub3A_683, %dma_wait3A_811, %add3A, %dma_wait3A_820, %dma_wait3A_821] : memref<26x8x32x8x128xf32, #tpu.memory_space<hbm>> -> memref<1x1x1x8x128xf32, #tpu.memory_space<hbm>>
        %dma_wait3A_823 = tpu.memref_squeeze %dma_wait3A_822 : memref<1x1x1x8x128xf32, #tpu.memory_space<hbm>> -> memref<8x128xf32, #tpu.memory_space<hbm>>
        %dma_wait3A_824 = arith.constant 56 : i32
        %dma_wait3A_825 = arith.constant 0 : i32
        %dma_wait3A_826 = tpu.memref_slice %arg7[%dma_wait3A_810, %dma_wait3A_824, %dma_wait3A_825] : memref<2x64x129xf32, #tpu.memory_space<vmem>> -> memref<1x8x128xf32, #tpu.memory_space<vmem>>
        %dma_wait3A_827 = tpu.memref_squeeze %dma_wait3A_826 : memref<1x8x128xf32, #tpu.memory_space<vmem>> -> memref<8x128xf32, #tpu.memory_space<vmem>>
        tpu.wait_dma2 semaphore(%arg10 : memref<!tpu.dma_semaphore, #tpu.memory_space<semaphore_mem>>) src(%dma_wait3A_827 : memref<8x128xf32, #tpu.memory_space<vmem>>) dst(%dma_wait3A_823 : memref<8x128xf32, #tpu.memory_space<hbm>>)
      } else {
      }
      %scan3A_356 = arith.constant 0 : i32
      %scan3A_357 = arith.constant 0 : i32
      %scan3A_358 = arith.constant 16 : i32
      %scan3A_359 = arith.addi %scan3A_357, %scan3A_358 : i32
      %scan3A_360 = arith.constant 1 : i32
      scf.for %scan3A_683 = %scan3A_357 to %scan3A_359 step %scan3A_360  : i32 {
        %mul3A_684 = arith.constant 8 : i32
        %mul3A_685 = arith.muli %scan3A_683, %mul3A_684 : i32
        %add3A_686 = arith.constant 0 : i32
        %add3A_687 = arith.addi %mul3A_685, %add3A_686 : i32
        %broadcast_in_dim3A = vector.broadcast %add3A_687 : i32 to vector<16xi32>
        %get3A = arith.constant 0 : i32
        %get3A_688 = arith.index_cast %get3A : i32 to index
        %get3A_689 = arith.index_cast %add3A_687 : i32 to index
        %get3A_690 = arith.constant 0 : index
        %get3A_691 = tpu.vector_load %arg6[%get3A_688, %get3A_689, %get3A_690] {strides = array<i32>} : memref<2x128x64xf32, #tpu.memory_space<vmem>>, vector<16xf32>,
        %scatter3A = arith.constant 0 : i32
        %scatter3A_692 = arith.constant 0 : i32
        %scatter3A_693 = arith.constant 0 : i32
        %scatter3A_694 = tpu.memref_slice %arg7[%scatter3A, %scatter3A_692, %scatter3A_693] : memref<2x64x129xf32, #tpu.memory_space<vmem>> -> memref<1x64x129xf32, #tpu.memory_space<vmem>>
        %scatter3A_695 = tpu.memref_squeeze %scatter3A_694 : memref<1x64x129xf32, #tpu.memory_space<vmem>> -> memref<64x129xf32, #tpu.memory_space<vmem>>
        tpu.vector_store_idx %scatter3A_695[%add3A_3, %broadcast_in_dim3A], %get3A_691 : memref<64x129xf32, #tpu.memory_space<vmem>>[vector<16xi32>, vector<16xi32>], vector<16xf32>,
        %get3A_696 = arith.constant 0 : i32
        %get3A_697 = arith.index_cast %get3A_696 : i32 to index
        %get3A_698 = arith.index_cast %add3A_687 : i32 to index
        %get3A_699 = arith.constant 16 : index
        %get3A_700 = tpu.vector_load %arg6[%get3A_697, %get3A_698, %get3A_699] {strides = array<i32>} : memref<2x128x64xf32, #tpu.memory_space<vmem>>, vector<16xf32>,
        %scatter3A_701 = arith.constant 0 : i32
        %scatter3A_702 = arith.constant 0 : i32
        %scatter3A_703 = arith.constant 0 : i32
        %scatter3A_704 = tpu.memref_slice %arg7[%scatter3A_701, %scatter3A_702, %scatter3A_703] : memref<2x64x129xf32, #tpu.memory_space<vmem>> -> memref<1x64x129xf32, #tpu.memory_space<vmem>>
        %scatter3A_705 = tpu.memref_squeeze %scatter3A_704 : memref<1x64x129xf32, #tpu.memory_space<vmem>> -> memref<64x129xf32, #tpu.memory_space<vmem>>
        tpu.vector_store_idx %scatter3A_705[%add3A_6, %broadcast_in_dim3A], %get3A_700 : memref<64x129xf32, #tpu.memory_space<vmem>>[vector<16xi32>, vector<16xi32>], vector<16xf32>,
        %get3A_706 = arith.constant 0 : i32
        %get3A_707 = arith.index_cast %get3A_706 : i32 to index
        %get3A_708 = arith.index_cast %add3A_687 : i32 to index
        %get3A_709 = arith.constant 32 : index
        %get3A_710 = tpu.vector_load %arg6[%get3A_707, %get3A_708, %get3A_709] {strides = array<i32>} : memref<2x128x64xf32, #tpu.memory_space<vmem>>, vector<16xf32>,
        %scatter3A_711 = arith.constant 0 : i32
        %scatter3A_712 = arith.constant 0 : i32
        %scatter3A_713 = arith.constant 0 : i32
        %scatter3A_714 = tpu.memref_slice %arg7[%scatter3A_711, %scatter3A_712, %scatter3A_713] : memref<2x64x129xf32, #tpu.memory_space<vmem>> -> memref<1x64x129xf32, #tpu.memory_space<vmem>>
        %scatter3A_715 = tpu.memref_squeeze %scatter3A_714 : memref<1x64x129xf32, #tpu.memory_space<vmem>> -> memref<64x129xf32, #tpu.memory_space<vmem>>
        tpu.vector_store_idx %scatter3A_715[%add3A_9, %broadcast_in_dim3A], %get3A_710 : memref<64x129xf32, #tpu.memory_space<vmem>>[vector<16xi32>, vector<16xi32>], vector<16xf32>,
        %get3A_716 = arith.constant 0 : i32
        %get3A_717 = arith.index_cast %get3A_716 : i32 to index
        %get3A_718 = arith.index_cast %add3A_687 : i32 to index
        %get3A_719 = arith.constant 48 : index
        %get3A_720 = tpu.vector_load %arg6[%get3A_717, %get3A_718, %get3A_719] {strides = array<i32>} : memref<2x128x64xf32, #tpu.memory_space<vmem>>, vector<16xf32>,
        %scatter3A_721 = arith.constant 0 : i32
        %scatter3A_722 = arith.constant 0 : i32
        %scatter3A_723 = arith.constant 0 : i32
        %scatter3A_724 = tpu.memref_slice %arg7[%scatter3A_721, %scatter3A_722, %scatter3A_723] : memref<2x64x129xf32, #tpu.memory_space<vmem>> -> memref<1x64x129xf32, #tpu.memory_space<vmem>>
        %scatter3A_725 = tpu.memref_squeeze %scatter3A_724 : memref<1x64x129xf32, #tpu.memory_space<vmem>> -> memref<64x129xf32, #tpu.memory_space<vmem>>
        tpu.vector_store_idx %scatter3A_725[%add3A_12, %broadcast_in_dim3A], %get3A_720 : memref<64x129xf32, #tpu.memory_space<vmem>>[vector<16xi32>, vector<16xi32>], vector<16xf32>,
        %add3A_726 = arith.constant 1 : i32
        %add3A_727 = arith.addi %mul3A_685, %add3A_726 : i32
        %broadcast_in_dim3A_728 = vector.broadcast %add3A_727 : i32 to vector<16xi32>
        %get3A_729 = arith.constant 0 : i32
        %get3A_730 = arith.index_cast %get3A_729 : i32 to index
        %get3A_731 = arith.index_cast %add3A_727 : i32 to index
        %get3A_732 = arith.constant 0 : index
        %get3A_733 = tpu.vector_load %arg6[%get3A_730, %get3A_731, %get3A_732] {strides = array<i32>} : memref<2x128x64xf32, #tpu.memory_space<vmem>>, vector<16xf32>,
        %scatter3A_734 = arith.constant 0 : i32
        %scatter3A_735 = arith.constant 0 : i32
        %scatter3A_736 = arith.constant 0 : i32
        %scatter3A_737 = tpu.memref_slice %arg7[%scatter3A_734, %scatter3A_735, %scatter3A_736] : memref<2x64x129xf32, #tpu.memory_space<vmem>> -> memref<1x64x129xf32, #tpu.memory_space<vmem>>
        %scatter3A_738 = tpu.memref_squeeze %scatter3A_737 : memref<1x64x129xf32, #tpu.memory_space<vmem>> -> memref<64x129xf32, #tpu.memory_space<vmem>>
        tpu.vector_store_idx %scatter3A_738[%add3A_3, %broadcast_in_dim3A_728], %get3A_733 : memref<64x129xf32, #tpu.memory_space<vmem>>[vector<16xi32>, vector<16xi32>], vector<16xf32>,
        %get3A_739 = arith.constant 0 : i32
        %get3A_740 = arith.index_cast %get3A_739 : i32 to index
        %get3A_741 = arith.index_cast %add3A_727 : i32 to index
        %get3A_742 = arith.constant 16 : index
        %get3A_743 = tpu.vector_load %arg6[%get3A_740, %get3A_741, %get3A_742] {strides = array<i32>} : memref<2x128x64xf32, #tpu.memory_space<vmem>>, vector<16xf32>,
        %scatter3A_744 = arith.constant 0 : i32
        %scatter3A_745 = arith.constant 0 : i32
        %scatter3A_746 = arith.constant 0 : i32
        %scatter3A_747 = tpu.memref_slice %arg7[%scatter3A_744, %scatter3A_745, %scatter3A_746] : memref<2x64x129xf32, #tpu.memory_space<vmem>> -> memref<1x64x129xf32, #tpu.memory_space<vmem>>
        %scatter3A_748 = tpu.memref_squeeze %scatter3A_747 : memref<1x64x129xf32, #tpu.memory_space<vmem>> -> memref<64x129xf32, #tpu.memory_space<vmem>>
        tpu.vector_store_idx %scatter3A_748[%add3A_6, %broadcast_in_dim3A_728], %get3A_743 : memref<64x129xf32, #tpu.memory_space<vmem>>[vector<16xi32>, vector<16xi32>], vector<16xf32>,
        %get3A_749 = arith.constant 0 : i32
        %get3A_750 = arith.index_cast %get3A_749 : i32 to index
        %get3A_751 = arith.index_cast %add3A_727 : i32 to index
        %get3A_752 = arith.constant 32 : index
        %get3A_753 = tpu.vector_load %arg6[%get3A_750, %get3A_751, %get3A_752] {strides = array<i32>} : memref<2x128x64xf32, #tpu.memory_space<vmem>>, vector<16xf32>,
        %scatter3A_754 = arith.constant 0 : i32
        %scatter3A_755 = arith.constant 0 : i32
        %scatter3A_756 = arith.constant 0 : i32
        %scatter3A_757 = tpu.memref_slice %arg7[%scatter3A_754, %scatter3A_755, %scatter3A_756] : memref<2x64x129xf32, #tpu.memory_space<vmem>> -> memref<1x64x129xf32, #tpu.memory_space<vmem>>
        %scatter3A_758 = tpu.memref_squeeze %scatter3A_757 : memref<1x64x129xf32, #tpu.memory_space<vmem>> -> memref<64x129xf32, #tpu.memory_space<vmem>>
        tpu.vector_store_idx %scatter3A_758[%add3A_9, %broadcast_in_dim3A_728], %get3A_753 : memref<64x129xf32, #tpu.memory_space<vmem>>[vector<16xi32>, vector<16xi32>], vector<16xf32>,
        %get3A_759 = arith.constant 0 : i32
        %get3A_760 = arith.index_cast %get3A_759 : i32 to index
        %get3A_761 = arith.index_cast %add3A_727 : i32 to index
        %get3A_762 = arith.constant 48 : index
        %get3A_763 = tpu.vector_load %arg6[%get3A_760, %get3A_761, %get3A_762] {strides = array<i32>} : memref<2x128x64xf32, #tpu.memory_space<vmem>>, vector<16xf32>,
        %scatter3A_764 = arith.constant 0 : i32
        %scatter3A_765 = arith.constant 0 : i32
        %scatter3A_766 = arith.constant 0 : i32
        %scatter3A_767 = tpu.memref_slice %arg7[%scatter3A_764, %scatter3A_765, %scatter3A_766] : memref<2x64x129xf32, #tpu.memory_space<vmem>> -> memref<1x64x129xf32, #tpu.memory_space<vmem>>
        %scatter3A_768 = tpu.memref_squeeze %scatter3A_767 : memref<1x64x129xf32, #tpu.memory_space<vmem>> -> memref<64x129xf32, #tpu.memory_space<vmem>>
        tpu.vector_store_idx %scatter3A_768[%add3A_12, %broadcast_in_dim3A_728], %get3A_763 : memref<64x129xf32, #tpu.memory_space<vmem>>[vector<16xi32>, vector<16xi32>], vector<16xf32>,
        %add3A_769 = arith.constant 2 : i32
        %add3A_770 = arith.addi %mul3A_685, %add3A_769 : i32
        %broadcast_in_dim3A_771 = vector.broadcast %add3A_770 : i32 to vector<16xi32>
        %get3A_772 = arith.constant 0 : i32
        %get3A_773 = arith.index_cast %get3A_772 : i32 to index
        %get3A_774 = arith.index_cast %add3A_770 : i32 to index
        %get3A_775 = arith.constant 0 : index
        %get3A_776 = tpu.vector_load %arg6[%get3A_773, %get3A_774, %get3A_775] {strides = array<i32>} : memref<2x128x64xf32, #tpu.memory_space<vmem>>, vector<16xf32>,
        %scatter3A_777 = arith.constant 0 : i32
        %scatter3A_778 = arith.constant 0 : i32
        %scatter3A_779 = arith.constant 0 : i32
        %scatter3A_780 = tpu.memref_slice %arg7[%scatter3A_777, %scatter3A_778, %scatter3A_779] : memref<2x64x129xf32, #tpu.memory_space<vmem>> -> memref<1x64x129xf32, #tpu.memory_space<vmem>>
        %scatter3A_781 = tpu.memref_squeeze %scatter3A_780 : memref<1x64x129xf32, #tpu.memory_space<vmem>> -> memref<64x129xf32, #tpu.memory_space<vmem>>
        tpu.vector_store_idx %scatter3A_781[%add3A_3, %broadcast_in_dim3A_771], %get3A_776 : memref<64x129xf32, #tpu.memory_space<vmem>>[vector<16xi32>, vector<16xi32>], vector<16xf32>,
        %get3A_782 = arith.constant 0 : i32
        %get3A_783 = arith.index_cast %get3A_782 : i32 to index
        %get3A_784 = arith.index_cast %add3A_770 : i32 to index
        %get3A_785 = arith.constant 16 : index
        %get3A_786 = tpu.vector_load %arg6[%get3A_783, %get3A_784, %get3A_785] {strides = array<i32>} : memref<2x128x64xf32, #tpu.memory_space<vmem>>, vector<16xf32>,
        %scatter3A_787 = arith.constant 0 : i32
        %scatter3A_788 = arith.constant 0 : i32
        %scatter3A_789 = arith.constant 0 : i32
        %scatter3A_790 = tpu.memref_slice %arg7[%scatter3A_787, %scatter3A_788, %scatter3A_789] : memref<2x64x129xf32, #tpu.memory_space<vmem>> -> memref<1x64x129xf32, #tpu.memory_space<vmem>>
        %scatter3A_791 = tpu.memref_squeeze %scatter3A_790 : memref<1x64x129xf32, #tpu.memory_space<vmem>> -> memref<64x129xf32, #tpu.memory_space<vmem>>
        tpu.vector_store_idx %scatter3A_791[%add3A_6, %broadcast_in_dim3A_771], %get3A_786 : memref<64x129xf32, #tpu.memory_space<vmem>>[vector<16xi32>, vector<16xi32>], vector<16xf32>,
        %get3A_792 = arith.constant 0 : i32
        %get3A_793 = arith.index_cast %get3A_792 : i32 to index
        %get3A_794 = arith.index_cast %add3A_770 : i32 to index
        %get3A_795 = arith.constant 32 : index
        %get3A_796 = tpu.vector_load %arg6[%get3A_793, %get3A_794, %get3A_795] {strides = array<i32>} : memref<2x128x64xf32, #tpu.memory_space<vmem>>, vector<16xf32>,
        %scatter3A_797 = arith.constant 0 : i32
        %scatter3A_798 = arith.constant 0 : i32
        %scatter3A_799 = arith.constant 0 : i32
        %scatter3A_800 = tpu.memref_slice %arg7[%scatter3A_797, %scatter3A_798, %scatter3A_799] : memref<2x64x129xf32, #tpu.memory_space<vmem>> -> memref<1x64x129xf32, #tpu.memory_space<vmem>>
        %scatter3A_801 = tpu.memref_squeeze %scatter3A_800 : memref<1x64x129xf32, #tpu.memory_space<vmem>> -> memref<64x129xf32, #tpu.memory_space<vmem>>
        tpu.vector_store_idx %scatter3A_801[%add3A_9, %broadcast_in_dim3A_771], %get3A_796 : memref<64x129xf32, #tpu.memory_space<vmem>>[vector<16xi32>, vector<16xi32>], vector<16xf32>,
        %get3A_802 = arith.constant 0 : i32
        %get3A_803 = arith.index_cast %get3A_802 : i32 to index
        %get3A_804 = arith.index_cast %add3A_770 : i32 to index
        %get3A_805 = arith.constant 48 : index
        %get3A_806 = tpu.vector_load %arg6[%get3A_803, %get3A_804, %get3A_805] {strides = array<i32>} : memref<2x128x64xf32, #tpu.memory_space<vmem>>, vector<16xf32>,
        %scatter3A_807 = arith.constant 0 : i32
        %scatter3A_808 = arith.constant 0 : i32
        %scatter3A_809 = arith.constant 0 : i32
        %scatter3A_810 = tpu.memref_slice %arg7[%scatter3A_807, %scatter3A_808, %scatter3A_809] : memref<2x64x129xf32, #tpu.memory_space<vmem>> -> memref<1x64x129xf32, #tpu.memory_space<vmem>>
        %scatter3A_811 = tpu.memref_squeeze %scatter3A_810 : memref<1x64x129xf32, #tpu.memory_space<vmem>> -> memref<64x129xf32, #tpu.memory_space<vmem>>
        tpu.vector_store_idx %scatter3A_811[%add3A_12, %broadcast_in_dim3A_771], %get3A_806 : memref<64x129xf32, #tpu.memory_space<vmem>>[vector<16xi32>, vector<16xi32>], vector<16xf32>,
        %add3A_812 = arith.constant 3 : i32
        %add3A_813 = arith.addi %mul3A_685, %add3A_812 : i32
        %broadcast_in_dim3A_814 = vector.broadcast %add3A_813 : i32 to vector<16xi32>
        %get3A_815 = arith.constant 0 : i32
        %get3A_816 = arith.index_cast %get3A_815 : i32 to index
        %get3A_817 = arith.index_cast %add3A_813 : i32 to index
        %get3A_818 = arith.constant 0 : index
        %get3A_819 = tpu.vector_load %arg6[%get3A_816, %get3A_817, %get3A_818] {strides = array<i32>} : memref<2x128x64xf32, #tpu.memory_space<vmem>>, vector<16xf32>,
        %scatter3A_820 = arith.constant 0 : i32
        %scatter3A_821 = arith.constant 0 : i32
        %scatter3A_822 = arith.constant 0 : i32
        %scatter3A_823 = tpu.memref_slice %arg7[%scatter3A_820, %scatter3A_821, %scatter3A_822] : memref<2x64x129xf32, #tpu.memory_space<vmem>> -> memref<1x64x129xf32, #tpu.memory_space<vmem>>
        %scatter3A_824 = tpu.memref_squeeze %scatter3A_823 : memref<1x64x129xf32, #tpu.memory_space<vmem>> -> memref<64x129xf32, #tpu.memory_space<vmem>>
        tpu.vector_store_idx %scatter3A_824[%add3A_3, %broadcast_in_dim3A_814], %get3A_819 : memref<64x129xf32, #tpu.memory_space<vmem>>[vector<16xi32>, vector<16xi32>], vector<16xf32>,
        %get3A_825 = arith.constant 0 : i32
        %get3A_826 = arith.index_cast %get3A_825 : i32 to index
        %get3A_827 = arith.index_cast %add3A_813 : i32 to index
        %get3A_828 = arith.constant 16 : index
        %get3A_829 = tpu.vector_load %arg6[%get3A_826, %get3A_827, %get3A_828] {strides = array<i32>} : memref<2x128x64xf32, #tpu.memory_space<vmem>>, vector<16xf32>,
        %scatter3A_830 = arith.constant 0 : i32
        %scatter3A_831 = arith.constant 0 : i32
        %scatter3A_832 = arith.constant 0 : i32
        %scatter3A_833 = tpu.memref_slice %arg7[%scatter3A_830, %scatter3A_831, %scatter3A_832] : memref<2x64x129xf32, #tpu.memory_space<vmem>> -> memref<1x64x129xf32, #tpu.memory_space<vmem>>
        %scatter3A_834 = tpu.memref_squeeze %scatter3A_833 : memref<1x64x129xf32, #tpu.memory_space<vmem>> -> memref<64x129xf32, #tpu.memory_space<vmem>>
        tpu.vector_store_idx %scatter3A_834[%add3A_6, %broadcast_in_dim3A_814], %get3A_829 : memref<64x129xf32, #tpu.memory_space<vmem>>[vector<16xi32>, vector<16xi32>], vector<16xf32>,
        %get3A_835 = arith.constant 0 : i32
        %get3A_836 = arith.index_cast %get3A_835 : i32 to index
        %get3A_837 = arith.index_cast %add3A_813 : i32 to index
        %get3A_838 = arith.constant 32 : index
        %get3A_839 = tpu.vector_load %arg6[%get3A_836, %get3A_837, %get3A_838] {strides = array<i32>} : memref<2x128x64xf32, #tpu.memory_space<vmem>>, vector<16xf32>,
        %scatter3A_840 = arith.constant 0 : i32
        %scatter3A_841 = arith.constant 0 : i32
        %scatter3A_842 = arith.constant 0 : i32
        %scatter3A_843 = tpu.memref_slice %arg7[%scatter3A_840, %scatter3A_841, %scatter3A_842] : memref<2x64x129xf32, #tpu.memory_space<vmem>> -> memref<1x64x129xf32, #tpu.memory_space<vmem>>
        %scatter3A_844 = tpu.memref_squeeze %scatter3A_843 : memref<1x64x129xf32, #tpu.memory_space<vmem>> -> memref<64x129xf32, #tpu.memory_space<vmem>>
        tpu.vector_store_idx %scatter3A_844[%add3A_9, %broadcast_in_dim3A_814], %get3A_839 : memref<64x129xf32, #tpu.memory_space<vmem>>[vector<16xi32>, vector<16xi32>], vector<16xf32>,
        %get3A_845 = arith.constant 0 : i32
        %get3A_846 = arith.index_cast %get3A_845 : i32 to index
        %get3A_847 = arith.index_cast %add3A_813 : i32 to index
        %get3A_848 = arith.constant 48 : index
        %get3A_849 = tpu.vector_load %arg6[%get3A_846, %get3A_847, %get3A_848] {strides = array<i32>} : memref<2x128x64xf32, #tpu.memory_space<vmem>>, vector<16xf32>,
        %scatter3A_850 = arith.constant 0 : i32
        %scatter3A_851 = arith.constant 0 : i32
        %scatter3A_852 = arith.constant 0 : i32
        %scatter3A_853 = tpu.memref_slice %arg7[%scatter3A_850, %scatter3A_851, %scatter3A_852] : memref<2x64x129xf32, #tpu.memory_space<vmem>> -> memref<1x64x129xf32, #tpu.memory_space<vmem>>
        %scatter3A_854 = tpu.memref_squeeze %scatter3A_853 : memref<1x64x129xf32, #tpu.memory_space<vmem>> -> memref<64x129xf32, #tpu.memory_space<vmem>>
        tpu.vector_store_idx %scatter3A_854[%add3A_12, %broadcast_in_dim3A_814], %get3A_849 : memref<64x129xf32, #tpu.memory_space<vmem>>[vector<16xi32>, vector<16xi32>], vector<16xf32>,
        %add3A_855 = arith.constant 4 : i32
        %add3A_856 = arith.addi %mul3A_685, %add3A_855 : i32
        %broadcast_in_dim3A_857 = vector.broadcast %add3A_856 : i32 to vector<16xi32>
        %get3A_858 = arith.constant 0 : i32
        %get3A_859 = arith.index_cast %get3A_858 : i32 to index
        %get3A_860 = arith.index_cast %add3A_856 : i32 to index
        %get3A_861 = arith.constant 0 : index
        %get3A_862 = tpu.vector_load %arg6[%get3A_859, %get3A_860, %get3A_861] {strides = array<i32>} : memref<2x128x64xf32, #tpu.memory_space<vmem>>, vector<16xf32>,
        %scatter3A_863 = arith.constant 0 : i32
        %scatter3A_864 = arith.constant 0 : i32
        %scatter3A_865 = arith.constant 0 : i32
        %scatter3A_866 = tpu.memref_slice %arg7[%scatter3A_863, %scatter3A_864, %scatter3A_865] : memref<2x64x129xf32, #tpu.memory_space<vmem>> -> memref<1x64x129xf32, #tpu.memory_space<vmem>>
        %scatter3A_867 = tpu.memref_squeeze %scatter3A_866 : memref<1x64x129xf32, #tpu.memory_space<vmem>> -> memref<64x129xf32, #tpu.memory_space<vmem>>
        tpu.vector_store_idx %scatter3A_867[%add3A_3, %broadcast_in_dim3A_857], %get3A_862 : memref<64x129xf32, #tpu.memory_space<vmem>>[vector<16xi32>, vector<16xi32>], vector<16xf32>,
        %get3A_868 = arith.constant 0 : i32
        %get3A_869 = arith.index_cast %get3A_868 : i32 to index
        %get3A_870 = arith.index_cast %add3A_856 : i32 to index
        %get3A_871 = arith.constant 16 : index
        %get3A_872 = tpu.vector_load %arg6[%get3A_869, %get3A_870, %get3A_871] {strides = array<i32>} : memref<2x128x64xf32, #tpu.memory_space<vmem>>, vector<16xf32>,
        %scatter3A_873 = arith.constant 0 : i32
        %scatter3A_874 = arith.constant 0 : i32
        %scatter3A_875 = arith.constant 0 : i32
        %scatter3A_876 = tpu.memref_slice %arg7[%scatter3A_873, %scatter3A_874, %scatter3A_875] : memref<2x64x129xf32, #tpu.memory_space<vmem>> -> memref<1x64x129xf32, #tpu.memory_space<vmem>>
        %scatter3A_877 = tpu.memref_squeeze %scatter3A_876 : memref<1x64x129xf32, #tpu.memory_space<vmem>> -> memref<64x129xf32, #tpu.memory_space<vmem>>
        tpu.vector_store_idx %scatter3A_877[%add3A_6, %broadcast_in_dim3A_857], %get3A_872 : memref<64x129xf32, #tpu.memory_space<vmem>>[vector<16xi32>, vector<16xi32>], vector<16xf32>,
        %get3A_878 = arith.constant 0 : i32
        %get3A_879 = arith.index_cast %get3A_878 : i32 to index
        %get3A_880 = arith.index_cast %add3A_856 : i32 to index
        %get3A_881 = arith.constant 32 : index
        %get3A_882 = tpu.vector_load %arg6[%get3A_879, %get3A_880, %get3A_881] {strides = array<i32>} : memref<2x128x64xf32, #tpu.memory_space<vmem>>, vector<16xf32>,
        %scatter3A_883 = arith.constant 0 : i32
        %scatter3A_884 = arith.constant 0 : i32
        %scatter3A_885 = arith.constant 0 : i32
        %scatter3A_886 = tpu.memref_slice %arg7[%scatter3A_883, %scatter3A_884, %scatter3A_885] : memref<2x64x129xf32, #tpu.memory_space<vmem>> -> memref<1x64x129xf32, #tpu.memory_space<vmem>>
        %scatter3A_887 = tpu.memref_squeeze %scatter3A_886 : memref<1x64x129xf32, #tpu.memory_space<vmem>> -> memref<64x129xf32, #tpu.memory_space<vmem>>
        tpu.vector_store_idx %scatter3A_887[%add3A_9, %broadcast_in_dim3A_857], %get3A_882 : memref<64x129xf32, #tpu.memory_space<vmem>>[vector<16xi32>, vector<16xi32>], vector<16xf32>,
        %get3A_888 = arith.constant 0 : i32
        %get3A_889 = arith.index_cast %get3A_888 : i32 to index
        %get3A_890 = arith.index_cast %add3A_856 : i32 to index
        %get3A_891 = arith.constant 48 : index
        %get3A_892 = tpu.vector_load %arg6[%get3A_889, %get3A_890, %get3A_891] {strides = array<i32>} : memref<2x128x64xf32, #tpu.memory_space<vmem>>, vector<16xf32>,
        %scatter3A_893 = arith.constant 0 : i32
        %scatter3A_894 = arith.constant 0 : i32
        %scatter3A_895 = arith.constant 0 : i32
        %scatter3A_896 = tpu.memref_slice %arg7[%scatter3A_893, %scatter3A_894, %scatter3A_895] : memref<2x64x129xf32, #tpu.memory_space<vmem>> -> memref<1x64x129xf32, #tpu.memory_space<vmem>>
        %scatter3A_897 = tpu.memref_squeeze %scatter3A_896 : memref<1x64x129xf32, #tpu.memory_space<vmem>> -> memref<64x129xf32, #tpu.memory_space<vmem>>
        tpu.vector_store_idx %scatter3A_897[%add3A_12, %broadcast_in_dim3A_857], %get3A_892 : memref<64x129xf32, #tpu.memory_space<vmem>>[vector<16xi32>, vector<16xi32>], vector<16xf32>,
        %add3A_898 = arith.constant 5 : i32
        %add3A_899 = arith.addi %mul3A_685, %add3A_898 : i32
        %broadcast_in_dim3A_900 = vector.broadcast %add3A_899 : i32 to vector<16xi32>
        %get3A_901 = arith.constant 0 : i32
        %get3A_902 = arith.index_cast %get3A_901 : i32 to index
        %get3A_903 = arith.index_cast %add3A_899 : i32 to index
        %get3A_904 = arith.constant 0 : index
        %get3A_905 = tpu.vector_load %arg6[%get3A_902, %get3A_903, %get3A_904] {strides = array<i32>} : memref<2x128x64xf32, #tpu.memory_space<vmem>>, vector<16xf32>,
        %scatter3A_906 = arith.constant 0 : i32
        %scatter3A_907 = arith.constant 0 : i32
        %scatter3A_908 = arith.constant 0 : i32
        %scatter3A_909 = tpu.memref_slice %arg7[%scatter3A_906, %scatter3A_907, %scatter3A_908] : memref<2x64x129xf32, #tpu.memory_space<vmem>> -> memref<1x64x129xf32, #tpu.memory_space<vmem>>
        %scatter3A_910 = tpu.memref_squeeze %scatter3A_909 : memref<1x64x129xf32, #tpu.memory_space<vmem>> -> memref<64x129xf32, #tpu.memory_space<vmem>>
        tpu.vector_store_idx %scatter3A_910[%add3A_3, %broadcast_in_dim3A_900], %get3A_905 : memref<64x129xf32, #tpu.memory_space<vmem>>[vector<16xi32>, vector<16xi32>], vector<16xf32>,
        %get3A_911 = arith.constant 0 : i32
        %get3A_912 = arith.index_cast %get3A_911 : i32 to index
        %get3A_913 = arith.index_cast %add3A_899 : i32 to index
        %get3A_914 = arith.constant 16 : index
        %get3A_915 = tpu.vector_load %arg6[%get3A_912, %get3A_913, %get3A_914] {strides = array<i32>} : memref<2x128x64xf32, #tpu.memory_space<vmem>>, vector<16xf32>,
        %scatter3A_916 = arith.constant 0 : i32
        %scatter3A_917 = arith.constant 0 : i32
        %scatter3A_918 = arith.constant 0 : i32
        %scatter3A_919 = tpu.memref_slice %arg7[%scatter3A_916, %scatter3A_917, %scatter3A_918] : memref<2x64x129xf32, #tpu.memory_space<vmem>> -> memref<1x64x129xf32, #tpu.memory_space<vmem>>
        %scatter3A_920 = tpu.memref_squeeze %scatter3A_919 : memref<1x64x129xf32, #tpu.memory_space<vmem>> -> memref<64x129xf32, #tpu.memory_space<vmem>>
        tpu.vector_store_idx %scatter3A_920[%add3A_6, %broadcast_in_dim3A_900], %get3A_915 : memref<64x129xf32, #tpu.memory_space<vmem>>[vector<16xi32>, vector<16xi32>], vector<16xf32>,
        %get3A_921 = arith.constant 0 : i32
        %get3A_922 = arith.index_cast %get3A_921 : i32 to index
        %get3A_923 = arith.index_cast %add3A_899 : i32 to index
        %get3A_924 = arith.constant 32 : index
        %get3A_925 = tpu.vector_load %arg6[%get3A_922, %get3A_923, %get3A_924] {strides = array<i32>} : memref<2x128x64xf32, #tpu.memory_space<vmem>>, vector<16xf32>,
        %scatter3A_926 = arith.constant 0 : i32
        %scatter3A_927 = arith.constant 0 : i32
        %scatter3A_928 = arith.constant 0 : i32
        %scatter3A_929 = tpu.memref_slice %arg7[%scatter3A_926, %scatter3A_927, %scatter3A_928] : memref<2x64x129xf32, #tpu.memory_space<vmem>> -> memref<1x64x129xf32, #tpu.memory_space<vmem>>
        %scatter3A_930 = tpu.memref_squeeze %scatter3A_929 : memref<1x64x129xf32, #tpu.memory_space<vmem>> -> memref<64x129xf32, #tpu.memory_space<vmem>>
        tpu.vector_store_idx %scatter3A_930[%add3A_9, %broadcast_in_dim3A_900], %get3A_925 : memref<64x129xf32, #tpu.memory_space<vmem>>[vector<16xi32>, vector<16xi32>], vector<16xf32>,
        %get3A_931 = arith.constant 0 : i32
        %get3A_932 = arith.index_cast %get3A_931 : i32 to index
        %get3A_933 = arith.index_cast %add3A_899 : i32 to index
        %get3A_934 = arith.constant 48 : index
        %get3A_935 = tpu.vector_load %arg6[%get3A_932, %get3A_933, %get3A_934] {strides = array<i32>} : memref<2x128x64xf32, #tpu.memory_space<vmem>>, vector<16xf32>,
        %scatter3A_936 = arith.constant 0 : i32
        %scatter3A_937 = arith.constant 0 : i32
        %scatter3A_938 = arith.constant 0 : i32
        %scatter3A_939 = tpu.memref_slice %arg7[%scatter3A_936, %scatter3A_937, %scatter3A_938] : memref<2x64x129xf32, #tpu.memory_space<vmem>> -> memref<1x64x129xf32, #tpu.memory_space<vmem>>
        %scatter3A_940 = tpu.memref_squeeze %scatter3A_939 : memref<1x64x129xf32, #tpu.memory_space<vmem>> -> memref<64x129xf32, #tpu.memory_space<vmem>>
        tpu.vector_store_idx %scatter3A_940[%add3A_12, %broadcast_in_dim3A_900], %get3A_935 : memref<64x129xf32, #tpu.memory_space<vmem>>[vector<16xi32>, vector<16xi32>], vector<16xf32>,
        %add3A_941 = arith.constant 6 : i32
        %add3A_942 = arith.addi %mul3A_685, %add3A_941 : i32
        %broadcast_in_dim3A_943 = vector.broadcast %add3A_942 : i32 to vector<16xi32>
        %get3A_944 = arith.constant 0 : i32
        %get3A_945 = arith.index_cast %get3A_944 : i32 to index
        %get3A_946 = arith.index_cast %add3A_942 : i32 to index
        %get3A_947 = arith.constant 0 : index
        %get3A_948 = tpu.vector_load %arg6[%get3A_945, %get3A_946, %get3A_947] {strides = array<i32>} : memref<2x128x64xf32, #tpu.memory_space<vmem>>, vector<16xf32>,
        %scatter3A_949 = arith.constant 0 : i32
        %scatter3A_950 = arith.constant 0 : i32
        %scatter3A_951 = arith.constant 0 : i32
        %scatter3A_952 = tpu.memref_slice %arg7[%scatter3A_949, %scatter3A_950, %scatter3A_951] : memref<2x64x129xf32, #tpu.memory_space<vmem>> -> memref<1x64x129xf32, #tpu.memory_space<vmem>>
        %scatter3A_953 = tpu.memref_squeeze %scatter3A_952 : memref<1x64x129xf32, #tpu.memory_space<vmem>> -> memref<64x129xf32, #tpu.memory_space<vmem>>
        tpu.vector_store_idx %scatter3A_953[%add3A_3, %broadcast_in_dim3A_943], %get3A_948 : memref<64x129xf32, #tpu.memory_space<vmem>>[vector<16xi32>, vector<16xi32>], vector<16xf32>,
        %get3A_954 = arith.constant 0 : i32
        %get3A_955 = arith.index_cast %get3A_954 : i32 to index
        %get3A_956 = arith.index_cast %add3A_942 : i32 to index
        %get3A_957 = arith.constant 16 : index
        %get3A_958 = tpu.vector_load %arg6[%get3A_955, %get3A_956, %get3A_957] {strides = array<i32>} : memref<2x128x64xf32, #tpu.memory_space<vmem>>, vector<16xf32>,
        %scatter3A_959 = arith.constant 0 : i32
        %scatter3A_960 = arith.constant 0 : i32
        %scatter3A_961 = arith.constant 0 : i32
        %scatter3A_962 = tpu.memref_slice %arg7[%scatter3A_959, %scatter3A_960, %scatter3A_961] : memref<2x64x129xf32, #tpu.memory_space<vmem>> -> memref<1x64x129xf32, #tpu.memory_space<vmem>>
        %scatter3A_963 = tpu.memref_squeeze %scatter3A_962 : memref<1x64x129xf32, #tpu.memory_space<vmem>> -> memref<64x129xf32, #tpu.memory_space<vmem>>
        tpu.vector_store_idx %scatter3A_963[%add3A_6, %broadcast_in_dim3A_943], %get3A_958 : memref<64x129xf32, #tpu.memory_space<vmem>>[vector<16xi32>, vector<16xi32>], vector<16xf32>,
        %get3A_964 = arith.constant 0 : i32
        %get3A_965 = arith.index_cast %get3A_964 : i32 to index
        %get3A_966 = arith.index_cast %add3A_942 : i32 to index
        %get3A_967 = arith.constant 32 : index
        %get3A_968 = tpu.vector_load %arg6[%get3A_965, %get3A_966, %get3A_967] {strides = array<i32>} : memref<2x128x64xf32, #tpu.memory_space<vmem>>, vector<16xf32>,
        %scatter3A_969 = arith.constant 0 : i32
        %scatter3A_970 = arith.constant 0 : i32
        %scatter3A_971 = arith.constant 0 : i32
        %scatter3A_972 = tpu.memref_slice %arg7[%scatter3A_969, %scatter3A_970, %scatter3A_971] : memref<2x64x129xf32, #tpu.memory_space<vmem>> -> memref<1x64x129xf32, #tpu.memory_space<vmem>>
        %scatter3A_973 = tpu.memref_squeeze %scatter3A_972 : memref<1x64x129xf32, #tpu.memory_space<vmem>> -> memref<64x129xf32, #tpu.memory_space<vmem>>
        tpu.vector_store_idx %scatter3A_973[%add3A_9, %broadcast_in_dim3A_943], %get3A_968 : memref<64x129xf32, #tpu.memory_space<vmem>>[vector<16xi32>, vector<16xi32>], vector<16xf32>,
        %get3A_974 = arith.constant 0 : i32
        %get3A_975 = arith.index_cast %get3A_974 : i32 to index
        %get3A_976 = arith.index_cast %add3A_942 : i32 to index
        %get3A_977 = arith.constant 48 : index
        %get3A_978 = tpu.vector_load %arg6[%get3A_975, %get3A_976, %get3A_977] {strides = array<i32>} : memref<2x128x64xf32, #tpu.memory_space<vmem>>, vector<16xf32>,
        %scatter3A_979 = arith.constant 0 : i32
        %scatter3A_980 = arith.constant 0 : i32
        %scatter3A_981 = arith.constant 0 : i32
        %scatter3A_982 = tpu.memref_slice %arg7[%scatter3A_979, %scatter3A_980, %scatter3A_981] : memref<2x64x129xf32, #tpu.memory_space<vmem>> -> memref<1x64x129xf32, #tpu.memory_space<vmem>>
        %scatter3A_983 = tpu.memref_squeeze %scatter3A_982 : memref<1x64x129xf32, #tpu.memory_space<vmem>> -> memref<64x129xf32, #tpu.memory_space<vmem>>
        tpu.vector_store_idx %scatter3A_983[%add3A_12, %broadcast_in_dim3A_943], %get3A_978 : memref<64x129xf32, #tpu.memory_space<vmem>>[vector<16xi32>, vector<16xi32>], vector<16xf32>,
        %add3A_984 = arith.constant 7 : i32
        %add3A_985 = arith.addi %mul3A_685, %add3A_984 : i32
        %broadcast_in_dim3A_986 = vector.broadcast %add3A_985 : i32 to vector<16xi32>
        %get3A_987 = arith.constant 0 : i32
        %get3A_988 = arith.index_cast %get3A_987 : i32 to index
        %get3A_989 = arith.index_cast %add3A_985 : i32 to index
        %get3A_990 = arith.constant 0 : index
        %get3A_991 = tpu.vector_load %arg6[%get3A_988, %get3A_989, %get3A_990] {strides = array<i32>} : memref<2x128x64xf32, #tpu.memory_space<vmem>>, vector<16xf32>,
        %scatter3A_992 = arith.constant 0 : i32
        %scatter3A_993 = arith.constant 0 : i32
        %scatter3A_994 = arith.constant 0 : i32
        %scatter3A_995 = tpu.memref_slice %arg7[%scatter3A_992, %scatter3A_993, %scatter3A_994] : memref<2x64x129xf32, #tpu.memory_space<vmem>> -> memref<1x64x129xf32, #tpu.memory_space<vmem>>
        %scatter3A_996 = tpu.memref_squeeze %scatter3A_995 : memref<1x64x129xf32, #tpu.memory_space<vmem>> -> memref<64x129xf32, #tpu.memory_space<vmem>>
        tpu.vector_store_idx %scatter3A_996[%add3A_3, %broadcast_in_dim3A_986], %get3A_991 : memref<64x129xf32, #tpu.memory_space<vmem>>[vector<16xi32>, vector<16xi32>], vector<16xf32>,
        %get3A_997 = arith.constant 0 : i32
        %get3A_998 = arith.index_cast %get3A_997 : i32 to index
        %get3A_999 = arith.index_cast %add3A_985 : i32 to index
        %get3A_1000 = arith.constant 16 : index
        %get3A_1001 = tpu.vector_load %arg6[%get3A_998, %get3A_999, %get3A_1000] {strides = array<i32>} : memref<2x128x64xf32, #tpu.memory_space<vmem>>, vector<16xf32>,
        %scatter3A_1002 = arith.constant 0 : i32
        %scatter3A_1003 = arith.constant 0 : i32
        %scatter3A_1004 = arith.constant 0 : i32
        %scatter3A_1005 = tpu.memref_slice %arg7[%scatter3A_1002, %scatter3A_1003, %scatter3A_1004] : memref<2x64x129xf32, #tpu.memory_space<vmem>> -> memref<1x64x129xf32, #tpu.memory_space<vmem>>
        %scatter3A_1006 = tpu.memref_squeeze %scatter3A_1005 : memref<1x64x129xf32, #tpu.memory_space<vmem>> -> memref<64x129xf32, #tpu.memory_space<vmem>>
        tpu.vector_store_idx %scatter3A_1006[%add3A_6, %broadcast_in_dim3A_986], %get3A_1001 : memref<64x129xf32, #tpu.memory_space<vmem>>[vector<16xi32>, vector<16xi32>], vector<16xf32>,
        %get3A_1007 = arith.constant 0 : i32
        %get3A_1008 = arith.index_cast %get3A_1007 : i32 to index
        %get3A_1009 = arith.index_cast %add3A_985 : i32 to index
        %get3A_1010 = arith.constant 32 : index
        %get3A_1011 = tpu.vector_load %arg6[%get3A_1008, %get3A_1009, %get3A_1010] {strides = array<i32>} : memref<2x128x64xf32, #tpu.memory_space<vmem>>, vector<16xf32>,
        %scatter3A_1012 = arith.constant 0 : i32
        %scatter3A_1013 = arith.constant 0 : i32
        %scatter3A_1014 = arith.constant 0 : i32
        %scatter3A_1015 = tpu.memref_slice %arg7[%scatter3A_1012, %scatter3A_1013, %scatter3A_1014] : memref<2x64x129xf32, #tpu.memory_space<vmem>> -> memref<1x64x129xf32, #tpu.memory_space<vmem>>
        %scatter3A_1016 = tpu.memref_squeeze %scatter3A_1015 : memref<1x64x129xf32, #tpu.memory_space<vmem>> -> memref<64x129xf32, #tpu.memory_space<vmem>>
        tpu.vector_store_idx %scatter3A_1016[%add3A_9, %broadcast_in_dim3A_986], %get3A_1011 : memref<64x129xf32, #tpu.memory_space<vmem>>[vector<16xi32>, vector<16xi32>], vector<16xf32>,
        %get3A_1017 = arith.constant 0 : i32
        %get3A_1018 = arith.index_cast %get3A_1017 : i32 to index
        %get3A_1019 = arith.index_cast %add3A_985 : i32 to index
        %get3A_1020 = arith.constant 48 : index
        %get3A_1021 = tpu.vector_load %arg6[%get3A_1018, %get3A_1019, %get3A_1020] {strides = array<i32>} : memref<2x128x64xf32, #tpu.memory_space<vmem>>, vector<16xf32>,
        %scatter3A_1022 = arith.constant 0 : i32
        %scatter3A_1023 = arith.constant 0 : i32
        %scatter3A_1024 = arith.constant 0 : i32
        %scatter3A_1025 = tpu.memref_slice %arg7[%scatter3A_1022, %scatter3A_1023, %scatter3A_1024] : memref<2x64x129xf32, #tpu.memory_space<vmem>> -> memref<1x64x129xf32, #tpu.memory_space<vmem>>
        %scatter3A_1026 = tpu.memref_squeeze %scatter3A_1025 : memref<1x64x129xf32, #tpu.memory_space<vmem>> -> memref<64x129xf32, #tpu.memory_space<vmem>>
        tpu.vector_store_idx %scatter3A_1026[%add3A_12, %broadcast_in_dim3A_986], %get3A_1021 : memref<64x129xf32, #tpu.memory_space<vmem>>[vector<16xi32>, vector<16xi32>], vector<16xf32>,
      }
      %scan3A_361 = arith.constant 16 : i32
      %dma_start3A_362 = arith.constant 0 : i32
      %dma_start3A_363 = arith.constant 0 : i32
      %dma_start3A_364 = arith.constant 0 : i32
      %dma_start3A_365 = arith.constant 0 : i32
      %dma_start3A_366 = tpu.memref_slice %arg7[%dma_start3A_362, %dma_start3A_364, %dma_start3A_365] : memref<2x64x129xf32, #tpu.memory_space<vmem>> -> memref<1x8x128xf32, #tpu.memory_space<vmem>>
      %dma_start3A_367 = tpu.memref_squeeze %dma_start3A_366 : memref<1x8x128xf32, #tpu.memory_space<vmem>> -> memref<8x128xf32, #tpu.memory_space<vmem>>
      %dma_start3A_368 = arith.constant 0 : i32
      %dma_start3A_369 = arith.constant 0 : i32
      %dma_start3A_370 = tpu.memref_slice %arg4[%add3A_336, %dma_start3A_363, %add3A, %dma_start3A_368, %dma_start3A_369] : memref<26x8x32x8x128xf32, #tpu.memory_space<hbm>> -> memref<1x1x1x8x128xf32, #tpu.memory_space<hbm>>
      %dma_start3A_371 = tpu.memref_squeeze %dma_start3A_370 : memref<1x1x1x8x128xf32, #tpu.memory_space<hbm>> -> memref<8x128xf32, #tpu.memory_space<hbm>>
      %dma_start3A_372 = arith.constant 0 : i32
      %dma_start3A_373 = arith.constant 0 : i32
      %dma_start3A_374 = tpu.memref_slice %arg4[%add3A_336, %dma_start3A_363, %add3A, %dma_start3A_372, %dma_start3A_373] : memref<26x8x32x8x128xf32, #tpu.memory_space<hbm>> -> memref<1x1x1x8x128xf32, #tpu.memory_space<hbm>>
      %dma_start3A_375 = tpu.memref_squeeze %dma_start3A_374 : memref<1x1x1x8x128xf32, #tpu.memory_space<hbm>> -> memref<8x128xf32, #tpu.memory_space<hbm>>
      %dma_start3A_376 = arith.constant 0 : i32
      %dma_start3A_377 = arith.constant 0 : i32
      %dma_start3A_378 = tpu.memref_slice %arg7[%dma_start3A_362, %dma_start3A_376, %dma_start3A_377] : memref<2x64x129xf32, #tpu.memory_space<vmem>> -> memref<1x8x128xf32, #tpu.memory_space<vmem>>
      %dma_start3A_379 = tpu.memref_squeeze %dma_start3A_378 : memref<1x8x128xf32, #tpu.memory_space<vmem>> -> memref<8x128xf32, #tpu.memory_space<vmem>>
      tpu.enqueue_dma source(%dma_start3A_379 : memref<8x128xf32, #tpu.memory_space<vmem>>) target(%dma_start3A_375 : memref<8x128xf32, #tpu.memory_space<hbm>>) target_semaphore(%arg10 : memref<!tpu.dma_semaphore, #tpu.memory_space<semaphore_mem>>)
      %dma_start3A_380 = arith.constant 0 : i32
      %dma_start3A_381 = arith.constant 1 : i32
      %dma_start3A_382 = arith.constant 8 : i32
      %dma_start3A_383 = arith.constant 0 : i32
      %dma_start3A_384 = tpu.memref_slice %arg7[%dma_start3A_380, %dma_start3A_382, %dma_start3A_383] : memref<2x64x129xf32, #tpu.memory_space<vmem>> -> memref<1x8x128xf32, #tpu.memory_space<vmem>>
      %dma_start3A_385 = tpu.memref_squeeze %dma_start3A_384 : memref<1x8x128xf32, #tpu.memory_space<vmem>> -> memref<8x128xf32, #tpu.memory_space<vmem>>
      %dma_start3A_386 = arith.constant 0 : i32
      %dma_start3A_387 = arith.constant 0 : i32
      %dma_start3A_388 = tpu.memref_slice %arg4[%add3A_336, %dma_start3A_381, %add3A, %dma_start3A_386, %dma_start3A_387] : memref<26x8x32x8x128xf32, #tpu.memory_space<hbm>> -> memref<1x1x1x8x128xf32, #tpu.memory_space<hbm>>
      %dma_start3A_389 = tpu.memref_squeeze %dma_start3A_388 : memref<1x1x1x8x128xf32, #tpu.memory_space<hbm>> -> memref<8x128xf32, #tpu.memory_space<hbm>>
      %dma_start3A_390 = arith.constant 0 : i32
      %dma_start3A_391 = arith.constant 0 : i32
      %dma_start3A_392 = tpu.memref_slice %arg4[%add3A_336, %dma_start3A_381, %add3A, %dma_start3A_390, %dma_start3A_391] : memref<26x8x32x8x128xf32, #tpu.memory_space<hbm>> -> memref<1x1x1x8x128xf32, #tpu.memory_space<hbm>>
      %dma_start3A_393 = tpu.memref_squeeze %dma_start3A_392 : memref<1x1x1x8x128xf32, #tpu.memory_space<hbm>> -> memref<8x128xf32, #tpu.memory_space<hbm>>
      %dma_start3A_394 = arith.constant 8 : i32
      %dma_start3A_395 = arith.constant 0 : i32
      %dma_start3A_396 = tpu.memref_slice %arg7[%dma_start3A_380, %dma_start3A_394, %dma_start3A_395] : memref<2x64x129xf32, #tpu.memory_space<vmem>> -> memref<1x8x128xf32, #tpu.memory_space<vmem>>
      %dma_start3A_397 = tpu.memref_squeeze %dma_start3A_396 : memref<1x8x128xf32, #tpu.memory_space<vmem>> -> memref<8x128xf32, #tpu.memory_space<vmem>>
      tpu.enqueue_dma source(%dma_start3A_397 : memref<8x128xf32, #tpu.memory_space<vmem>>) target(%dma_start3A_393 : memref<8x128xf32, #tpu.memory_space<hbm>>) target_semaphore(%arg10 : memref<!tpu.dma_semaphore, #tpu.memory_space<semaphore_mem>>)
      %dma_start3A_398 = arith.constant 0 : i32
      %dma_start3A_399 = arith.constant 2 : i32
      %dma_start3A_400 = arith.constant 16 : i32
      %dma_start3A_401 = arith.constant 0 : i32
      %dma_start3A_402 = tpu.memref_slice %arg7[%dma_start3A_398, %dma_start3A_400, %dma_start3A_401] : memref<2x64x129xf32, #tpu.memory_space<vmem>> -> memref<1x8x128xf32, #tpu.memory_space<vmem>>
      %dma_start3A_403 = tpu.memref_squeeze %dma_start3A_402 : memref<1x8x128xf32, #tpu.memory_space<vmem>> -> memref<8x128xf32, #tpu.memory_space<vmem>>
      %dma_start3A_404 = arith.constant 0 : i32
      %dma_start3A_405 = arith.constant 0 : i32
      %dma_start3A_406 = tpu.memref_slice %arg4[%add3A_336, %dma_start3A_399, %add3A, %dma_start3A_404, %dma_start3A_405] : memref<26x8x32x8x128xf32, #tpu.memory_space<hbm>> -> memref<1x1x1x8x128xf32, #tpu.memory_space<hbm>>
      %dma_start3A_407 = tpu.memref_squeeze %dma_start3A_406 : memref<1x1x1x8x128xf32, #tpu.memory_space<hbm>> -> memref<8x128xf32, #tpu.memory_space<hbm>>
      %dma_start3A_408 = arith.constant 0 : i32
      %dma_start3A_409 = arith.constant 0 : i32
      %dma_start3A_410 = tpu.memref_slice %arg4[%add3A_336, %dma_start3A_399, %add3A, %dma_start3A_408, %dma_start3A_409] : memref<26x8x32x8x128xf32, #tpu.memory_space<hbm>> -> memref<1x1x1x8x128xf32, #tpu.memory_space<hbm>>
      %dma_start3A_411 = tpu.memref_squeeze %dma_start3A_410 : memref<1x1x1x8x128xf32, #tpu.memory_space<hbm>> -> memref<8x128xf32, #tpu.memory_space<hbm>>
      %dma_start3A_412 = arith.constant 16 : i32
      %dma_start3A_413 = arith.constant 0 : i32
      %dma_start3A_414 = tpu.memref_slice %arg7[%dma_start3A_398, %dma_start3A_412, %dma_start3A_413] : memref<2x64x129xf32, #tpu.memory_space<vmem>> -> memref<1x8x128xf32, #tpu.memory_space<vmem>>
      %dma_start3A_415 = tpu.memref_squeeze %dma_start3A_414 : memref<1x8x128xf32, #tpu.memory_space<vmem>> -> memref<8x128xf32, #tpu.memory_space<vmem>>
      tpu.enqueue_dma source(%dma_start3A_415 : memref<8x128xf32, #tpu.memory_space<vmem>>) target(%dma_start3A_411 : memref<8x128xf32, #tpu.memory_space<hbm>>) target_semaphore(%arg10 : memref<!tpu.dma_semaphore, #tpu.memory_space<semaphore_mem>>)
      %dma_start3A_416 = arith.constant 0 : i32
      %dma_start3A_417 = arith.constant 3 : i32
      %dma_start3A_418 = arith.constant 24 : i32
      %dma_start3A_419 = arith.constant 0 : i32
      %dma_start3A_420 = tpu.memref_slice %arg7[%dma_start3A_416, %dma_start3A_418, %dma_start3A_419] : memref<2x64x129xf32, #tpu.memory_space<vmem>> -> memref<1x8x128xf32, #tpu.memory_space<vmem>>
      %dma_start3A_421 = tpu.memref_squeeze %dma_start3A_420 : memref<1x8x128xf32, #tpu.memory_space<vmem>> -> memref<8x128xf32, #tpu.memory_space<vmem>>
      %dma_start3A_422 = arith.constant 0 : i32
      %dma_start3A_423 = arith.constant 0 : i32
      %dma_start3A_424 = tpu.memref_slice %arg4[%add3A_336, %dma_start3A_417, %add3A, %dma_start3A_422, %dma_start3A_423] : memref<26x8x32x8x128xf32, #tpu.memory_space<hbm>> -> memref<1x1x1x8x128xf32, #tpu.memory_space<hbm>>
      %dma_start3A_425 = tpu.memref_squeeze %dma_start3A_424 : memref<1x1x1x8x128xf32, #tpu.memory_space<hbm>> -> memref<8x128xf32, #tpu.memory_space<hbm>>
      %dma_start3A_426 = arith.constant 0 : i32
      %dma_start3A_427 = arith.constant 0 : i32
      %dma_start3A_428 = tpu.memref_slice %arg4[%add3A_336, %dma_start3A_417, %add3A, %dma_start3A_426, %dma_start3A_427] : memref<26x8x32x8x128xf32, #tpu.memory_space<hbm>> -> memref<1x1x1x8x128xf32, #tpu.memory_space<hbm>>
      %dma_start3A_429 = tpu.memref_squeeze %dma_start3A_428 : memref<1x1x1x8x128xf32, #tpu.memory_space<hbm>> -> memref<8x128xf32, #tpu.memory_space<hbm>>
      %dma_start3A_430 = arith.constant 24 : i32
      %dma_start3A_431 = arith.constant 0 : i32
      %dma_start3A_432 = tpu.memref_slice %arg7[%dma_start3A_416, %dma_start3A_430, %dma_start3A_431] : memref<2x64x129xf32, #tpu.memory_space<vmem>> -> memref<1x8x128xf32, #tpu.memory_space<vmem>>
      %dma_start3A_433 = tpu.memref_squeeze %dma_start3A_432 : memref<1x8x128xf32, #tpu.memory_space<vmem>> -> memref<8x128xf32, #tpu.memory_space<vmem>>
      tpu.enqueue_dma source(%dma_start3A_433 : memref<8x128xf32, #tpu.memory_space<vmem>>) target(%dma_start3A_429 : memref<8x128xf32, #tpu.memory_space<hbm>>) target_semaphore(%arg10 : memref<!tpu.dma_semaphore, #tpu.memory_space<semaphore_mem>>)
      %dma_start3A_434 = arith.constant 0 : i32
      %dma_start3A_435 = arith.constant 4 : i32
      %dma_start3A_436 = arith.constant 32 : i32
      %dma_start3A_437 = arith.constant 0 : i32
      %dma_start3A_438 = tpu.memref_slice %arg7[%dma_start3A_434, %dma_start3A_436, %dma_start3A_437] : memref<2x64x129xf32, #tpu.memory_space<vmem>> -> memref<1x8x128xf32, #tpu.memory_space<vmem>>
      %dma_start3A_439 = tpu.memref_squeeze %dma_start3A_438 : memref<1x8x128xf32, #tpu.memory_space<vmem>> -> memref<8x128xf32, #tpu.memory_space<vmem>>
      %dma_start3A_440 = arith.constant 0 : i32
      %dma_start3A_441 = arith.constant 0 : i32
      %dma_start3A_442 = tpu.memref_slice %arg4[%add3A_336, %dma_start3A_435, %add3A, %dma_start3A_440, %dma_start3A_441] : memref<26x8x32x8x128xf32, #tpu.memory_space<hbm>> -> memref<1x1x1x8x128xf32, #tpu.memory_space<hbm>>
      %dma_start3A_443 = tpu.memref_squeeze %dma_start3A_442 : memref<1x1x1x8x128xf32, #tpu.memory_space<hbm>> -> memref<8x128xf32, #tpu.memory_space<hbm>>
      %dma_start3A_444 = arith.constant 0 : i32
      %dma_start3A_445 = arith.constant 0 : i32
      %dma_start3A_446 = tpu.memref_slice %arg4[%add3A_336, %dma_start3A_435, %add3A, %dma_start3A_444, %dma_start3A_445] : memref<26x8x32x8x128xf32, #tpu.memory_space<hbm>> -> memref<1x1x1x8x128xf32, #tpu.memory_space<hbm>>
      %dma_start3A_447 = tpu.memref_squeeze %dma_start3A_446 : memref<1x1x1x8x128xf32, #tpu.memory_space<hbm>> -> memref<8x128xf32, #tpu.memory_space<hbm>>
      %dma_start3A_448 = arith.constant 32 : i32
      %dma_start3A_449 = arith.constant 0 : i32
      %dma_start3A_450 = tpu.memref_slice %arg7[%dma_start3A_434, %dma_start3A_448, %dma_start3A_449] : memref<2x64x129xf32, #tpu.memory_space<vmem>> -> memref<1x8x128xf32, #tpu.memory_space<vmem>>
      %dma_start3A_451 = tpu.memref_squeeze %dma_start3A_450 : memref<1x8x128xf32, #tpu.memory_space<vmem>> -> memref<8x128xf32, #tpu.memory_space<vmem>>
      tpu.enqueue_dma source(%dma_start3A_451 : memref<8x128xf32, #tpu.memory_space<vmem>>) target(%dma_start3A_447 : memref<8x128xf32, #tpu.memory_space<hbm>>) target_semaphore(%arg10 : memref<!tpu.dma_semaphore, #tpu.memory_space<semaphore_mem>>)
      %dma_start3A_452 = arith.constant 0 : i32
      %dma_start3A_453 = arith.constant 5 : i32
      %dma_start3A_454 = arith.constant 40 : i32
      %dma_start3A_455 = arith.constant 0 : i32
      %dma_start3A_456 = tpu.memref_slice %arg7[%dma_start3A_452, %dma_start3A_454, %dma_start3A_455] : memref<2x64x129xf32, #tpu.memory_space<vmem>> -> memref<1x8x128xf32, #tpu.memory_space<vmem>>
      %dma_start3A_457 = tpu.memref_squeeze %dma_start3A_456 : memref<1x8x128xf32, #tpu.memory_space<vmem>> -> memref<8x128xf32, #tpu.memory_space<vmem>>
      %dma_start3A_458 = arith.constant 0 : i32
      %dma_start3A_459 = arith.constant 0 : i32
      %dma_start3A_460 = tpu.memref_slice %arg4[%add3A_336, %dma_start3A_453, %add3A, %dma_start3A_458, %dma_start3A_459] : memref<26x8x32x8x128xf32, #tpu.memory_space<hbm>> -> memref<1x1x1x8x128xf32, #tpu.memory_space<hbm>>
      %dma_start3A_461 = tpu.memref_squeeze %dma_start3A_460 : memref<1x1x1x8x128xf32, #tpu.memory_space<hbm>> -> memref<8x128xf32, #tpu.memory_space<hbm>>
      %dma_start3A_462 = arith.constant 0 : i32
      %dma_start3A_463 = arith.constant 0 : i32
      %dma_start3A_464 = tpu.memref_slice %arg4[%add3A_336, %dma_start3A_453, %add3A, %dma_start3A_462, %dma_start3A_463] : memref<26x8x32x8x128xf32, #tpu.memory_space<hbm>> -> memref<1x1x1x8x128xf32, #tpu.memory_space<hbm>>
      %dma_start3A_465 = tpu.memref_squeeze %dma_start3A_464 : memref<1x1x1x8x128xf32, #tpu.memory_space<hbm>> -> memref<8x128xf32, #tpu.memory_space<hbm>>
      %dma_start3A_466 = arith.constant 40 : i32
      %dma_start3A_467 = arith.constant 0 : i32
      %dma_start3A_468 = tpu.memref_slice %arg7[%dma_start3A_452, %dma_start3A_466, %dma_start3A_467] : memref<2x64x129xf32, #tpu.memory_space<vmem>> -> memref<1x8x128xf32, #tpu.memory_space<vmem>>
      %dma_start3A_469 = tpu.memref_squeeze %dma_start3A_468 : memref<1x8x128xf32, #tpu.memory_space<vmem>> -> memref<8x128xf32, #tpu.memory_space<vmem>>
      tpu.enqueue_dma source(%dma_start3A_469 : memref<8x128xf32, #tpu.memory_space<vmem>>) target(%dma_start3A_465 : memref<8x128xf32, #tpu.memory_space<hbm>>) target_semaphore(%arg10 : memref<!tpu.dma_semaphore, #tpu.memory_space<semaphore_mem>>)
      %dma_start3A_470 = arith.constant 0 : i32
      %dma_start3A_471 = arith.constant 6 : i32
      %dma_start3A_472 = arith.constant 48 : i32
      %dma_start3A_473 = arith.constant 0 : i32
      %dma_start3A_474 = tpu.memref_slice %arg7[%dma_start3A_470, %dma_start3A_472, %dma_start3A_473] : memref<2x64x129xf32, #tpu.memory_space<vmem>> -> memref<1x8x128xf32, #tpu.memory_space<vmem>>
      %dma_start3A_475 = tpu.memref_squeeze %dma_start3A_474 : memref<1x8x128xf32, #tpu.memory_space<vmem>> -> memref<8x128xf32, #tpu.memory_space<vmem>>
      %dma_start3A_476 = arith.constant 0 : i32
      %dma_start3A_477 = arith.constant 0 : i32
      %dma_start3A_478 = tpu.memref_slice %arg4[%add3A_336, %dma_start3A_471, %add3A, %dma_start3A_476, %dma_start3A_477] : memref<26x8x32x8x128xf32, #tpu.memory_space<hbm>> -> memref<1x1x1x8x128xf32, #tpu.memory_space<hbm>>
      %dma_start3A_479 = tpu.memref_squeeze %dma_start3A_478 : memref<1x1x1x8x128xf32, #tpu.memory_space<hbm>> -> memref<8x128xf32, #tpu.memory_space<hbm>>
      %dma_start3A_480 = arith.constant 0 : i32
      %dma_start3A_481 = arith.constant 0 : i32
      %dma_start3A_482 = tpu.memref_slice %arg4[%add3A_336, %dma_start3A_471, %add3A, %dma_start3A_480, %dma_start3A_481] : memref<26x8x32x8x128xf32, #tpu.memory_space<hbm>> -> memref<1x1x1x8x128xf32, #tpu.memory_space<hbm>>
      %dma_start3A_483 = tpu.memref_squeeze %dma_start3A_482 : memref<1x1x1x8x128xf32, #tpu.memory_space<hbm>> -> memref<8x128xf32, #tpu.memory_space<hbm>>
      %dma_start3A_484 = arith.constant 48 : i32
      %dma_start3A_485 = arith.constant 0 : i32
      %dma_start3A_486 = tpu.memref_slice %arg7[%dma_start3A_470, %dma_start3A_484, %dma_start3A_485] : memref<2x64x129xf32, #tpu.memory_space<vmem>> -> memref<1x8x128xf32, #tpu.memory_space<vmem>>
      %dma_start3A_487 = tpu.memref_squeeze %dma_start3A_486 : memref<1x8x128xf32, #tpu.memory_space<vmem>> -> memref<8x128xf32, #tpu.memory_space<vmem>>
      tpu.enqueue_dma source(%dma_start3A_487 : memref<8x128xf32, #tpu.memory_space<vmem>>) target(%dma_start3A_483 : memref<8x128xf32, #tpu.memory_space<hbm>>) target_semaphore(%arg10 : memref<!tpu.dma_semaphore, #tpu.memory_space<semaphore_mem>>)
      %dma_start3A_488 = arith.constant 0 : i32
      %dma_start3A_489 = arith.constant 7 : i32
      %dma_start3A_490 = arith.constant 56 : i32
      %dma_start3A_491 = arith.constant 0 : i32
      %dma_start3A_492 = tpu.memref_slice %arg7[%dma_start3A_488, %dma_start3A_490, %dma_start3A_491] : memref<2x64x129xf32, #tpu.memory_space<vmem>> -> memref<1x8x128xf32, #tpu.memory_space<vmem>>
      %dma_start3A_493 = tpu.memref_squeeze %dma_start3A_492 : memref<1x8x128xf32, #tpu.memory_space<vmem>> -> memref<8x128xf32, #tpu.memory_space<vmem>>
      %dma_start3A_494 = arith.constant 0 : i32
      %dma_start3A_495 = arith.constant 0 : i32
      %dma_start3A_496 = tpu.memref_slice %arg4[%add3A_336, %dma_start3A_489, %add3A, %dma_start3A_494, %dma_start3A_495] : memref<26x8x32x8x128xf32, #tpu.memory_space<hbm>> -> memref<1x1x1x8x128xf32, #tpu.memory_space<hbm>>
      %dma_start3A_497 = tpu.memref_squeeze %dma_start3A_496 : memref<1x1x1x8x128xf32, #tpu.memory_space<hbm>> -> memref<8x128xf32, #tpu.memory_space<hbm>>
      %dma_start3A_498 = arith.constant 0 : i32
      %dma_start3A_499 = arith.constant 0 : i32
      %dma_start3A_500 = tpu.memref_slice %arg4[%add3A_336, %dma_start3A_489, %add3A, %dma_start3A_498, %dma_start3A_499] : memref<26x8x32x8x128xf32, #tpu.memory_space<hbm>> -> memref<1x1x1x8x128xf32, #tpu.memory_space<hbm>>
      %dma_start3A_501 = tpu.memref_squeeze %dma_start3A_500 : memref<1x1x1x8x128xf32, #tpu.memory_space<hbm>> -> memref<8x128xf32, #tpu.memory_space<hbm>>
      %dma_start3A_502 = arith.constant 56 : i32
      %dma_start3A_503 = arith.constant 0 : i32
      %dma_start3A_504 = tpu.memref_slice %arg7[%dma_start3A_488, %dma_start3A_502, %dma_start3A_503] : memref<2x64x129xf32, #tpu.memory_space<vmem>> -> memref<1x8x128xf32, #tpu.memory_space<vmem>>
      %dma_start3A_505 = tpu.memref_squeeze %dma_start3A_504 : memref<1x8x128xf32, #tpu.memory_space<vmem>> -> memref<8x128xf32, #tpu.memory_space<vmem>>
      tpu.enqueue_dma source(%dma_start3A_505 : memref<8x128xf32, #tpu.memory_space<vmem>>) target(%dma_start3A_501 : memref<8x128xf32, #tpu.memory_space<hbm>>) target_semaphore(%arg10 : memref<!tpu.dma_semaphore, #tpu.memory_space<semaphore_mem>>)
      %mul3A_506 = arith.constant 2 : i32
      %mul3A_507 = arith.muli %scan3A_332, %mul3A_506 : i32
      %add3A_508 = arith.constant 1 : i32
      %add3A_509 = arith.addi %mul3A_507, %add3A_508 : i32
      %add3A_510 = arith.constant 1 : i32
      %add3A_511 = arith.addi %add3A_509, %add3A_510 : i32
      %lt3A_512 = arith.constant 26 : i32
      %lt3A_513 = arith.cmpi slt, %add3A_511, %lt3A_512 : i32
      %convert_element_type3A_514 = arith.extui %lt3A_513 : i1 to i32
      %cond3A_515 = arith.constant 0 : i32
      %cond3A_516 = arith.cmpi ne, %convert_element_type3A_514, %cond3A_515 : i32
      scf.if %cond3A_516 {
        %add3A_683 = arith.constant 1 : i32
        %add3A_684 = arith.addi %add3A_509, %add3A_683 : i32
        %dma_start3A_685 = arith.constant 0 : i32
        %dma_start3A_686 = arith.constant 0 : i32
        %dma_start3A_687 = arith.constant 0 : i32
        %dma_start3A_688 = tpu.memref_slice %arg6[%dma_start3A_685, %dma_start3A_686, %dma_start3A_687] : memref<2x128x64xf32, #tpu.memory_space<vmem>> -> memref<1x128x64xf32, #tpu.memory_space<vmem>>
        %dma_start3A_689 = tpu.memref_squeeze %dma_start3A_688 : memref<1x128x64xf32, #tpu.memory_space<vmem>> -> memref<128x64xf32, #tpu.memory_space<vmem>>
        %dma_start3A_690 = arith.constant 0 : i32
        %dma_start3A_691 = tpu.memref_slice %arg5[%add3A_684, %dma_start3A_690] : memref<26x128xi32, #tpu.memory_space<vmem>> -> memref<1x128xi32, #tpu.memory_space<vmem>>
        %dma_start3A_692 = tpu.memref_squeeze %dma_start3A_691 : memref<1x128xi32, #tpu.memory_space<vmem>> -> memref<128xi32, #tpu.memory_space<vmem>>
        %dma_start3A_693 = arith.constant 0 : i32
        %dma_start3A_694 = arith.constant 0 : i32
        %dma_start3A_695 = tpu.memref_slice %arg3[%dma_start3A_693, %dma_start3A_694] : memref<100000x64xf32, #tpu.memory_space<hbm>> -> memref<100000x64xf32, #tpu.memory_space<hbm>>
        tpu.enqueue_indirect_dma source(%dma_start3A_695 : memref<100000x64xf32, #tpu.memory_space<hbm>>) target(%dma_start3A_689 : memref<128x64xf32, #tpu.memory_space<vmem>>) offsets(%dma_start3A_692 : memref<128xi32, #tpu.memory_space<vmem>>) semaphore(%arg8 : memref<!tpu.dma_semaphore, #tpu.memory_space<semaphore_mem>>)
      } else {
      }
      %dma_wait3A_517 = arith.constant 1 : i32
      %dma_wait3A_518 = arith.constant 0 : i32
      %dma_wait3A_519 = arith.constant 0 : i32
      %dma_wait3A_520 = tpu.memref_slice %arg6[%dma_wait3A_517, %dma_wait3A_518, %dma_wait3A_519] : memref<2x128x64xf32, #tpu.memory_space<vmem>> -> memref<1x128x64xf32, #tpu.memory_space<vmem>>
      %dma_wait3A_521 = tpu.memref_squeeze %dma_wait3A_520 : memref<1x128x64xf32, #tpu.memory_space<vmem>> -> memref<128x64xf32, #tpu.memory_space<vmem>>
      %dma_wait3A_522 = arith.constant 0 : i32
      %dma_wait3A_523 = tpu.memref_slice %arg5[%add3A_509, %dma_wait3A_522] : memref<26x128xi32, #tpu.memory_space<vmem>> -> memref<1x128xi32, #tpu.memory_space<vmem>>
      %dma_wait3A_524 = tpu.memref_squeeze %dma_wait3A_523 : memref<1x128xi32, #tpu.memory_space<vmem>> -> memref<128xi32, #tpu.memory_space<vmem>>
      %dma_wait3A_525 = arith.constant 0 : i32
      %dma_wait3A_526 = arith.constant 0 : i32
      %dma_wait3A_527 = tpu.memref_slice %arg3[%dma_wait3A_525, %dma_wait3A_526] : memref<100000x64xf32, #tpu.memory_space<hbm>> -> memref<100000x64xf32, #tpu.memory_space<hbm>>
      tpu.wait_indirect_dma semaphore(%arg9 : memref<!tpu.dma_semaphore, #tpu.memory_space<semaphore_mem>>) src(%dma_wait3A_527 : memref<100000x64xf32, #tpu.memory_space<hbm>>) dst(%dma_wait3A_521 : memref<128x64xf32, #tpu.memory_space<vmem>>)
      %ge3A_528 = arith.constant 2 : i32
      %ge3A_529 = arith.cmpi sge, %add3A_509, %ge3A_528 : i32
      %convert_element_type3A_530 = arith.extui %ge3A_529 : i1 to i32
      %cond3A_531 = arith.constant 0 : i32
      %cond3A_532 = arith.cmpi ne, %convert_element_type3A_530, %cond3A_531 : i32
      scf.if %cond3A_532 {
        %sub3A = arith.constant 2 : i32
        %sub3A_683 = arith.subi %add3A_509, %sub3A : i32
        %dma_wait3A_684 = arith.constant 1 : i32
        %dma_wait3A_685 = arith.constant 0 : i32
        %dma_wait3A_686 = arith.constant 0 : i32
        %dma_wait3A_687 = arith.constant 0 : i32
        %dma_wait3A_688 = tpu.memref_slice %arg7[%dma_wait3A_684, %dma_wait3A_686, %dma_wait3A_687] : memref<2x64x129xf32, #tpu.memory_space<vmem>> -> memref<1x8x128xf32, #tpu.memory_space<vmem>>
        %dma_wait3A_689 = tpu.memref_squeeze %dma_wait3A_688 : memref<1x8x128xf32, #tpu.memory_space<vmem>> -> memref<8x128xf32, #tpu.memory_space<vmem>>
        %dma_wait3A_690 = arith.constant 0 : i32
        %dma_wait3A_691 = arith.constant 0 : i32
        %dma_wait3A_692 = tpu.memref_slice %arg4[%sub3A_683, %dma_wait3A_685, %add3A, %dma_wait3A_690, %dma_wait3A_691] : memref<26x8x32x8x128xf32, #tpu.memory_space<hbm>> -> memref<1x1x1x8x128xf32, #tpu.memory_space<hbm>>
        %dma_wait3A_693 = tpu.memref_squeeze %dma_wait3A_692 : memref<1x1x1x8x128xf32, #tpu.memory_space<hbm>> -> memref<8x128xf32, #tpu.memory_space<hbm>>
        %dma_wait3A_694 = arith.constant 0 : i32
        %dma_wait3A_695 = arith.constant 0 : i32
        %dma_wait3A_696 = tpu.memref_slice %arg4[%sub3A_683, %dma_wait3A_685, %add3A, %dma_wait3A_694, %dma_wait3A_695] : memref<26x8x32x8x128xf32, #tpu.memory_space<hbm>> -> memref<1x1x1x8x128xf32, #tpu.memory_space<hbm>>
        %dma_wait3A_697 = tpu.memref_squeeze %dma_wait3A_696 : memref<1x1x1x8x128xf32, #tpu.memory_space<hbm>> -> memref<8x128xf32, #tpu.memory_space<hbm>>
        %dma_wait3A_698 = arith.constant 0 : i32
        %dma_wait3A_699 = arith.constant 0 : i32
        %dma_wait3A_700 = tpu.memref_slice %arg7[%dma_wait3A_684, %dma_wait3A_698, %dma_wait3A_699] : memref<2x64x129xf32, #tpu.memory_space<vmem>> -> memref<1x8x128xf32, #tpu.memory_space<vmem>>
        %dma_wait3A_701 = tpu.memref_squeeze %dma_wait3A_700 : memref<1x8x128xf32, #tpu.memory_space<vmem>> -> memref<8x128xf32, #tpu.memory_space<vmem>>
        tpu.wait_dma2 semaphore(%arg11 : memref<!tpu.dma_semaphore, #tpu.memory_space<semaphore_mem>>) src(%dma_wait3A_701 : memref<8x128xf32, #tpu.memory_space<vmem>>) dst(%dma_wait3A_697 : memref<8x128xf32, #tpu.memory_space<hbm>>)
        %dma_wait3A_702 = arith.constant 1 : i32
        %dma_wait3A_703 = arith.constant 1 : i32
        %dma_wait3A_704 = arith.constant 8 : i32
        %dma_wait3A_705 = arith.constant 0 : i32
        %dma_wait3A_706 = tpu.memref_slice %arg7[%dma_wait3A_702, %dma_wait3A_704, %dma_wait3A_705] : memref<2x64x129xf32, #tpu.memory_space<vmem>> -> memref<1x8x128xf32, #tpu.memory_space<vmem>>
        %dma_wait3A_707 = tpu.memref_squeeze %dma_wait3A_706 : memref<1x8x128xf32, #tpu.memory_space<vmem>> -> memref<8x128xf32, #tpu.memory_space<vmem>>
        %dma_wait3A_708 = arith.constant 0 : i32
        %dma_wait3A_709 = arith.constant 0 : i32
        %dma_wait3A_710 = tpu.memref_slice %arg4[%sub3A_683, %dma_wait3A_703, %add3A, %dma_wait3A_708, %dma_wait3A_709] : memref<26x8x32x8x128xf32, #tpu.memory_space<hbm>> -> memref<1x1x1x8x128xf32, #tpu.memory_space<hbm>>
        %dma_wait3A_711 = tpu.memref_squeeze %dma_wait3A_710 : memref<1x1x1x8x128xf32, #tpu.memory_space<hbm>> -> memref<8x128xf32, #tpu.memory_space<hbm>>
        %dma_wait3A_712 = arith.constant 0 : i32
        %dma_wait3A_713 = arith.constant 0 : i32
        %dma_wait3A_714 = tpu.memref_slice %arg4[%sub3A_683, %dma_wait3A_703, %add3A, %dma_wait3A_712, %dma_wait3A_713] : memref<26x8x32x8x128xf32, #tpu.memory_space<hbm>> -> memref<1x1x1x8x128xf32, #tpu.memory_space<hbm>>
        %dma_wait3A_715 = tpu.memref_squeeze %dma_wait3A_714 : memref<1x1x1x8x128xf32, #tpu.memory_space<hbm>> -> memref<8x128xf32, #tpu.memory_space<hbm>>
        %dma_wait3A_716 = arith.constant 8 : i32
        %dma_wait3A_717 = arith.constant 0 : i32
        %dma_wait3A_718 = tpu.memref_slice %arg7[%dma_wait3A_702, %dma_wait3A_716, %dma_wait3A_717] : memref<2x64x129xf32, #tpu.memory_space<vmem>> -> memref<1x8x128xf32, #tpu.memory_space<vmem>>
        %dma_wait3A_719 = tpu.memref_squeeze %dma_wait3A_718 : memref<1x8x128xf32, #tpu.memory_space<vmem>> -> memref<8x128xf32, #tpu.memory_space<vmem>>
        tpu.wait_dma2 semaphore(%arg11 : memref<!tpu.dma_semaphore, #tpu.memory_space<semaphore_mem>>) src(%dma_wait3A_719 : memref<8x128xf32, #tpu.memory_space<vmem>>) dst(%dma_wait3A_715 : memref<8x128xf32, #tpu.memory_space<hbm>>)
        %dma_wait3A_720 = arith.constant 1 : i32
        %dma_wait3A_721 = arith.constant 2 : i32
        %dma_wait3A_722 = arith.constant 16 : i32
        %dma_wait3A_723 = arith.constant 0 : i32
        %dma_wait3A_724 = tpu.memref_slice %arg7[%dma_wait3A_720, %dma_wait3A_722, %dma_wait3A_723] : memref<2x64x129xf32, #tpu.memory_space<vmem>> -> memref<1x8x128xf32, #tpu.memory_space<vmem>>
        %dma_wait3A_725 = tpu.memref_squeeze %dma_wait3A_724 : memref<1x8x128xf32, #tpu.memory_space<vmem>> -> memref<8x128xf32, #tpu.memory_space<vmem>>
        %dma_wait3A_726 = arith.constant 0 : i32
        %dma_wait3A_727 = arith.constant 0 : i32
        %dma_wait3A_728 = tpu.memref_slice %arg4[%sub3A_683, %dma_wait3A_721, %add3A, %dma_wait3A_726, %dma_wait3A_727] : memref<26x8x32x8x128xf32, #tpu.memory_space<hbm>> -> memref<1x1x1x8x128xf32, #tpu.memory_space<hbm>>
        %dma_wait3A_729 = tpu.memref_squeeze %dma_wait3A_728 : memref<1x1x1x8x128xf32, #tpu.memory_space<hbm>> -> memref<8x128xf32, #tpu.memory_space<hbm>>
        %dma_wait3A_730 = arith.constant 0 : i32
        %dma_wait3A_731 = arith.constant 0 : i32
        %dma_wait3A_732 = tpu.memref_slice %arg4[%sub3A_683, %dma_wait3A_721, %add3A, %dma_wait3A_730, %dma_wait3A_731] : memref<26x8x32x8x128xf32, #tpu.memory_space<hbm>> -> memref<1x1x1x8x128xf32, #tpu.memory_space<hbm>>
        %dma_wait3A_733 = tpu.memref_squeeze %dma_wait3A_732 : memref<1x1x1x8x128xf32, #tpu.memory_space<hbm>> -> memref<8x128xf32, #tpu.memory_space<hbm>>
        %dma_wait3A_734 = arith.constant 16 : i32
        %dma_wait3A_735 = arith.constant 0 : i32
        %dma_wait3A_736 = tpu.memref_slice %arg7[%dma_wait3A_720, %dma_wait3A_734, %dma_wait3A_735] : memref<2x64x129xf32, #tpu.memory_space<vmem>> -> memref<1x8x128xf32, #tpu.memory_space<vmem>>
        %dma_wait3A_737 = tpu.memref_squeeze %dma_wait3A_736 : memref<1x8x128xf32, #tpu.memory_space<vmem>> -> memref<8x128xf32, #tpu.memory_space<vmem>>
        tpu.wait_dma2 semaphore(%arg11 : memref<!tpu.dma_semaphore, #tpu.memory_space<semaphore_mem>>) src(%dma_wait3A_737 : memref<8x128xf32, #tpu.memory_space<vmem>>) dst(%dma_wait3A_733 : memref<8x128xf32, #tpu.memory_space<hbm>>)
        %dma_wait3A_738 = arith.constant 1 : i32
        %dma_wait3A_739 = arith.constant 3 : i32
        %dma_wait3A_740 = arith.constant 24 : i32
        %dma_wait3A_741 = arith.constant 0 : i32
        %dma_wait3A_742 = tpu.memref_slice %arg7[%dma_wait3A_738, %dma_wait3A_740, %dma_wait3A_741] : memref<2x64x129xf32, #tpu.memory_space<vmem>> -> memref<1x8x128xf32, #tpu.memory_space<vmem>>
        %dma_wait3A_743 = tpu.memref_squeeze %dma_wait3A_742 : memref<1x8x128xf32, #tpu.memory_space<vmem>> -> memref<8x128xf32, #tpu.memory_space<vmem>>
        %dma_wait3A_744 = arith.constant 0 : i32
        %dma_wait3A_745 = arith.constant 0 : i32
        %dma_wait3A_746 = tpu.memref_slice %arg4[%sub3A_683, %dma_wait3A_739, %add3A, %dma_wait3A_744, %dma_wait3A_745] : memref<26x8x32x8x128xf32, #tpu.memory_space<hbm>> -> memref<1x1x1x8x128xf32, #tpu.memory_space<hbm>>
        %dma_wait3A_747 = tpu.memref_squeeze %dma_wait3A_746 : memref<1x1x1x8x128xf32, #tpu.memory_space<hbm>> -> memref<8x128xf32, #tpu.memory_space<hbm>>
        %dma_wait3A_748 = arith.constant 0 : i32
        %dma_wait3A_749 = arith.constant 0 : i32
        %dma_wait3A_750 = tpu.memref_slice %arg4[%sub3A_683, %dma_wait3A_739, %add3A, %dma_wait3A_748, %dma_wait3A_749] : memref<26x8x32x8x128xf32, #tpu.memory_space<hbm>> -> memref<1x1x1x8x128xf32, #tpu.memory_space<hbm>>
        %dma_wait3A_751 = tpu.memref_squeeze %dma_wait3A_750 : memref<1x1x1x8x128xf32, #tpu.memory_space<hbm>> -> memref<8x128xf32, #tpu.memory_space<hbm>>
        %dma_wait3A_752 = arith.constant 24 : i32
        %dma_wait3A_753 = arith.constant 0 : i32
        %dma_wait3A_754 = tpu.memref_slice %arg7[%dma_wait3A_738, %dma_wait3A_752, %dma_wait3A_753] : memref<2x64x129xf32, #tpu.memory_space<vmem>> -> memref<1x8x128xf32, #tpu.memory_space<vmem>>
        %dma_wait3A_755 = tpu.memref_squeeze %dma_wait3A_754 : memref<1x8x128xf32, #tpu.memory_space<vmem>> -> memref<8x128xf32, #tpu.memory_space<vmem>>
        tpu.wait_dma2 semaphore(%arg11 : memref<!tpu.dma_semaphore, #tpu.memory_space<semaphore_mem>>) src(%dma_wait3A_755 : memref<8x128xf32, #tpu.memory_space<vmem>>) dst(%dma_wait3A_751 : memref<8x128xf32, #tpu.memory_space<hbm>>)
        %dma_wait3A_756 = arith.constant 1 : i32
        %dma_wait3A_757 = arith.constant 4 : i32
        %dma_wait3A_758 = arith.constant 32 : i32
        %dma_wait3A_759 = arith.constant 0 : i32
        %dma_wait3A_760 = tpu.memref_slice %arg7[%dma_wait3A_756, %dma_wait3A_758, %dma_wait3A_759] : memref<2x64x129xf32, #tpu.memory_space<vmem>> -> memref<1x8x128xf32, #tpu.memory_space<vmem>>
        %dma_wait3A_761 = tpu.memref_squeeze %dma_wait3A_760 : memref<1x8x128xf32, #tpu.memory_space<vmem>> -> memref<8x128xf32, #tpu.memory_space<vmem>>
        %dma_wait3A_762 = arith.constant 0 : i32
        %dma_wait3A_763 = arith.constant 0 : i32
        %dma_wait3A_764 = tpu.memref_slice %arg4[%sub3A_683, %dma_wait3A_757, %add3A, %dma_wait3A_762, %dma_wait3A_763] : memref<26x8x32x8x128xf32, #tpu.memory_space<hbm>> -> memref<1x1x1x8x128xf32, #tpu.memory_space<hbm>>
        %dma_wait3A_765 = tpu.memref_squeeze %dma_wait3A_764 : memref<1x1x1x8x128xf32, #tpu.memory_space<hbm>> -> memref<8x128xf32, #tpu.memory_space<hbm>>
        %dma_wait3A_766 = arith.constant 0 : i32
        %dma_wait3A_767 = arith.constant 0 : i32
        %dma_wait3A_768 = tpu.memref_slice %arg4[%sub3A_683, %dma_wait3A_757, %add3A, %dma_wait3A_766, %dma_wait3A_767] : memref<26x8x32x8x128xf32, #tpu.memory_space<hbm>> -> memref<1x1x1x8x128xf32, #tpu.memory_space<hbm>>
        %dma_wait3A_769 = tpu.memref_squeeze %dma_wait3A_768 : memref<1x1x1x8x128xf32, #tpu.memory_space<hbm>> -> memref<8x128xf32, #tpu.memory_space<hbm>>
        %dma_wait3A_770 = arith.constant 32 : i32
        %dma_wait3A_771 = arith.constant 0 : i32
        %dma_wait3A_772 = tpu.memref_slice %arg7[%dma_wait3A_756, %dma_wait3A_770, %dma_wait3A_771] : memref<2x64x129xf32, #tpu.memory_space<vmem>> -> memref<1x8x128xf32, #tpu.memory_space<vmem>>
        %dma_wait3A_773 = tpu.memref_squeeze %dma_wait3A_772 : memref<1x8x128xf32, #tpu.memory_space<vmem>> -> memref<8x128xf32, #tpu.memory_space<vmem>>
        tpu.wait_dma2 semaphore(%arg11 : memref<!tpu.dma_semaphore, #tpu.memory_space<semaphore_mem>>) src(%dma_wait3A_773 : memref<8x128xf32, #tpu.memory_space<vmem>>) dst(%dma_wait3A_769 : memref<8x128xf32, #tpu.memory_space<hbm>>)
        %dma_wait3A_774 = arith.constant 1 : i32
        %dma_wait3A_775 = arith.constant 5 : i32
        %dma_wait3A_776 = arith.constant 40 : i32
        %dma_wait3A_777 = arith.constant 0 : i32
        %dma_wait3A_778 = tpu.memref_slice %arg7[%dma_wait3A_774, %dma_wait3A_776, %dma_wait3A_777] : memref<2x64x129xf32, #tpu.memory_space<vmem>> -> memref<1x8x128xf32, #tpu.memory_space<vmem>>
        %dma_wait3A_779 = tpu.memref_squeeze %dma_wait3A_778 : memref<1x8x128xf32, #tpu.memory_space<vmem>> -> memref<8x128xf32, #tpu.memory_space<vmem>>
        %dma_wait3A_780 = arith.constant 0 : i32
        %dma_wait3A_781 = arith.constant 0 : i32
        %dma_wait3A_782 = tpu.memref_slice %arg4[%sub3A_683, %dma_wait3A_775, %add3A, %dma_wait3A_780, %dma_wait3A_781] : memref<26x8x32x8x128xf32, #tpu.memory_space<hbm>> -> memref<1x1x1x8x128xf32, #tpu.memory_space<hbm>>
        %dma_wait3A_783 = tpu.memref_squeeze %dma_wait3A_782 : memref<1x1x1x8x128xf32, #tpu.memory_space<hbm>> -> memref<8x128xf32, #tpu.memory_space<hbm>>
        %dma_wait3A_784 = arith.constant 0 : i32
        %dma_wait3A_785 = arith.constant 0 : i32
        %dma_wait3A_786 = tpu.memref_slice %arg4[%sub3A_683, %dma_wait3A_775, %add3A, %dma_wait3A_784, %dma_wait3A_785] : memref<26x8x32x8x128xf32, #tpu.memory_space<hbm>> -> memref<1x1x1x8x128xf32, #tpu.memory_space<hbm>>
        %dma_wait3A_787 = tpu.memref_squeeze %dma_wait3A_786 : memref<1x1x1x8x128xf32, #tpu.memory_space<hbm>> -> memref<8x128xf32, #tpu.memory_space<hbm>>
        %dma_wait3A_788 = arith.constant 40 : i32
        %dma_wait3A_789 = arith.constant 0 : i32
        %dma_wait3A_790 = tpu.memref_slice %arg7[%dma_wait3A_774, %dma_wait3A_788, %dma_wait3A_789] : memref<2x64x129xf32, #tpu.memory_space<vmem>> -> memref<1x8x128xf32, #tpu.memory_space<vmem>>
        %dma_wait3A_791 = tpu.memref_squeeze %dma_wait3A_790 : memref<1x8x128xf32, #tpu.memory_space<vmem>> -> memref<8x128xf32, #tpu.memory_space<vmem>>
        tpu.wait_dma2 semaphore(%arg11 : memref<!tpu.dma_semaphore, #tpu.memory_space<semaphore_mem>>) src(%dma_wait3A_791 : memref<8x128xf32, #tpu.memory_space<vmem>>) dst(%dma_wait3A_787 : memref<8x128xf32, #tpu.memory_space<hbm>>)
        %dma_wait3A_792 = arith.constant 1 : i32
        %dma_wait3A_793 = arith.constant 6 : i32
        %dma_wait3A_794 = arith.constant 48 : i32
        %dma_wait3A_795 = arith.constant 0 : i32
        %dma_wait3A_796 = tpu.memref_slice %arg7[%dma_wait3A_792, %dma_wait3A_794, %dma_wait3A_795] : memref<2x64x129xf32, #tpu.memory_space<vmem>> -> memref<1x8x128xf32, #tpu.memory_space<vmem>>
        %dma_wait3A_797 = tpu.memref_squeeze %dma_wait3A_796 : memref<1x8x128xf32, #tpu.memory_space<vmem>> -> memref<8x128xf32, #tpu.memory_space<vmem>>
        %dma_wait3A_798 = arith.constant 0 : i32
        %dma_wait3A_799 = arith.constant 0 : i32
        %dma_wait3A_800 = tpu.memref_slice %arg4[%sub3A_683, %dma_wait3A_793, %add3A, %dma_wait3A_798, %dma_wait3A_799] : memref<26x8x32x8x128xf32, #tpu.memory_space<hbm>> -> memref<1x1x1x8x128xf32, #tpu.memory_space<hbm>>
        %dma_wait3A_801 = tpu.memref_squeeze %dma_wait3A_800 : memref<1x1x1x8x128xf32, #tpu.memory_space<hbm>> -> memref<8x128xf32, #tpu.memory_space<hbm>>
        %dma_wait3A_802 = arith.constant 0 : i32
        %dma_wait3A_803 = arith.constant 0 : i32
        %dma_wait3A_804 = tpu.memref_slice %arg4[%sub3A_683, %dma_wait3A_793, %add3A, %dma_wait3A_802, %dma_wait3A_803] : memref<26x8x32x8x128xf32, #tpu.memory_space<hbm>> -> memref<1x1x1x8x128xf32, #tpu.memory_space<hbm>>
        %dma_wait3A_805 = tpu.memref_squeeze %dma_wait3A_804 : memref<1x1x1x8x128xf32, #tpu.memory_space<hbm>> -> memref<8x128xf32, #tpu.memory_space<hbm>>
        %dma_wait3A_806 = arith.constant 48 : i32
        %dma_wait3A_807 = arith.constant 0 : i32
        %dma_wait3A_808 = tpu.memref_slice %arg7[%dma_wait3A_792, %dma_wait3A_806, %dma_wait3A_807] : memref<2x64x129xf32, #tpu.memory_space<vmem>> -> memref<1x8x128xf32, #tpu.memory_space<vmem>>
        %dma_wait3A_809 = tpu.memref_squeeze %dma_wait3A_808 : memref<1x8x128xf32, #tpu.memory_space<vmem>> -> memref<8x128xf32, #tpu.memory_space<vmem>>
        tpu.wait_dma2 semaphore(%arg11 : memref<!tpu.dma_semaphore, #tpu.memory_space<semaphore_mem>>) src(%dma_wait3A_809 : memref<8x128xf32, #tpu.memory_space<vmem>>) dst(%dma_wait3A_805 : memref<8x128xf32, #tpu.memory_space<hbm>>)
        %dma_wait3A_810 = arith.constant 1 : i32
        %dma_wait3A_811 = arith.constant 7 : i32
        %dma_wait3A_812 = arith.constant 56 : i32
        %dma_wait3A_813 = arith.constant 0 : i32
        %dma_wait3A_814 = tpu.memref_slice %arg7[%dma_wait3A_810, %dma_wait3A_812, %dma_wait3A_813] : memref<2x64x129xf32, #tpu.memory_space<vmem>> -> memref<1x8x128xf32, #tpu.memory_space<vmem>>
        %dma_wait3A_815 = tpu.memref_squeeze %dma_wait3A_814 : memref<1x8x128xf32, #tpu.memory_space<vmem>> -> memref<8x128xf32, #tpu.memory_space<vmem>>
        %dma_wait3A_816 = arith.constant 0 : i32
        %dma_wait3A_817 = arith.constant 0 : i32
        %dma_wait3A_818 = tpu.memref_slice %arg4[%sub3A_683, %dma_wait3A_811, %add3A, %dma_wait3A_816, %dma_wait3A_817] : memref<26x8x32x8x128xf32, #tpu.memory_space<hbm>> -> memref<1x1x1x8x128xf32, #tpu.memory_space<hbm>>
        %dma_wait3A_819 = tpu.memref_squeeze %dma_wait3A_818 : memref<1x1x1x8x128xf32, #tpu.memory_space<hbm>> -> memref<8x128xf32, #tpu.memory_space<hbm>>
        %dma_wait3A_820 = arith.constant 0 : i32
        %dma_wait3A_821 = arith.constant 0 : i32
        %dma_wait3A_822 = tpu.memref_slice %arg4[%sub3A_683, %dma_wait3A_811, %add3A, %dma_wait3A_820, %dma_wait3A_821] : memref<26x8x32x8x128xf32, #tpu.memory_space<hbm>> -> memref<1x1x1x8x128xf32, #tpu.memory_space<hbm>>
        %dma_wait3A_823 = tpu.memref_squeeze %dma_wait3A_822 : memref<1x1x1x8x128xf32, #tpu.memory_space<hbm>> -> memref<8x128xf32, #tpu.memory_space<hbm>>
        %dma_wait3A_824 = arith.constant 56 : i32
        %dma_wait3A_825 = arith.constant 0 : i32
        %dma_wait3A_826 = tpu.memref_slice %arg7[%dma_wait3A_810, %dma_wait3A_824, %dma_wait3A_825] : memref<2x64x129xf32, #tpu.memory_space<vmem>> -> memref<1x8x128xf32, #tpu.memory_space<vmem>>
        %dma_wait3A_827 = tpu.memref_squeeze %dma_wait3A_826 : memref<1x8x128xf32, #tpu.memory_space<vmem>> -> memref<8x128xf32, #tpu.memory_space<vmem>>
        tpu.wait_dma2 semaphore(%arg11 : memref<!tpu.dma_semaphore, #tpu.memory_space<semaphore_mem>>) src(%dma_wait3A_827 : memref<8x128xf32, #tpu.memory_space<vmem>>) dst(%dma_wait3A_823 : memref<8x128xf32, #tpu.memory_space<hbm>>)
      } else {
      }
      %scan3A_533 = arith.constant 0 : i32
      %scan3A_534 = arith.constant 0 : i32
      %scan3A_535 = arith.constant 16 : i32
      %scan3A_536 = arith.addi %scan3A_534, %scan3A_535 : i32
      %scan3A_537 = arith.constant 1 : i32
      scf.for %scan3A_683 = %scan3A_534 to %scan3A_536 step %scan3A_537  : i32 {
        %mul3A_684 = arith.constant 8 : i32
        %mul3A_685 = arith.muli %scan3A_683, %mul3A_684 : i32
        %add3A_686 = arith.constant 0 : i32
        %add3A_687 = arith.addi %mul3A_685, %add3A_686 : i32
        %broadcast_in_dim3A = vector.broadcast %add3A_687 : i32 to vector<16xi32>
        %get3A = arith.constant 1 : i32
        %get3A_688 = arith.index_cast %get3A : i32 to index
        %get3A_689 = arith.index_cast %add3A_687 : i32 to index
        %get3A_690 = arith.constant 0 : index
        %get3A_691 = tpu.vector_load %arg6[%get3A_688, %get3A_689, %get3A_690] {strides = array<i32>} : memref<2x128x64xf32, #tpu.memory_space<vmem>>, vector<16xf32>,
        %scatter3A = arith.constant 1 : i32
        %scatter3A_692 = arith.constant 0 : i32
        %scatter3A_693 = arith.constant 0 : i32
        %scatter3A_694 = tpu.memref_slice %arg7[%scatter3A, %scatter3A_692, %scatter3A_693] : memref<2x64x129xf32, #tpu.memory_space<vmem>> -> memref<1x64x129xf32, #tpu.memory_space<vmem>>
        %scatter3A_695 = tpu.memref_squeeze %scatter3A_694 : memref<1x64x129xf32, #tpu.memory_space<vmem>> -> memref<64x129xf32, #tpu.memory_space<vmem>>
        tpu.vector_store_idx %scatter3A_695[%add3A_3, %broadcast_in_dim3A], %get3A_691 : memref<64x129xf32, #tpu.memory_space<vmem>>[vector<16xi32>, vector<16xi32>], vector<16xf32>,
        %get3A_696 = arith.constant 1 : i32
        %get3A_697 = arith.index_cast %get3A_696 : i32 to index
        %get3A_698 = arith.index_cast %add3A_687 : i32 to index
        %get3A_699 = arith.constant 16 : index
        %get3A_700 = tpu.vector_load %arg6[%get3A_697, %get3A_698, %get3A_699] {strides = array<i32>} : memref<2x128x64xf32, #tpu.memory_space<vmem>>, vector<16xf32>,
        %scatter3A_701 = arith.constant 1 : i32
        %scatter3A_702 = arith.constant 0 : i32
        %scatter3A_703 = arith.constant 0 : i32
        %scatter3A_704 = tpu.memref_slice %arg7[%scatter3A_701, %scatter3A_702, %scatter3A_703] : memref<2x64x129xf32, #tpu.memory_space<vmem>> -> memref<1x64x129xf32, #tpu.memory_space<vmem>>
        %scatter3A_705 = tpu.memref_squeeze %scatter3A_704 : memref<1x64x129xf32, #tpu.memory_space<vmem>> -> memref<64x129xf32, #tpu.memory_space<vmem>>
        tpu.vector_store_idx %scatter3A_705[%add3A_6, %broadcast_in_dim3A], %get3A_700 : memref<64x129xf32, #tpu.memory_space<vmem>>[vector<16xi32>, vector<16xi32>], vector<16xf32>,
        %get3A_706 = arith.constant 1 : i32
        %get3A_707 = arith.index_cast %get3A_706 : i32 to index
        %get3A_708 = arith.index_cast %add3A_687 : i32 to index
        %get3A_709 = arith.constant 32 : index
        %get3A_710 = tpu.vector_load %arg6[%get3A_707, %get3A_708, %get3A_709] {strides = array<i32>} : memref<2x128x64xf32, #tpu.memory_space<vmem>>, vector<16xf32>,
        %scatter3A_711 = arith.constant 1 : i32
        %scatter3A_712 = arith.constant 0 : i32
        %scatter3A_713 = arith.constant 0 : i32
        %scatter3A_714 = tpu.memref_slice %arg7[%scatter3A_711, %scatter3A_712, %scatter3A_713] : memref<2x64x129xf32, #tpu.memory_space<vmem>> -> memref<1x64x129xf32, #tpu.memory_space<vmem>>
        %scatter3A_715 = tpu.memref_squeeze %scatter3A_714 : memref<1x64x129xf32, #tpu.memory_space<vmem>> -> memref<64x129xf32, #tpu.memory_space<vmem>>
        tpu.vector_store_idx %scatter3A_715[%add3A_9, %broadcast_in_dim3A], %get3A_710 : memref<64x129xf32, #tpu.memory_space<vmem>>[vector<16xi32>, vector<16xi32>], vector<16xf32>,
        %get3A_716 = arith.constant 1 : i32
        %get3A_717 = arith.index_cast %get3A_716 : i32 to index
        %get3A_718 = arith.index_cast %add3A_687 : i32 to index
        %get3A_719 = arith.constant 48 : index
        %get3A_720 = tpu.vector_load %arg6[%get3A_717, %get3A_718, %get3A_719] {strides = array<i32>} : memref<2x128x64xf32, #tpu.memory_space<vmem>>, vector<16xf32>,
        %scatter3A_721 = arith.constant 1 : i32
        %scatter3A_722 = arith.constant 0 : i32
        %scatter3A_723 = arith.constant 0 : i32
        %scatter3A_724 = tpu.memref_slice %arg7[%scatter3A_721, %scatter3A_722, %scatter3A_723] : memref<2x64x129xf32, #tpu.memory_space<vmem>> -> memref<1x64x129xf32, #tpu.memory_space<vmem>>
        %scatter3A_725 = tpu.memref_squeeze %scatter3A_724 : memref<1x64x129xf32, #tpu.memory_space<vmem>> -> memref<64x129xf32, #tpu.memory_space<vmem>>
        tpu.vector_store_idx %scatter3A_725[%add3A_12, %broadcast_in_dim3A], %get3A_720 : memref<64x129xf32, #tpu.memory_space<vmem>>[vector<16xi32>, vector<16xi32>], vector<16xf32>,
        %add3A_726 = arith.constant 1 : i32
        %add3A_727 = arith.addi %mul3A_685, %add3A_726 : i32
        %broadcast_in_dim3A_728 = vector.broadcast %add3A_727 : i32 to vector<16xi32>
        %get3A_729 = arith.constant 1 : i32
        %get3A_730 = arith.index_cast %get3A_729 : i32 to index
        %get3A_731 = arith.index_cast %add3A_727 : i32 to index
        %get3A_732 = arith.constant 0 : index
        %get3A_733 = tpu.vector_load %arg6[%get3A_730, %get3A_731, %get3A_732] {strides = array<i32>} : memref<2x128x64xf32, #tpu.memory_space<vmem>>, vector<16xf32>,
        %scatter3A_734 = arith.constant 1 : i32
        %scatter3A_735 = arith.constant 0 : i32
        %scatter3A_736 = arith.constant 0 : i32
        %scatter3A_737 = tpu.memref_slice %arg7[%scatter3A_734, %scatter3A_735, %scatter3A_736] : memref<2x64x129xf32, #tpu.memory_space<vmem>> -> memref<1x64x129xf32, #tpu.memory_space<vmem>>
        %scatter3A_738 = tpu.memref_squeeze %scatter3A_737 : memref<1x64x129xf32, #tpu.memory_space<vmem>> -> memref<64x129xf32, #tpu.memory_space<vmem>>
        tpu.vector_store_idx %scatter3A_738[%add3A_3, %broadcast_in_dim3A_728], %get3A_733 : memref<64x129xf32, #tpu.memory_space<vmem>>[vector<16xi32>, vector<16xi32>], vector<16xf32>,
        %get3A_739 = arith.constant 1 : i32
        %get3A_740 = arith.index_cast %get3A_739 : i32 to index
        %get3A_741 = arith.index_cast %add3A_727 : i32 to index
        %get3A_742 = arith.constant 16 : index
        %get3A_743 = tpu.vector_load %arg6[%get3A_740, %get3A_741, %get3A_742] {strides = array<i32>} : memref<2x128x64xf32, #tpu.memory_space<vmem>>, vector<16xf32>,
        %scatter3A_744 = arith.constant 1 : i32
        %scatter3A_745 = arith.constant 0 : i32
        %scatter3A_746 = arith.constant 0 : i32
        %scatter3A_747 = tpu.memref_slice %arg7[%scatter3A_744, %scatter3A_745, %scatter3A_746] : memref<2x64x129xf32, #tpu.memory_space<vmem>> -> memref<1x64x129xf32, #tpu.memory_space<vmem>>
        %scatter3A_748 = tpu.memref_squeeze %scatter3A_747 : memref<1x64x129xf32, #tpu.memory_space<vmem>> -> memref<64x129xf32, #tpu.memory_space<vmem>>
        tpu.vector_store_idx %scatter3A_748[%add3A_6, %broadcast_in_dim3A_728], %get3A_743 : memref<64x129xf32, #tpu.memory_space<vmem>>[vector<16xi32>, vector<16xi32>], vector<16xf32>,
        %get3A_749 = arith.constant 1 : i32
        %get3A_750 = arith.index_cast %get3A_749 : i32 to index
        %get3A_751 = arith.index_cast %add3A_727 : i32 to index
        %get3A_752 = arith.constant 32 : index
        %get3A_753 = tpu.vector_load %arg6[%get3A_750, %get3A_751, %get3A_752] {strides = array<i32>} : memref<2x128x64xf32, #tpu.memory_space<vmem>>, vector<16xf32>,
        %scatter3A_754 = arith.constant 1 : i32
        %scatter3A_755 = arith.constant 0 : i32
        %scatter3A_756 = arith.constant 0 : i32
        %scatter3A_757 = tpu.memref_slice %arg7[%scatter3A_754, %scatter3A_755, %scatter3A_756] : memref<2x64x129xf32, #tpu.memory_space<vmem>> -> memref<1x64x129xf32, #tpu.memory_space<vmem>>
        %scatter3A_758 = tpu.memref_squeeze %scatter3A_757 : memref<1x64x129xf32, #tpu.memory_space<vmem>> -> memref<64x129xf32, #tpu.memory_space<vmem>>
        tpu.vector_store_idx %scatter3A_758[%add3A_9, %broadcast_in_dim3A_728], %get3A_753 : memref<64x129xf32, #tpu.memory_space<vmem>>[vector<16xi32>, vector<16xi32>], vector<16xf32>,
        %get3A_759 = arith.constant 1 : i32
        %get3A_760 = arith.index_cast %get3A_759 : i32 to index
        %get3A_761 = arith.index_cast %add3A_727 : i32 to index
        %get3A_762 = arith.constant 48 : index
        %get3A_763 = tpu.vector_load %arg6[%get3A_760, %get3A_761, %get3A_762] {strides = array<i32>} : memref<2x128x64xf32, #tpu.memory_space<vmem>>, vector<16xf32>,
        %scatter3A_764 = arith.constant 1 : i32
        %scatter3A_765 = arith.constant 0 : i32
        %scatter3A_766 = arith.constant 0 : i32
        %scatter3A_767 = tpu.memref_slice %arg7[%scatter3A_764, %scatter3A_765, %scatter3A_766] : memref<2x64x129xf32, #tpu.memory_space<vmem>> -> memref<1x64x129xf32, #tpu.memory_space<vmem>>
        %scatter3A_768 = tpu.memref_squeeze %scatter3A_767 : memref<1x64x129xf32, #tpu.memory_space<vmem>> -> memref<64x129xf32, #tpu.memory_space<vmem>>
        tpu.vector_store_idx %scatter3A_768[%add3A_12, %broadcast_in_dim3A_728], %get3A_763 : memref<64x129xf32, #tpu.memory_space<vmem>>[vector<16xi32>, vector<16xi32>], vector<16xf32>,
        %add3A_769 = arith.constant 2 : i32
        %add3A_770 = arith.addi %mul3A_685, %add3A_769 : i32
        %broadcast_in_dim3A_771 = vector.broadcast %add3A_770 : i32 to vector<16xi32>
        %get3A_772 = arith.constant 1 : i32
        %get3A_773 = arith.index_cast %get3A_772 : i32 to index
        %get3A_774 = arith.index_cast %add3A_770 : i32 to index
        %get3A_775 = arith.constant 0 : index
        %get3A_776 = tpu.vector_load %arg6[%get3A_773, %get3A_774, %get3A_775] {strides = array<i32>} : memref<2x128x64xf32, #tpu.memory_space<vmem>>, vector<16xf32>,
        %scatter3A_777 = arith.constant 1 : i32
        %scatter3A_778 = arith.constant 0 : i32
        %scatter3A_779 = arith.constant 0 : i32
        %scatter3A_780 = tpu.memref_slice %arg7[%scatter3A_777, %scatter3A_778, %scatter3A_779] : memref<2x64x129xf32, #tpu.memory_space<vmem>> -> memref<1x64x129xf32, #tpu.memory_space<vmem>>
        %scatter3A_781 = tpu.memref_squeeze %scatter3A_780 : memref<1x64x129xf32, #tpu.memory_space<vmem>> -> memref<64x129xf32, #tpu.memory_space<vmem>>
        tpu.vector_store_idx %scatter3A_781[%add3A_3, %broadcast_in_dim3A_771], %get3A_776 : memref<64x129xf32, #tpu.memory_space<vmem>>[vector<16xi32>, vector<16xi32>], vector<16xf32>,
        %get3A_782 = arith.constant 1 : i32
        %get3A_783 = arith.index_cast %get3A_782 : i32 to index
        %get3A_784 = arith.index_cast %add3A_770 : i32 to index
        %get3A_785 = arith.constant 16 : index
        %get3A_786 = tpu.vector_load %arg6[%get3A_783, %get3A_784, %get3A_785] {strides = array<i32>} : memref<2x128x64xf32, #tpu.memory_space<vmem>>, vector<16xf32>,
        %scatter3A_787 = arith.constant 1 : i32
        %scatter3A_788 = arith.constant 0 : i32
        %scatter3A_789 = arith.constant 0 : i32
        %scatter3A_790 = tpu.memref_slice %arg7[%scatter3A_787, %scatter3A_788, %scatter3A_789] : memref<2x64x129xf32, #tpu.memory_space<vmem>> -> memref<1x64x129xf32, #tpu.memory_space<vmem>>
        %scatter3A_791 = tpu.memref_squeeze %scatter3A_790 : memref<1x64x129xf32, #tpu.memory_space<vmem>> -> memref<64x129xf32, #tpu.memory_space<vmem>>
        tpu.vector_store_idx %scatter3A_791[%add3A_6, %broadcast_in_dim3A_771], %get3A_786 : memref<64x129xf32, #tpu.memory_space<vmem>>[vector<16xi32>, vector<16xi32>], vector<16xf32>,
        %get3A_792 = arith.constant 1 : i32
        %get3A_793 = arith.index_cast %get3A_792 : i32 to index
        %get3A_794 = arith.index_cast %add3A_770 : i32 to index
        %get3A_795 = arith.constant 32 : index
        %get3A_796 = tpu.vector_load %arg6[%get3A_793, %get3A_794, %get3A_795] {strides = array<i32>} : memref<2x128x64xf32, #tpu.memory_space<vmem>>, vector<16xf32>,
        %scatter3A_797 = arith.constant 1 : i32
        %scatter3A_798 = arith.constant 0 : i32
        %scatter3A_799 = arith.constant 0 : i32
        %scatter3A_800 = tpu.memref_slice %arg7[%scatter3A_797, %scatter3A_798, %scatter3A_799] : memref<2x64x129xf32, #tpu.memory_space<vmem>> -> memref<1x64x129xf32, #tpu.memory_space<vmem>>
        %scatter3A_801 = tpu.memref_squeeze %scatter3A_800 : memref<1x64x129xf32, #tpu.memory_space<vmem>> -> memref<64x129xf32, #tpu.memory_space<vmem>>
        tpu.vector_store_idx %scatter3A_801[%add3A_9, %broadcast_in_dim3A_771], %get3A_796 : memref<64x129xf32, #tpu.memory_space<vmem>>[vector<16xi32>, vector<16xi32>], vector<16xf32>,
        %get3A_802 = arith.constant 1 : i32
        %get3A_803 = arith.index_cast %get3A_802 : i32 to index
        %get3A_804 = arith.index_cast %add3A_770 : i32 to index
        %get3A_805 = arith.constant 48 : index
        %get3A_806 = tpu.vector_load %arg6[%get3A_803, %get3A_804, %get3A_805] {strides = array<i32>} : memref<2x128x64xf32, #tpu.memory_space<vmem>>, vector<16xf32>,
        %scatter3A_807 = arith.constant 1 : i32
        %scatter3A_808 = arith.constant 0 : i32
        %scatter3A_809 = arith.constant 0 : i32
        %scatter3A_810 = tpu.memref_slice %arg7[%scatter3A_807, %scatter3A_808, %scatter3A_809] : memref<2x64x129xf32, #tpu.memory_space<vmem>> -> memref<1x64x129xf32, #tpu.memory_space<vmem>>
        %scatter3A_811 = tpu.memref_squeeze %scatter3A_810 : memref<1x64x129xf32, #tpu.memory_space<vmem>> -> memref<64x129xf32, #tpu.memory_space<vmem>>
        tpu.vector_store_idx %scatter3A_811[%add3A_12, %broadcast_in_dim3A_771], %get3A_806 : memref<64x129xf32, #tpu.memory_space<vmem>>[vector<16xi32>, vector<16xi32>], vector<16xf32>,
        %add3A_812 = arith.constant 3 : i32
        %add3A_813 = arith.addi %mul3A_685, %add3A_812 : i32
        %broadcast_in_dim3A_814 = vector.broadcast %add3A_813 : i32 to vector<16xi32>
        %get3A_815 = arith.constant 1 : i32
        %get3A_816 = arith.index_cast %get3A_815 : i32 to index
        %get3A_817 = arith.index_cast %add3A_813 : i32 to index
        %get3A_818 = arith.constant 0 : index
        %get3A_819 = tpu.vector_load %arg6[%get3A_816, %get3A_817, %get3A_818] {strides = array<i32>} : memref<2x128x64xf32, #tpu.memory_space<vmem>>, vector<16xf32>,
        %scatter3A_820 = arith.constant 1 : i32
        %scatter3A_821 = arith.constant 0 : i32
        %scatter3A_822 = arith.constant 0 : i32
        %scatter3A_823 = tpu.memref_slice %arg7[%scatter3A_820, %scatter3A_821, %scatter3A_822] : memref<2x64x129xf32, #tpu.memory_space<vmem>> -> memref<1x64x129xf32, #tpu.memory_space<vmem>>
        %scatter3A_824 = tpu.memref_squeeze %scatter3A_823 : memref<1x64x129xf32, #tpu.memory_space<vmem>> -> memref<64x129xf32, #tpu.memory_space<vmem>>
        tpu.vector_store_idx %scatter3A_824[%add3A_3, %broadcast_in_dim3A_814], %get3A_819 : memref<64x129xf32, #tpu.memory_space<vmem>>[vector<16xi32>, vector<16xi32>], vector<16xf32>,
        %get3A_825 = arith.constant 1 : i32
        %get3A_826 = arith.index_cast %get3A_825 : i32 to index
        %get3A_827 = arith.index_cast %add3A_813 : i32 to index
        %get3A_828 = arith.constant 16 : index
        %get3A_829 = tpu.vector_load %arg6[%get3A_826, %get3A_827, %get3A_828] {strides = array<i32>} : memref<2x128x64xf32, #tpu.memory_space<vmem>>, vector<16xf32>,
        %scatter3A_830 = arith.constant 1 : i32
        %scatter3A_831 = arith.constant 0 : i32
        %scatter3A_832 = arith.constant 0 : i32
        %scatter3A_833 = tpu.memref_slice %arg7[%scatter3A_830, %scatter3A_831, %scatter3A_832] : memref<2x64x129xf32, #tpu.memory_space<vmem>> -> memref<1x64x129xf32, #tpu.memory_space<vmem>>
        %scatter3A_834 = tpu.memref_squeeze %scatter3A_833 : memref<1x64x129xf32, #tpu.memory_space<vmem>> -> memref<64x129xf32, #tpu.memory_space<vmem>>
        tpu.vector_store_idx %scatter3A_834[%add3A_6, %broadcast_in_dim3A_814], %get3A_829 : memref<64x129xf32, #tpu.memory_space<vmem>>[vector<16xi32>, vector<16xi32>], vector<16xf32>,
        %get3A_835 = arith.constant 1 : i32
        %get3A_836 = arith.index_cast %get3A_835 : i32 to index
        %get3A_837 = arith.index_cast %add3A_813 : i32 to index
        %get3A_838 = arith.constant 32 : index
        %get3A_839 = tpu.vector_load %arg6[%get3A_836, %get3A_837, %get3A_838] {strides = array<i32>} : memref<2x128x64xf32, #tpu.memory_space<vmem>>, vector<16xf32>,
        %scatter3A_840 = arith.constant 1 : i32
        %scatter3A_841 = arith.constant 0 : i32
        %scatter3A_842 = arith.constant 0 : i32
        %scatter3A_843 = tpu.memref_slice %arg7[%scatter3A_840, %scatter3A_841, %scatter3A_842] : memref<2x64x129xf32, #tpu.memory_space<vmem>> -> memref<1x64x129xf32, #tpu.memory_space<vmem>>
        %scatter3A_844 = tpu.memref_squeeze %scatter3A_843 : memref<1x64x129xf32, #tpu.memory_space<vmem>> -> memref<64x129xf32, #tpu.memory_space<vmem>>
        tpu.vector_store_idx %scatter3A_844[%add3A_9, %broadcast_in_dim3A_814], %get3A_839 : memref<64x129xf32, #tpu.memory_space<vmem>>[vector<16xi32>, vector<16xi32>], vector<16xf32>,
        %get3A_845 = arith.constant 1 : i32
        %get3A_846 = arith.index_cast %get3A_845 : i32 to index
        %get3A_847 = arith.index_cast %add3A_813 : i32 to index
        %get3A_848 = arith.constant 48 : index
        %get3A_849 = tpu.vector_load %arg6[%get3A_846, %get3A_847, %get3A_848] {strides = array<i32>} : memref<2x128x64xf32, #tpu.memory_space<vmem>>, vector<16xf32>,
        %scatter3A_850 = arith.constant 1 : i32
        %scatter3A_851 = arith.constant 0 : i32
        %scatter3A_852 = arith.constant 0 : i32
        %scatter3A_853 = tpu.memref_slice %arg7[%scatter3A_850, %scatter3A_851, %scatter3A_852] : memref<2x64x129xf32, #tpu.memory_space<vmem>> -> memref<1x64x129xf32, #tpu.memory_space<vmem>>
        %scatter3A_854 = tpu.memref_squeeze %scatter3A_853 : memref<1x64x129xf32, #tpu.memory_space<vmem>> -> memref<64x129xf32, #tpu.memory_space<vmem>>
        tpu.vector_store_idx %scatter3A_854[%add3A_12, %broadcast_in_dim3A_814], %get3A_849 : memref<64x129xf32, #tpu.memory_space<vmem>>[vector<16xi32>, vector<16xi32>], vector<16xf32>,
        %add3A_855 = arith.constant 4 : i32
        %add3A_856 = arith.addi %mul3A_685, %add3A_855 : i32
        %broadcast_in_dim3A_857 = vector.broadcast %add3A_856 : i32 to vector<16xi32>
        %get3A_858 = arith.constant 1 : i32
        %get3A_859 = arith.index_cast %get3A_858 : i32 to index
        %get3A_860 = arith.index_cast %add3A_856 : i32 to index
        %get3A_861 = arith.constant 0 : index
        %get3A_862 = tpu.vector_load %arg6[%get3A_859, %get3A_860, %get3A_861] {strides = array<i32>} : memref<2x128x64xf32, #tpu.memory_space<vmem>>, vector<16xf32>,
        %scatter3A_863 = arith.constant 1 : i32
        %scatter3A_864 = arith.constant 0 : i32
        %scatter3A_865 = arith.constant 0 : i32
        %scatter3A_866 = tpu.memref_slice %arg7[%scatter3A_863, %scatter3A_864, %scatter3A_865] : memref<2x64x129xf32, #tpu.memory_space<vmem>> -> memref<1x64x129xf32, #tpu.memory_space<vmem>>
        %scatter3A_867 = tpu.memref_squeeze %scatter3A_866 : memref<1x64x129xf32, #tpu.memory_space<vmem>> -> memref<64x129xf32, #tpu.memory_space<vmem>>
        tpu.vector_store_idx %scatter3A_867[%add3A_3, %broadcast_in_dim3A_857], %get3A_862 : memref<64x129xf32, #tpu.memory_space<vmem>>[vector<16xi32>, vector<16xi32>], vector<16xf32>,
        %get3A_868 = arith.constant 1 : i32
        %get3A_869 = arith.index_cast %get3A_868 : i32 to index
        %get3A_870 = arith.index_cast %add3A_856 : i32 to index
        %get3A_871 = arith.constant 16 : index
        %get3A_872 = tpu.vector_load %arg6[%get3A_869, %get3A_870, %get3A_871] {strides = array<i32>} : memref<2x128x64xf32, #tpu.memory_space<vmem>>, vector<16xf32>,
        %scatter3A_873 = arith.constant 1 : i32
        %scatter3A_874 = arith.constant 0 : i32
        %scatter3A_875 = arith.constant 0 : i32
        %scatter3A_876 = tpu.memref_slice %arg7[%scatter3A_873, %scatter3A_874, %scatter3A_875] : memref<2x64x129xf32, #tpu.memory_space<vmem>> -> memref<1x64x129xf32, #tpu.memory_space<vmem>>
        %scatter3A_877 = tpu.memref_squeeze %scatter3A_876 : memref<1x64x129xf32, #tpu.memory_space<vmem>> -> memref<64x129xf32, #tpu.memory_space<vmem>>
        tpu.vector_store_idx %scatter3A_877[%add3A_6, %broadcast_in_dim3A_857], %get3A_872 : memref<64x129xf32, #tpu.memory_space<vmem>>[vector<16xi32>, vector<16xi32>], vector<16xf32>,
        %get3A_878 = arith.constant 1 : i32
        %get3A_879 = arith.index_cast %get3A_878 : i32 to index
        %get3A_880 = arith.index_cast %add3A_856 : i32 to index
        %get3A_881 = arith.constant 32 : index
        %get3A_882 = tpu.vector_load %arg6[%get3A_879, %get3A_880, %get3A_881] {strides = array<i32>} : memref<2x128x64xf32, #tpu.memory_space<vmem>>, vector<16xf32>,
        %scatter3A_883 = arith.constant 1 : i32
        %scatter3A_884 = arith.constant 0 : i32
        %scatter3A_885 = arith.constant 0 : i32
        %scatter3A_886 = tpu.memref_slice %arg7[%scatter3A_883, %scatter3A_884, %scatter3A_885] : memref<2x64x129xf32, #tpu.memory_space<vmem>> -> memref<1x64x129xf32, #tpu.memory_space<vmem>>
        %scatter3A_887 = tpu.memref_squeeze %scatter3A_886 : memref<1x64x129xf32, #tpu.memory_space<vmem>> -> memref<64x129xf32, #tpu.memory_space<vmem>>
        tpu.vector_store_idx %scatter3A_887[%add3A_9, %broadcast_in_dim3A_857], %get3A_882 : memref<64x129xf32, #tpu.memory_space<vmem>>[vector<16xi32>, vector<16xi32>], vector<16xf32>,
        %get3A_888 = arith.constant 1 : i32
        %get3A_889 = arith.index_cast %get3A_888 : i32 to index
        %get3A_890 = arith.index_cast %add3A_856 : i32 to index
        %get3A_891 = arith.constant 48 : index
        %get3A_892 = tpu.vector_load %arg6[%get3A_889, %get3A_890, %get3A_891] {strides = array<i32>} : memref<2x128x64xf32, #tpu.memory_space<vmem>>, vector<16xf32>,
        %scatter3A_893 = arith.constant 1 : i32
        %scatter3A_894 = arith.constant 0 : i32
        %scatter3A_895 = arith.constant 0 : i32
        %scatter3A_896 = tpu.memref_slice %arg7[%scatter3A_893, %scatter3A_894, %scatter3A_895] : memref<2x64x129xf32, #tpu.memory_space<vmem>> -> memref<1x64x129xf32, #tpu.memory_space<vmem>>
        %scatter3A_897 = tpu.memref_squeeze %scatter3A_896 : memref<1x64x129xf32, #tpu.memory_space<vmem>> -> memref<64x129xf32, #tpu.memory_space<vmem>>
        tpu.vector_store_idx %scatter3A_897[%add3A_12, %broadcast_in_dim3A_857], %get3A_892 : memref<64x129xf32, #tpu.memory_space<vmem>>[vector<16xi32>, vector<16xi32>], vector<16xf32>,
        %add3A_898 = arith.constant 5 : i32
        %add3A_899 = arith.addi %mul3A_685, %add3A_898 : i32
        %broadcast_in_dim3A_900 = vector.broadcast %add3A_899 : i32 to vector<16xi32>
        %get3A_901 = arith.constant 1 : i32
        %get3A_902 = arith.index_cast %get3A_901 : i32 to index
        %get3A_903 = arith.index_cast %add3A_899 : i32 to index
        %get3A_904 = arith.constant 0 : index
        %get3A_905 = tpu.vector_load %arg6[%get3A_902, %get3A_903, %get3A_904] {strides = array<i32>} : memref<2x128x64xf32, #tpu.memory_space<vmem>>, vector<16xf32>,
        %scatter3A_906 = arith.constant 1 : i32
        %scatter3A_907 = arith.constant 0 : i32
        %scatter3A_908 = arith.constant 0 : i32
        %scatter3A_909 = tpu.memref_slice %arg7[%scatter3A_906, %scatter3A_907, %scatter3A_908] : memref<2x64x129xf32, #tpu.memory_space<vmem>> -> memref<1x64x129xf32, #tpu.memory_space<vmem>>
        %scatter3A_910 = tpu.memref_squeeze %scatter3A_909 : memref<1x64x129xf32, #tpu.memory_space<vmem>> -> memref<64x129xf32, #tpu.memory_space<vmem>>
        tpu.vector_store_idx %scatter3A_910[%add3A_3, %broadcast_in_dim3A_900], %get3A_905 : memref<64x129xf32, #tpu.memory_space<vmem>>[vector<16xi32>, vector<16xi32>], vector<16xf32>,
        %get3A_911 = arith.constant 1 : i32
        %get3A_912 = arith.index_cast %get3A_911 : i32 to index
        %get3A_913 = arith.index_cast %add3A_899 : i32 to index
        %get3A_914 = arith.constant 16 : index
        %get3A_915 = tpu.vector_load %arg6[%get3A_912, %get3A_913, %get3A_914] {strides = array<i32>} : memref<2x128x64xf32, #tpu.memory_space<vmem>>, vector<16xf32>,
        %scatter3A_916 = arith.constant 1 : i32
        %scatter3A_917 = arith.constant 0 : i32
        %scatter3A_918 = arith.constant 0 : i32
        %scatter3A_919 = tpu.memref_slice %arg7[%scatter3A_916, %scatter3A_917, %scatter3A_918] : memref<2x64x129xf32, #tpu.memory_space<vmem>> -> memref<1x64x129xf32, #tpu.memory_space<vmem>>
        %scatter3A_920 = tpu.memref_squeeze %scatter3A_919 : memref<1x64x129xf32, #tpu.memory_space<vmem>> -> memref<64x129xf32, #tpu.memory_space<vmem>>
        tpu.vector_store_idx %scatter3A_920[%add3A_6, %broadcast_in_dim3A_900], %get3A_915 : memref<64x129xf32, #tpu.memory_space<vmem>>[vector<16xi32>, vector<16xi32>], vector<16xf32>,
        %get3A_921 = arith.constant 1 : i32
        %get3A_922 = arith.index_cast %get3A_921 : i32 to index
        %get3A_923 = arith.index_cast %add3A_899 : i32 to index
        %get3A_924 = arith.constant 32 : index
        %get3A_925 = tpu.vector_load %arg6[%get3A_922, %get3A_923, %get3A_924] {strides = array<i32>} : memref<2x128x64xf32, #tpu.memory_space<vmem>>, vector<16xf32>,
        %scatter3A_926 = arith.constant 1 : i32
        %scatter3A_927 = arith.constant 0 : i32
        %scatter3A_928 = arith.constant 0 : i32
        %scatter3A_929 = tpu.memref_slice %arg7[%scatter3A_926, %scatter3A_927, %scatter3A_928] : memref<2x64x129xf32, #tpu.memory_space<vmem>> -> memref<1x64x129xf32, #tpu.memory_space<vmem>>
        %scatter3A_930 = tpu.memref_squeeze %scatter3A_929 : memref<1x64x129xf32, #tpu.memory_space<vmem>> -> memref<64x129xf32, #tpu.memory_space<vmem>>
        tpu.vector_store_idx %scatter3A_930[%add3A_9, %broadcast_in_dim3A_900], %get3A_925 : memref<64x129xf32, #tpu.memory_space<vmem>>[vector<16xi32>, vector<16xi32>], vector<16xf32>,
        %get3A_931 = arith.constant 1 : i32
        %get3A_932 = arith.index_cast %get3A_931 : i32 to index
        %get3A_933 = arith.index_cast %add3A_899 : i32 to index
        %get3A_934 = arith.constant 48 : index
        %get3A_935 = tpu.vector_load %arg6[%get3A_932, %get3A_933, %get3A_934] {strides = array<i32>} : memref<2x128x64xf32, #tpu.memory_space<vmem>>, vector<16xf32>,
        %scatter3A_936 = arith.constant 1 : i32
        %scatter3A_937 = arith.constant 0 : i32
        %scatter3A_938 = arith.constant 0 : i32
        %scatter3A_939 = tpu.memref_slice %arg7[%scatter3A_936, %scatter3A_937, %scatter3A_938] : memref<2x64x129xf32, #tpu.memory_space<vmem>> -> memref<1x64x129xf32, #tpu.memory_space<vmem>>
        %scatter3A_940 = tpu.memref_squeeze %scatter3A_939 : memref<1x64x129xf32, #tpu.memory_space<vmem>> -> memref<64x129xf32, #tpu.memory_space<vmem>>
        tpu.vector_store_idx %scatter3A_940[%add3A_12, %broadcast_in_dim3A_900], %get3A_935 : memref<64x129xf32, #tpu.memory_space<vmem>>[vector<16xi32>, vector<16xi32>], vector<16xf32>,
        %add3A_941 = arith.constant 6 : i32
        %add3A_942 = arith.addi %mul3A_685, %add3A_941 : i32
        %broadcast_in_dim3A_943 = vector.broadcast %add3A_942 : i32 to vector<16xi32>
        %get3A_944 = arith.constant 1 : i32
        %get3A_945 = arith.index_cast %get3A_944 : i32 to index
        %get3A_946 = arith.index_cast %add3A_942 : i32 to index
        %get3A_947 = arith.constant 0 : index
        %get3A_948 = tpu.vector_load %arg6[%get3A_945, %get3A_946, %get3A_947] {strides = array<i32>} : memref<2x128x64xf32, #tpu.memory_space<vmem>>, vector<16xf32>,
        %scatter3A_949 = arith.constant 1 : i32
        %scatter3A_950 = arith.constant 0 : i32
        %scatter3A_951 = arith.constant 0 : i32
        %scatter3A_952 = tpu.memref_slice %arg7[%scatter3A_949, %scatter3A_950, %scatter3A_951] : memref<2x64x129xf32, #tpu.memory_space<vmem>> -> memref<1x64x129xf32, #tpu.memory_space<vmem>>
        %scatter3A_953 = tpu.memref_squeeze %scatter3A_952 : memref<1x64x129xf32, #tpu.memory_space<vmem>> -> memref<64x129xf32, #tpu.memory_space<vmem>>
        tpu.vector_store_idx %scatter3A_953[%add3A_3, %broadcast_in_dim3A_943], %get3A_948 : memref<64x129xf32, #tpu.memory_space<vmem>>[vector<16xi32>, vector<16xi32>], vector<16xf32>,
        %get3A_954 = arith.constant 1 : i32
        %get3A_955 = arith.index_cast %get3A_954 : i32 to index
        %get3A_956 = arith.index_cast %add3A_942 : i32 to index
        %get3A_957 = arith.constant 16 : index
        %get3A_958 = tpu.vector_load %arg6[%get3A_955, %get3A_956, %get3A_957] {strides = array<i32>} : memref<2x128x64xf32, #tpu.memory_space<vmem>>, vector<16xf32>,
        %scatter3A_959 = arith.constant 1 : i32
        %scatter3A_960 = arith.constant 0 : i32
        %scatter3A_961 = arith.constant 0 : i32
        %scatter3A_962 = tpu.memref_slice %arg7[%scatter3A_959, %scatter3A_960, %scatter3A_961] : memref<2x64x129xf32, #tpu.memory_space<vmem>> -> memref<1x64x129xf32, #tpu.memory_space<vmem>>
        %scatter3A_963 = tpu.memref_squeeze %scatter3A_962 : memref<1x64x129xf32, #tpu.memory_space<vmem>> -> memref<64x129xf32, #tpu.memory_space<vmem>>
        tpu.vector_store_idx %scatter3A_963[%add3A_6, %broadcast_in_dim3A_943], %get3A_958 : memref<64x129xf32, #tpu.memory_space<vmem>>[vector<16xi32>, vector<16xi32>], vector<16xf32>,
        %get3A_964 = arith.constant 1 : i32
        %get3A_965 = arith.index_cast %get3A_964 : i32 to index
        %get3A_966 = arith.index_cast %add3A_942 : i32 to index
        %get3A_967 = arith.constant 32 : index
        %get3A_968 = tpu.vector_load %arg6[%get3A_965, %get3A_966, %get3A_967] {strides = array<i32>} : memref<2x128x64xf32, #tpu.memory_space<vmem>>, vector<16xf32>,
        %scatter3A_969 = arith.constant 1 : i32
        %scatter3A_970 = arith.constant 0 : i32
        %scatter3A_971 = arith.constant 0 : i32
        %scatter3A_972 = tpu.memref_slice %arg7[%scatter3A_969, %scatter3A_970, %scatter3A_971] : memref<2x64x129xf32, #tpu.memory_space<vmem>> -> memref<1x64x129xf32, #tpu.memory_space<vmem>>
        %scatter3A_973 = tpu.memref_squeeze %scatter3A_972 : memref<1x64x129xf32, #tpu.memory_space<vmem>> -> memref<64x129xf32, #tpu.memory_space<vmem>>
        tpu.vector_store_idx %scatter3A_973[%add3A_9, %broadcast_in_dim3A_943], %get3A_968 : memref<64x129xf32, #tpu.memory_space<vmem>>[vector<16xi32>, vector<16xi32>], vector<16xf32>,
        %get3A_974 = arith.constant 1 : i32
        %get3A_975 = arith.index_cast %get3A_974 : i32 to index
        %get3A_976 = arith.index_cast %add3A_942 : i32 to index
        %get3A_977 = arith.constant 48 : index
        %get3A_978 = tpu.vector_load %arg6[%get3A_975, %get3A_976, %get3A_977] {strides = array<i32>} : memref<2x128x64xf32, #tpu.memory_space<vmem>>, vector<16xf32>,
        %scatter3A_979 = arith.constant 1 : i32
        %scatter3A_980 = arith.constant 0 : i32
        %scatter3A_981 = arith.constant 0 : i32
        %scatter3A_982 = tpu.memref_slice %arg7[%scatter3A_979, %scatter3A_980, %scatter3A_981] : memref<2x64x129xf32, #tpu.memory_space<vmem>> -> memref<1x64x129xf32, #tpu.memory_space<vmem>>
        %scatter3A_983 = tpu.memref_squeeze %scatter3A_982 : memref<1x64x129xf32, #tpu.memory_space<vmem>> -> memref<64x129xf32, #tpu.memory_space<vmem>>
        tpu.vector_store_idx %scatter3A_983[%add3A_12, %broadcast_in_dim3A_943], %get3A_978 : memref<64x129xf32, #tpu.memory_space<vmem>>[vector<16xi32>, vector<16xi32>], vector<16xf32>,
        %add3A_984 = arith.constant 7 : i32
        %add3A_985 = arith.addi %mul3A_685, %add3A_984 : i32
        %broadcast_in_dim3A_986 = vector.broadcast %add3A_985 : i32 to vector<16xi32>
        %get3A_987 = arith.constant 1 : i32
        %get3A_988 = arith.index_cast %get3A_987 : i32 to index
        %get3A_989 = arith.index_cast %add3A_985 : i32 to index
        %get3A_990 = arith.constant 0 : index
        %get3A_991 = tpu.vector_load %arg6[%get3A_988, %get3A_989, %get3A_990] {strides = array<i32>} : memref<2x128x64xf32, #tpu.memory_space<vmem>>, vector<16xf32>,
        %scatter3A_992 = arith.constant 1 : i32
        %scatter3A_993 = arith.constant 0 : i32
        %scatter3A_994 = arith.constant 0 : i32
        %scatter3A_995 = tpu.memref_slice %arg7[%scatter3A_992, %scatter3A_993, %scatter3A_994] : memref<2x64x129xf32, #tpu.memory_space<vmem>> -> memref<1x64x129xf32, #tpu.memory_space<vmem>>
        %scatter3A_996 = tpu.memref_squeeze %scatter3A_995 : memref<1x64x129xf32, #tpu.memory_space<vmem>> -> memref<64x129xf32, #tpu.memory_space<vmem>>
        tpu.vector_store_idx %scatter3A_996[%add3A_3, %broadcast_in_dim3A_986], %get3A_991 : memref<64x129xf32, #tpu.memory_space<vmem>>[vector<16xi32>, vector<16xi32>], vector<16xf32>,
        %get3A_997 = arith.constant 1 : i32
        %get3A_998 = arith.index_cast %get3A_997 : i32 to index
        %get3A_999 = arith.index_cast %add3A_985 : i32 to index
        %get3A_1000 = arith.constant 16 : index
        %get3A_1001 = tpu.vector_load %arg6[%get3A_998, %get3A_999, %get3A_1000] {strides = array<i32>} : memref<2x128x64xf32, #tpu.memory_space<vmem>>, vector<16xf32>,
        %scatter3A_1002 = arith.constant 1 : i32
        %scatter3A_1003 = arith.constant 0 : i32
        %scatter3A_1004 = arith.constant 0 : i32
        %scatter3A_1005 = tpu.memref_slice %arg7[%scatter3A_1002, %scatter3A_1003, %scatter3A_1004] : memref<2x64x129xf32, #tpu.memory_space<vmem>> -> memref<1x64x129xf32, #tpu.memory_space<vmem>>
        %scatter3A_1006 = tpu.memref_squeeze %scatter3A_1005 : memref<1x64x129xf32, #tpu.memory_space<vmem>> -> memref<64x129xf32, #tpu.memory_space<vmem>>
        tpu.vector_store_idx %scatter3A_1006[%add3A_6, %broadcast_in_dim3A_986], %get3A_1001 : memref<64x129xf32, #tpu.memory_space<vmem>>[vector<16xi32>, vector<16xi32>], vector<16xf32>,
        %get3A_1007 = arith.constant 1 : i32
        %get3A_1008 = arith.index_cast %get3A_1007 : i32 to index
        %get3A_1009 = arith.index_cast %add3A_985 : i32 to index
        %get3A_1010 = arith.constant 32 : index
        %get3A_1011 = tpu.vector_load %arg6[%get3A_1008, %get3A_1009, %get3A_1010] {strides = array<i32>} : memref<2x128x64xf32, #tpu.memory_space<vmem>>, vector<16xf32>,
        %scatter3A_1012 = arith.constant 1 : i32
        %scatter3A_1013 = arith.constant 0 : i32
        %scatter3A_1014 = arith.constant 0 : i32
        %scatter3A_1015 = tpu.memref_slice %arg7[%scatter3A_1012, %scatter3A_1013, %scatter3A_1014] : memref<2x64x129xf32, #tpu.memory_space<vmem>> -> memref<1x64x129xf32, #tpu.memory_space<vmem>>
        %scatter3A_1016 = tpu.memref_squeeze %scatter3A_1015 : memref<1x64x129xf32, #tpu.memory_space<vmem>> -> memref<64x129xf32, #tpu.memory_space<vmem>>
        tpu.vector_store_idx %scatter3A_1016[%add3A_9, %broadcast_in_dim3A_986], %get3A_1011 : memref<64x129xf32, #tpu.memory_space<vmem>>[vector<16xi32>, vector<16xi32>], vector<16xf32>,
        %get3A_1017 = arith.constant 1 : i32
        %get3A_1018 = arith.index_cast %get3A_1017 : i32 to index
        %get3A_1019 = arith.index_cast %add3A_985 : i32 to index
        %get3A_1020 = arith.constant 48 : index
        %get3A_1021 = tpu.vector_load %arg6[%get3A_1018, %get3A_1019, %get3A_1020] {strides = array<i32>} : memref<2x128x64xf32, #tpu.memory_space<vmem>>, vector<16xf32>,
        %scatter3A_1022 = arith.constant 1 : i32
        %scatter3A_1023 = arith.constant 0 : i32
        %scatter3A_1024 = arith.constant 0 : i32
        %scatter3A_1025 = tpu.memref_slice %arg7[%scatter3A_1022, %scatter3A_1023, %scatter3A_1024] : memref<2x64x129xf32, #tpu.memory_space<vmem>> -> memref<1x64x129xf32, #tpu.memory_space<vmem>>
        %scatter3A_1026 = tpu.memref_squeeze %scatter3A_1025 : memref<1x64x129xf32, #tpu.memory_space<vmem>> -> memref<64x129xf32, #tpu.memory_space<vmem>>
        tpu.vector_store_idx %scatter3A_1026[%add3A_12, %broadcast_in_dim3A_986], %get3A_1021 : memref<64x129xf32, #tpu.memory_space<vmem>>[vector<16xi32>, vector<16xi32>], vector<16xf32>,
      }
      %scan3A_538 = arith.constant 16 : i32
      %dma_start3A_539 = arith.constant 1 : i32
      %dma_start3A_540 = arith.constant 0 : i32
      %dma_start3A_541 = arith.constant 0 : i32
      %dma_start3A_542 = arith.constant 0 : i32
      %dma_start3A_543 = tpu.memref_slice %arg7[%dma_start3A_539, %dma_start3A_541, %dma_start3A_542] : memref<2x64x129xf32, #tpu.memory_space<vmem>> -> memref<1x8x128xf32, #tpu.memory_space<vmem>>
      %dma_start3A_544 = tpu.memref_squeeze %dma_start3A_543 : memref<1x8x128xf32, #tpu.memory_space<vmem>> -> memref<8x128xf32, #tpu.memory_space<vmem>>
      %dma_start3A_545 = arith.constant 0 : i32
      %dma_start3A_546 = arith.constant 0 : i32
      %dma_start3A_547 = tpu.memref_slice %arg4[%add3A_509, %dma_start3A_540, %add3A, %dma_start3A_545, %dma_start3A_546] : memref<26x8x32x8x128xf32, #tpu.memory_space<hbm>> -> memref<1x1x1x8x128xf32, #tpu.memory_space<hbm>>
      %dma_start3A_548 = tpu.memref_squeeze %dma_start3A_547 : memref<1x1x1x8x128xf32, #tpu.memory_space<hbm>> -> memref<8x128xf32, #tpu.memory_space<hbm>>
      %dma_start3A_549 = arith.constant 0 : i32
      %dma_start3A_550 = arith.constant 0 : i32
      %dma_start3A_551 = tpu.memref_slice %arg4[%add3A_509, %dma_start3A_540, %add3A, %dma_start3A_549, %dma_start3A_550] : memref<26x8x32x8x128xf32, #tpu.memory_space<hbm>> -> memref<1x1x1x8x128xf32, #tpu.memory_space<hbm>>
      %dma_start3A_552 = tpu.memref_squeeze %dma_start3A_551 : memref<1x1x1x8x128xf32, #tpu.memory_space<hbm>> -> memref<8x128xf32, #tpu.memory_space<hbm>>
      %dma_start3A_553 = arith.constant 0 : i32
      %dma_start3A_554 = arith.constant 0 : i32
      %dma_start3A_555 = tpu.memref_slice %arg7[%dma_start3A_539, %dma_start3A_553, %dma_start3A_554] : memref<2x64x129xf32, #tpu.memory_space<vmem>> -> memref<1x8x128xf32, #tpu.memory_space<vmem>>
      %dma_start3A_556 = tpu.memref_squeeze %dma_start3A_555 : memref<1x8x128xf32, #tpu.memory_space<vmem>> -> memref<8x128xf32, #tpu.memory_space<vmem>>
      tpu.enqueue_dma source(%dma_start3A_556 : memref<8x128xf32, #tpu.memory_space<vmem>>) target(%dma_start3A_552 : memref<8x128xf32, #tpu.memory_space<hbm>>) target_semaphore(%arg11 : memref<!tpu.dma_semaphore, #tpu.memory_space<semaphore_mem>>)
      %dma_start3A_557 = arith.constant 1 : i32
      %dma_start3A_558 = arith.constant 1 : i32
      %dma_start3A_559 = arith.constant 8 : i32
      %dma_start3A_560 = arith.constant 0 : i32
      %dma_start3A_561 = tpu.memref_slice %arg7[%dma_start3A_557, %dma_start3A_559, %dma_start3A_560] : memref<2x64x129xf32, #tpu.memory_space<vmem>> -> memref<1x8x128xf32, #tpu.memory_space<vmem>>
      %dma_start3A_562 = tpu.memref_squeeze %dma_start3A_561 : memref<1x8x128xf32, #tpu.memory_space<vmem>> -> memref<8x128xf32, #tpu.memory_space<vmem>>
      %dma_start3A_563 = arith.constant 0 : i32
      %dma_start3A_564 = arith.constant 0 : i32
      %dma_start3A_565 = tpu.memref_slice %arg4[%add3A_509, %dma_start3A_558, %add3A, %dma_start3A_563, %dma_start3A_564] : memref<26x8x32x8x128xf32, #tpu.memory_space<hbm>> -> memref<1x1x1x8x128xf32, #tpu.memory_space<hbm>>
      %dma_start3A_566 = tpu.memref_squeeze %dma_start3A_565 : memref<1x1x1x8x128xf32, #tpu.memory_space<hbm>> -> memref<8x128xf32, #tpu.memory_space<hbm>>
      %dma_start3A_567 = arith.constant 0 : i32
      %dma_start3A_568 = arith.constant 0 : i32
      %dma_start3A_569 = tpu.memref_slice %arg4[%add3A_509, %dma_start3A_558, %add3A, %dma_start3A_567, %dma_start3A_568] : memref<26x8x32x8x128xf32, #tpu.memory_space<hbm>> -> memref<1x1x1x8x128xf32, #tpu.memory_space<hbm>>
      %dma_start3A_570 = tpu.memref_squeeze %dma_start3A_569 : memref<1x1x1x8x128xf32, #tpu.memory_space<hbm>> -> memref<8x128xf32, #tpu.memory_space<hbm>>
      %dma_start3A_571 = arith.constant 8 : i32
      %dma_start3A_572 = arith.constant 0 : i32
      %dma_start3A_573 = tpu.memref_slice %arg7[%dma_start3A_557, %dma_start3A_571, %dma_start3A_572] : memref<2x64x129xf32, #tpu.memory_space<vmem>> -> memref<1x8x128xf32, #tpu.memory_space<vmem>>
      %dma_start3A_574 = tpu.memref_squeeze %dma_start3A_573 : memref<1x8x128xf32, #tpu.memory_space<vmem>> -> memref<8x128xf32, #tpu.memory_space<vmem>>
      tpu.enqueue_dma source(%dma_start3A_574 : memref<8x128xf32, #tpu.memory_space<vmem>>) target(%dma_start3A_570 : memref<8x128xf32, #tpu.memory_space<hbm>>) target_semaphore(%arg11 : memref<!tpu.dma_semaphore, #tpu.memory_space<semaphore_mem>>)
      %dma_start3A_575 = arith.constant 1 : i32
      %dma_start3A_576 = arith.constant 2 : i32
      %dma_start3A_577 = arith.constant 16 : i32
      %dma_start3A_578 = arith.constant 0 : i32
      %dma_start3A_579 = tpu.memref_slice %arg7[%dma_start3A_575, %dma_start3A_577, %dma_start3A_578] : memref<2x64x129xf32, #tpu.memory_space<vmem>> -> memref<1x8x128xf32, #tpu.memory_space<vmem>>
      %dma_start3A_580 = tpu.memref_squeeze %dma_start3A_579 : memref<1x8x128xf32, #tpu.memory_space<vmem>> -> memref<8x128xf32, #tpu.memory_space<vmem>>
      %dma_start3A_581 = arith.constant 0 : i32
      %dma_start3A_582 = arith.constant 0 : i32
      %dma_start3A_583 = tpu.memref_slice %arg4[%add3A_509, %dma_start3A_576, %add3A, %dma_start3A_581, %dma_start3A_582] : memref<26x8x32x8x128xf32, #tpu.memory_space<hbm>> -> memref<1x1x1x8x128xf32, #tpu.memory_space<hbm>>
      %dma_start3A_584 = tpu.memref_squeeze %dma_start3A_583 : memref<1x1x1x8x128xf32, #tpu.memory_space<hbm>> -> memref<8x128xf32, #tpu.memory_space<hbm>>
      %dma_start3A_585 = arith.constant 0 : i32
      %dma_start3A_586 = arith.constant 0 : i32
      %dma_start3A_587 = tpu.memref_slice %arg4[%add3A_509, %dma_start3A_576, %add3A, %dma_start3A_585, %dma_start3A_586] : memref<26x8x32x8x128xf32, #tpu.memory_space<hbm>> -> memref<1x1x1x8x128xf32, #tpu.memory_space<hbm>>
      %dma_start3A_588 = tpu.memref_squeeze %dma_start3A_587 : memref<1x1x1x8x128xf32, #tpu.memory_space<hbm>> -> memref<8x128xf32, #tpu.memory_space<hbm>>
      %dma_start3A_589 = arith.constant 16 : i32
      %dma_start3A_590 = arith.constant 0 : i32
      %dma_start3A_591 = tpu.memref_slice %arg7[%dma_start3A_575, %dma_start3A_589, %dma_start3A_590] : memref<2x64x129xf32, #tpu.memory_space<vmem>> -> memref<1x8x128xf32, #tpu.memory_space<vmem>>
      %dma_start3A_592 = tpu.memref_squeeze %dma_start3A_591 : memref<1x8x128xf32, #tpu.memory_space<vmem>> -> memref<8x128xf32, #tpu.memory_space<vmem>>
      tpu.enqueue_dma source(%dma_start3A_592 : memref<8x128xf32, #tpu.memory_space<vmem>>) target(%dma_start3A_588 : memref<8x128xf32, #tpu.memory_space<hbm>>) target_semaphore(%arg11 : memref<!tpu.dma_semaphore, #tpu.memory_space<semaphore_mem>>)
      %dma_start3A_593 = arith.constant 1 : i32
      %dma_start3A_594 = arith.constant 3 : i32
      %dma_start3A_595 = arith.constant 24 : i32
      %dma_start3A_596 = arith.constant 0 : i32
      %dma_start3A_597 = tpu.memref_slice %arg7[%dma_start3A_593, %dma_start3A_595, %dma_start3A_596] : memref<2x64x129xf32, #tpu.memory_space<vmem>> -> memref<1x8x128xf32, #tpu.memory_space<vmem>>
      %dma_start3A_598 = tpu.memref_squeeze %dma_start3A_597 : memref<1x8x128xf32, #tpu.memory_space<vmem>> -> memref<8x128xf32, #tpu.memory_space<vmem>>
      %dma_start3A_599 = arith.constant 0 : i32
      %dma_start3A_600 = arith.constant 0 : i32
      %dma_start3A_601 = tpu.memref_slice %arg4[%add3A_509, %dma_start3A_594, %add3A, %dma_start3A_599, %dma_start3A_600] : memref<26x8x32x8x128xf32, #tpu.memory_space<hbm>> -> memref<1x1x1x8x128xf32, #tpu.memory_space<hbm>>
      %dma_start3A_602 = tpu.memref_squeeze %dma_start3A_601 : memref<1x1x1x8x128xf32, #tpu.memory_space<hbm>> -> memref<8x128xf32, #tpu.memory_space<hbm>>
      %dma_start3A_603 = arith.constant 0 : i32
      %dma_start3A_604 = arith.constant 0 : i32
      %dma_start3A_605 = tpu.memref_slice %arg4[%add3A_509, %dma_start3A_594, %add3A, %dma_start3A_603, %dma_start3A_604] : memref<26x8x32x8x128xf32, #tpu.memory_space<hbm>> -> memref<1x1x1x8x128xf32, #tpu.memory_space<hbm>>
      %dma_start3A_606 = tpu.memref_squeeze %dma_start3A_605 : memref<1x1x1x8x128xf32, #tpu.memory_space<hbm>> -> memref<8x128xf32, #tpu.memory_space<hbm>>
      %dma_start3A_607 = arith.constant 24 : i32
      %dma_start3A_608 = arith.constant 0 : i32
      %dma_start3A_609 = tpu.memref_slice %arg7[%dma_start3A_593, %dma_start3A_607, %dma_start3A_608] : memref<2x64x129xf32, #tpu.memory_space<vmem>> -> memref<1x8x128xf32, #tpu.memory_space<vmem>>
      %dma_start3A_610 = tpu.memref_squeeze %dma_start3A_609 : memref<1x8x128xf32, #tpu.memory_space<vmem>> -> memref<8x128xf32, #tpu.memory_space<vmem>>
      tpu.enqueue_dma source(%dma_start3A_610 : memref<8x128xf32, #tpu.memory_space<vmem>>) target(%dma_start3A_606 : memref<8x128xf32, #tpu.memory_space<hbm>>) target_semaphore(%arg11 : memref<!tpu.dma_semaphore, #tpu.memory_space<semaphore_mem>>)
      %dma_start3A_611 = arith.constant 1 : i32
      %dma_start3A_612 = arith.constant 4 : i32
      %dma_start3A_613 = arith.constant 32 : i32
      %dma_start3A_614 = arith.constant 0 : i32
      %dma_start3A_615 = tpu.memref_slice %arg7[%dma_start3A_611, %dma_start3A_613, %dma_start3A_614] : memref<2x64x129xf32, #tpu.memory_space<vmem>> -> memref<1x8x128xf32, #tpu.memory_space<vmem>>
      %dma_start3A_616 = tpu.memref_squeeze %dma_start3A_615 : memref<1x8x128xf32, #tpu.memory_space<vmem>> -> memref<8x128xf32, #tpu.memory_space<vmem>>
      %dma_start3A_617 = arith.constant 0 : i32
      %dma_start3A_618 = arith.constant 0 : i32
      %dma_start3A_619 = tpu.memref_slice %arg4[%add3A_509, %dma_start3A_612, %add3A, %dma_start3A_617, %dma_start3A_618] : memref<26x8x32x8x128xf32, #tpu.memory_space<hbm>> -> memref<1x1x1x8x128xf32, #tpu.memory_space<hbm>>
      %dma_start3A_620 = tpu.memref_squeeze %dma_start3A_619 : memref<1x1x1x8x128xf32, #tpu.memory_space<hbm>> -> memref<8x128xf32, #tpu.memory_space<hbm>>
      %dma_start3A_621 = arith.constant 0 : i32
      %dma_start3A_622 = arith.constant 0 : i32
      %dma_start3A_623 = tpu.memref_slice %arg4[%add3A_509, %dma_start3A_612, %add3A, %dma_start3A_621, %dma_start3A_622] : memref<26x8x32x8x128xf32, #tpu.memory_space<hbm>> -> memref<1x1x1x8x128xf32, #tpu.memory_space<hbm>>
      %dma_start3A_624 = tpu.memref_squeeze %dma_start3A_623 : memref<1x1x1x8x128xf32, #tpu.memory_space<hbm>> -> memref<8x128xf32, #tpu.memory_space<hbm>>
      %dma_start3A_625 = arith.constant 32 : i32
      %dma_start3A_626 = arith.constant 0 : i32
      %dma_start3A_627 = tpu.memref_slice %arg7[%dma_start3A_611, %dma_start3A_625, %dma_start3A_626] : memref<2x64x129xf32, #tpu.memory_space<vmem>> -> memref<1x8x128xf32, #tpu.memory_space<vmem>>
      %dma_start3A_628 = tpu.memref_squeeze %dma_start3A_627 : memref<1x8x128xf32, #tpu.memory_space<vmem>> -> memref<8x128xf32, #tpu.memory_space<vmem>>
      tpu.enqueue_dma source(%dma_start3A_628 : memref<8x128xf32, #tpu.memory_space<vmem>>) target(%dma_start3A_624 : memref<8x128xf32, #tpu.memory_space<hbm>>) target_semaphore(%arg11 : memref<!tpu.dma_semaphore, #tpu.memory_space<semaphore_mem>>)
      %dma_start3A_629 = arith.constant 1 : i32
      %dma_start3A_630 = arith.constant 5 : i32
      %dma_start3A_631 = arith.constant 40 : i32
      %dma_start3A_632 = arith.constant 0 : i32
      %dma_start3A_633 = tpu.memref_slice %arg7[%dma_start3A_629, %dma_start3A_631, %dma_start3A_632] : memref<2x64x129xf32, #tpu.memory_space<vmem>> -> memref<1x8x128xf32, #tpu.memory_space<vmem>>
      %dma_start3A_634 = tpu.memref_squeeze %dma_start3A_633 : memref<1x8x128xf32, #tpu.memory_space<vmem>> -> memref<8x128xf32, #tpu.memory_space<vmem>>
      %dma_start3A_635 = arith.constant 0 : i32
      %dma_start3A_636 = arith.constant 0 : i32
      %dma_start3A_637 = tpu.memref_slice %arg4[%add3A_509, %dma_start3A_630, %add3A, %dma_start3A_635, %dma_start3A_636] : memref<26x8x32x8x128xf32, #tpu.memory_space<hbm>> -> memref<1x1x1x8x128xf32, #tpu.memory_space<hbm>>
      %dma_start3A_638 = tpu.memref_squeeze %dma_start3A_637 : memref<1x1x1x8x128xf32, #tpu.memory_space<hbm>> -> memref<8x128xf32, #tpu.memory_space<hbm>>
      %dma_start3A_639 = arith.constant 0 : i32
      %dma_start3A_640 = arith.constant 0 : i32
      %dma_start3A_641 = tpu.memref_slice %arg4[%add3A_509, %dma_start3A_630, %add3A, %dma_start3A_639, %dma_start3A_640] : memref<26x8x32x8x128xf32, #tpu.memory_space<hbm>> -> memref<1x1x1x8x128xf32, #tpu.memory_space<hbm>>
      %dma_start3A_642 = tpu.memref_squeeze %dma_start3A_641 : memref<1x1x1x8x128xf32, #tpu.memory_space<hbm>> -> memref<8x128xf32, #tpu.memory_space<hbm>>
      %dma_start3A_643 = arith.constant 40 : i32
      %dma_start3A_644 = arith.constant 0 : i32
      %dma_start3A_645 = tpu.memref_slice %arg7[%dma_start3A_629, %dma_start3A_643, %dma_start3A_644] : memref<2x64x129xf32, #tpu.memory_space<vmem>> -> memref<1x8x128xf32, #tpu.memory_space<vmem>>
      %dma_start3A_646 = tpu.memref_squeeze %dma_start3A_645 : memref<1x8x128xf32, #tpu.memory_space<vmem>> -> memref<8x128xf32, #tpu.memory_space<vmem>>
      tpu.enqueue_dma source(%dma_start3A_646 : memref<8x128xf32, #tpu.memory_space<vmem>>) target(%dma_start3A_642 : memref<8x128xf32, #tpu.memory_space<hbm>>) target_semaphore(%arg11 : memref<!tpu.dma_semaphore, #tpu.memory_space<semaphore_mem>>)
      %dma_start3A_647 = arith.constant 1 : i32
      %dma_start3A_648 = arith.constant 6 : i32
      %dma_start3A_649 = arith.constant 48 : i32
      %dma_start3A_650 = arith.constant 0 : i32
      %dma_start3A_651 = tpu.memref_slice %arg7[%dma_start3A_647, %dma_start3A_649, %dma_start3A_650] : memref<2x64x129xf32, #tpu.memory_space<vmem>> -> memref<1x8x128xf32, #tpu.memory_space<vmem>>
      %dma_start3A_652 = tpu.memref_squeeze %dma_start3A_651 : memref<1x8x128xf32, #tpu.memory_space<vmem>> -> memref<8x128xf32, #tpu.memory_space<vmem>>
      %dma_start3A_653 = arith.constant 0 : i32
      %dma_start3A_654 = arith.constant 0 : i32
      %dma_start3A_655 = tpu.memref_slice %arg4[%add3A_509, %dma_start3A_648, %add3A, %dma_start3A_653, %dma_start3A_654] : memref<26x8x32x8x128xf32, #tpu.memory_space<hbm>> -> memref<1x1x1x8x128xf32, #tpu.memory_space<hbm>>
      %dma_start3A_656 = tpu.memref_squeeze %dma_start3A_655 : memref<1x1x1x8x128xf32, #tpu.memory_space<hbm>> -> memref<8x128xf32, #tpu.memory_space<hbm>>
      %dma_start3A_657 = arith.constant 0 : i32
      %dma_start3A_658 = arith.constant 0 : i32
      %dma_start3A_659 = tpu.memref_slice %arg4[%add3A_509, %dma_start3A_648, %add3A, %dma_start3A_657, %dma_start3A_658] : memref<26x8x32x8x128xf32, #tpu.memory_space<hbm>> -> memref<1x1x1x8x128xf32, #tpu.memory_space<hbm>>
      %dma_start3A_660 = tpu.memref_squeeze %dma_start3A_659 : memref<1x1x1x8x128xf32, #tpu.memory_space<hbm>> -> memref<8x128xf32, #tpu.memory_space<hbm>>
      %dma_start3A_661 = arith.constant 48 : i32
      %dma_start3A_662 = arith.constant 0 : i32
      %dma_start3A_663 = tpu.memref_slice %arg7[%dma_start3A_647, %dma_start3A_661, %dma_start3A_662] : memref<2x64x129xf32, #tpu.memory_space<vmem>> -> memref<1x8x128xf32, #tpu.memory_space<vmem>>
      %dma_start3A_664 = tpu.memref_squeeze %dma_start3A_663 : memref<1x8x128xf32, #tpu.memory_space<vmem>> -> memref<8x128xf32, #tpu.memory_space<vmem>>
      tpu.enqueue_dma source(%dma_start3A_664 : memref<8x128xf32, #tpu.memory_space<vmem>>) target(%dma_start3A_660 : memref<8x128xf32, #tpu.memory_space<hbm>>) target_semaphore(%arg11 : memref<!tpu.dma_semaphore, #tpu.memory_space<semaphore_mem>>)
      %dma_start3A_665 = arith.constant 1 : i32
      %dma_start3A_666 = arith.constant 7 : i32
      %dma_start3A_667 = arith.constant 56 : i32
      %dma_start3A_668 = arith.constant 0 : i32
      %dma_start3A_669 = tpu.memref_slice %arg7[%dma_start3A_665, %dma_start3A_667, %dma_start3A_668] : memref<2x64x129xf32, #tpu.memory_space<vmem>> -> memref<1x8x128xf32, #tpu.memory_space<vmem>>
      %dma_start3A_670 = tpu.memref_squeeze %dma_start3A_669 : memref<1x8x128xf32, #tpu.memory_space<vmem>> -> memref<8x128xf32, #tpu.memory_space<vmem>>
      %dma_start3A_671 = arith.constant 0 : i32
      %dma_start3A_672 = arith.constant 0 : i32
      %dma_start3A_673 = tpu.memref_slice %arg4[%add3A_509, %dma_start3A_666, %add3A, %dma_start3A_671, %dma_start3A_672] : memref<26x8x32x8x128xf32, #tpu.memory_space<hbm>> -> memref<1x1x1x8x128xf32, #tpu.memory_space<hbm>>
      %dma_start3A_674 = tpu.memref_squeeze %dma_start3A_673 : memref<1x1x1x8x128xf32, #tpu.memory_space<hbm>> -> memref<8x128xf32, #tpu.memory_space<hbm>>
      %dma_start3A_675 = arith.constant 0 : i32
      %dma_start3A_676 = arith.constant 0 : i32
      %dma_start3A_677 = tpu.memref_slice %arg4[%add3A_509, %dma_start3A_666, %add3A, %dma_start3A_675, %dma_start3A_676] : memref<26x8x32x8x128xf32, #tpu.memory_space<hbm>> -> memref<1x1x1x8x128xf32, #tpu.memory_space<hbm>>
      %dma_start3A_678 = tpu.memref_squeeze %dma_start3A_677 : memref<1x1x1x8x128xf32, #tpu.memory_space<hbm>> -> memref<8x128xf32, #tpu.memory_space<hbm>>
      %dma_start3A_679 = arith.constant 56 : i32
      %dma_start3A_680 = arith.constant 0 : i32
      %dma_start3A_681 = tpu.memref_slice %arg7[%dma_start3A_665, %dma_start3A_679, %dma_start3A_680] : memref<2x64x129xf32, #tpu.memory_space<vmem>> -> memref<1x8x128xf32, #tpu.memory_space<vmem>>
      %dma_start3A_682 = tpu.memref_squeeze %dma_start3A_681 : memref<1x8x128xf32, #tpu.memory_space<vmem>> -> memref<8x128xf32, #tpu.memory_space<vmem>>
      tpu.enqueue_dma source(%dma_start3A_682 : memref<8x128xf32, #tpu.memory_space<vmem>>) target(%dma_start3A_678 : memref<8x128xf32, #tpu.memory_space<hbm>>) target_semaphore(%arg11 : memref<!tpu.dma_semaphore, #tpu.memory_space<semaphore_mem>>)
    }
    %scan3A_28 = arith.constant 13 : i32
    %dma_wait3A = arith.constant 0 : i32
    %dma_wait3A_29 = arith.constant 24 : i32
    %dma_wait3A_30 = arith.constant 0 : i32
    %dma_wait3A_31 = arith.constant 0 : i32
    %dma_wait3A_32 = arith.constant 0 : i32
    %dma_wait3A_33 = tpu.memref_slice %arg7[%dma_wait3A, %dma_wait3A_31, %dma_wait3A_32] : memref<2x64x129xf32, #tpu.memory_space<vmem>> -> memref<1x8x128xf32, #tpu.memory_space<vmem>>
    %dma_wait3A_34 = tpu.memref_squeeze %dma_wait3A_33 : memref<1x8x128xf32, #tpu.memory_space<vmem>> -> memref<8x128xf32, #tpu.memory_space<vmem>>
    %dma_wait3A_35 = arith.constant 0 : i32
    %dma_wait3A_36 = arith.constant 0 : i32
    %dma_wait3A_37 = tpu.memref_slice %arg4[%dma_wait3A_29, %dma_wait3A_30, %add3A, %dma_wait3A_35, %dma_wait3A_36] : memref<26x8x32x8x128xf32, #tpu.memory_space<hbm>> -> memref<1x1x1x8x128xf32, #tpu.memory_space<hbm>>
    %dma_wait3A_38 = tpu.memref_squeeze %dma_wait3A_37 : memref<1x1x1x8x128xf32, #tpu.memory_space<hbm>> -> memref<8x128xf32, #tpu.memory_space<hbm>>
    %dma_wait3A_39 = arith.constant 0 : i32
    %dma_wait3A_40 = arith.constant 0 : i32
    %dma_wait3A_41 = tpu.memref_slice %arg4[%dma_wait3A_29, %dma_wait3A_30, %add3A, %dma_wait3A_39, %dma_wait3A_40] : memref<26x8x32x8x128xf32, #tpu.memory_space<hbm>> -> memref<1x1x1x8x128xf32, #tpu.memory_space<hbm>>
    %dma_wait3A_42 = tpu.memref_squeeze %dma_wait3A_41 : memref<1x1x1x8x128xf32, #tpu.memory_space<hbm>> -> memref<8x128xf32, #tpu.memory_space<hbm>>
    %dma_wait3A_43 = arith.constant 0 : i32
    %dma_wait3A_44 = arith.constant 0 : i32
    %dma_wait3A_45 = tpu.memref_slice %arg7[%dma_wait3A, %dma_wait3A_43, %dma_wait3A_44] : memref<2x64x129xf32, #tpu.memory_space<vmem>> -> memref<1x8x128xf32, #tpu.memory_space<vmem>>
    %dma_wait3A_46 = tpu.memref_squeeze %dma_wait3A_45 : memref<1x8x128xf32, #tpu.memory_space<vmem>> -> memref<8x128xf32, #tpu.memory_space<vmem>>
    tpu.wait_dma2 semaphore(%arg10 : memref<!tpu.dma_semaphore, #tpu.memory_space<semaphore_mem>>) src(%dma_wait3A_46 : memref<8x128xf32, #tpu.memory_space<vmem>>) dst(%dma_wait3A_42 : memref<8x128xf32, #tpu.memory_space<hbm>>)
    %dma_wait3A_47 = arith.constant 0 : i32
    %dma_wait3A_48 = arith.constant 24 : i32
    %dma_wait3A_49 = arith.constant 1 : i32
    %dma_wait3A_50 = arith.constant 8 : i32
    %dma_wait3A_51 = arith.constant 0 : i32
    %dma_wait3A_52 = tpu.memref_slice %arg7[%dma_wait3A_47, %dma_wait3A_50, %dma_wait3A_51] : memref<2x64x129xf32, #tpu.memory_space<vmem>> -> memref<1x8x128xf32, #tpu.memory_space<vmem>>
    %dma_wait3A_53 = tpu.memref_squeeze %dma_wait3A_52 : memref<1x8x128xf32, #tpu.memory_space<vmem>> -> memref<8x128xf32, #tpu.memory_space<vmem>>
    %dma_wait3A_54 = arith.constant 0 : i32
    %dma_wait3A_55 = arith.constant 0 : i32
    %dma_wait3A_56 = tpu.memref_slice %arg4[%dma_wait3A_48, %dma_wait3A_49, %add3A, %dma_wait3A_54, %dma_wait3A_55] : memref<26x8x32x8x128xf32, #tpu.memory_space<hbm>> -> memref<1x1x1x8x128xf32, #tpu.memory_space<hbm>>
    %dma_wait3A_57 = tpu.memref_squeeze %dma_wait3A_56 : memref<1x1x1x8x128xf32, #tpu.memory_space<hbm>> -> memref<8x128xf32, #tpu.memory_space<hbm>>
    %dma_wait3A_58 = arith.constant 0 : i32
    %dma_wait3A_59 = arith.constant 0 : i32
    %dma_wait3A_60 = tpu.memref_slice %arg4[%dma_wait3A_48, %dma_wait3A_49, %add3A, %dma_wait3A_58, %dma_wait3A_59] : memref<26x8x32x8x128xf32, #tpu.memory_space<hbm>> -> memref<1x1x1x8x128xf32, #tpu.memory_space<hbm>>
    %dma_wait3A_61 = tpu.memref_squeeze %dma_wait3A_60 : memref<1x1x1x8x128xf32, #tpu.memory_space<hbm>> -> memref<8x128xf32, #tpu.memory_space<hbm>>
    %dma_wait3A_62 = arith.constant 8 : i32
    %dma_wait3A_63 = arith.constant 0 : i32
    %dma_wait3A_64 = tpu.memref_slice %arg7[%dma_wait3A_47, %dma_wait3A_62, %dma_wait3A_63] : memref<2x64x129xf32, #tpu.memory_space<vmem>> -> memref<1x8x128xf32, #tpu.memory_space<vmem>>
    %dma_wait3A_65 = tpu.memref_squeeze %dma_wait3A_64 : memref<1x8x128xf32, #tpu.memory_space<vmem>> -> memref<8x128xf32, #tpu.memory_space<vmem>>
    tpu.wait_dma2 semaphore(%arg10 : memref<!tpu.dma_semaphore, #tpu.memory_space<semaphore_mem>>) src(%dma_wait3A_65 : memref<8x128xf32, #tpu.memory_space<vmem>>) dst(%dma_wait3A_61 : memref<8x128xf32, #tpu.memory_space<hbm>>)
    %dma_wait3A_66 = arith.constant 0 : i32
    %dma_wait3A_67 = arith.constant 24 : i32
    %dma_wait3A_68 = arith.constant 2 : i32
    %dma_wait3A_69 = arith.constant 16 : i32
    %dma_wait3A_70 = arith.constant 0 : i32
    %dma_wait3A_71 = tpu.memref_slice %arg7[%dma_wait3A_66, %dma_wait3A_69, %dma_wait3A_70] : memref<2x64x129xf32, #tpu.memory_space<vmem>> -> memref<1x8x128xf32, #tpu.memory_space<vmem>>
    %dma_wait3A_72 = tpu.memref_squeeze %dma_wait3A_71 : memref<1x8x128xf32, #tpu.memory_space<vmem>> -> memref<8x128xf32, #tpu.memory_space<vmem>>
    %dma_wait3A_73 = arith.constant 0 : i32
    %dma_wait3A_74 = arith.constant 0 : i32
    %dma_wait3A_75 = tpu.memref_slice %arg4[%dma_wait3A_67, %dma_wait3A_68, %add3A, %dma_wait3A_73, %dma_wait3A_74] : memref<26x8x32x8x128xf32, #tpu.memory_space<hbm>> -> memref<1x1x1x8x128xf32, #tpu.memory_space<hbm>>
    %dma_wait3A_76 = tpu.memref_squeeze %dma_wait3A_75 : memref<1x1x1x8x128xf32, #tpu.memory_space<hbm>> -> memref<8x128xf32, #tpu.memory_space<hbm>>
    %dma_wait3A_77 = arith.constant 0 : i32
    %dma_wait3A_78 = arith.constant 0 : i32
    %dma_wait3A_79 = tpu.memref_slice %arg4[%dma_wait3A_67, %dma_wait3A_68, %add3A, %dma_wait3A_77, %dma_wait3A_78] : memref<26x8x32x8x128xf32, #tpu.memory_space<hbm>> -> memref<1x1x1x8x128xf32, #tpu.memory_space<hbm>>
    %dma_wait3A_80 = tpu.memref_squeeze %dma_wait3A_79 : memref<1x1x1x8x128xf32, #tpu.memory_space<hbm>> -> memref<8x128xf32, #tpu.memory_space<hbm>>
    %dma_wait3A_81 = arith.constant 16 : i32
    %dma_wait3A_82 = arith.constant 0 : i32
    %dma_wait3A_83 = tpu.memref_slice %arg7[%dma_wait3A_66, %dma_wait3A_81, %dma_wait3A_82] : memref<2x64x129xf32, #tpu.memory_space<vmem>> -> memref<1x8x128xf32, #tpu.memory_space<vmem>>
    %dma_wait3A_84 = tpu.memref_squeeze %dma_wait3A_83 : memref<1x8x128xf32, #tpu.memory_space<vmem>> -> memref<8x128xf32, #tpu.memory_space<vmem>>
    tpu.wait_dma2 semaphore(%arg10 : memref<!tpu.dma_semaphore, #tpu.memory_space<semaphore_mem>>) src(%dma_wait3A_84 : memref<8x128xf32, #tpu.memory_space<vmem>>) dst(%dma_wait3A_80 : memref<8x128xf32, #tpu.memory_space<hbm>>)
    %dma_wait3A_85 = arith.constant 0 : i32
    %dma_wait3A_86 = arith.constant 24 : i32
    %dma_wait3A_87 = arith.constant 3 : i32
    %dma_wait3A_88 = arith.constant 24 : i32
    %dma_wait3A_89 = arith.constant 0 : i32
    %dma_wait3A_90 = tpu.memref_slice %arg7[%dma_wait3A_85, %dma_wait3A_88, %dma_wait3A_89] : memref<2x64x129xf32, #tpu.memory_space<vmem>> -> memref<1x8x128xf32, #tpu.memory_space<vmem>>
    %dma_wait3A_91 = tpu.memref_squeeze %dma_wait3A_90 : memref<1x8x128xf32, #tpu.memory_space<vmem>> -> memref<8x128xf32, #tpu.memory_space<vmem>>
    %dma_wait3A_92 = arith.constant 0 : i32
    %dma_wait3A_93 = arith.constant 0 : i32
    %dma_wait3A_94 = tpu.memref_slice %arg4[%dma_wait3A_86, %dma_wait3A_87, %add3A, %dma_wait3A_92, %dma_wait3A_93] : memref<26x8x32x8x128xf32, #tpu.memory_space<hbm>> -> memref<1x1x1x8x128xf32, #tpu.memory_space<hbm>>
    %dma_wait3A_95 = tpu.memref_squeeze %dma_wait3A_94 : memref<1x1x1x8x128xf32, #tpu.memory_space<hbm>> -> memref<8x128xf32, #tpu.memory_space<hbm>>
    %dma_wait3A_96 = arith.constant 0 : i32
    %dma_wait3A_97 = arith.constant 0 : i32
    %dma_wait3A_98 = tpu.memref_slice %arg4[%dma_wait3A_86, %dma_wait3A_87, %add3A, %dma_wait3A_96, %dma_wait3A_97] : memref<26x8x32x8x128xf32, #tpu.memory_space<hbm>> -> memref<1x1x1x8x128xf32, #tpu.memory_space<hbm>>
    %dma_wait3A_99 = tpu.memref_squeeze %dma_wait3A_98 : memref<1x1x1x8x128xf32, #tpu.memory_space<hbm>> -> memref<8x128xf32, #tpu.memory_space<hbm>>
    %dma_wait3A_100 = arith.constant 24 : i32
    %dma_wait3A_101 = arith.constant 0 : i32
    %dma_wait3A_102 = tpu.memref_slice %arg7[%dma_wait3A_85, %dma_wait3A_100, %dma_wait3A_101] : memref<2x64x129xf32, #tpu.memory_space<vmem>> -> memref<1x8x128xf32, #tpu.memory_space<vmem>>
    %dma_wait3A_103 = tpu.memref_squeeze %dma_wait3A_102 : memref<1x8x128xf32, #tpu.memory_space<vmem>> -> memref<8x128xf32, #tpu.memory_space<vmem>>
    tpu.wait_dma2 semaphore(%arg10 : memref<!tpu.dma_semaphore, #tpu.memory_space<semaphore_mem>>) src(%dma_wait3A_103 : memref<8x128xf32, #tpu.memory_space<vmem>>) dst(%dma_wait3A_99 : memref<8x128xf32, #tpu.memory_space<hbm>>)
    %dma_wait3A_104 = arith.constant 0 : i32
    %dma_wait3A_105 = arith.constant 24 : i32
    %dma_wait3A_106 = arith.constant 4 : i32
    %dma_wait3A_107 = arith.constant 32 : i32
    %dma_wait3A_108 = arith.constant 0 : i32
    %dma_wait3A_109 = tpu.memref_slice %arg7[%dma_wait3A_104, %dma_wait3A_107, %dma_wait3A_108] : memref<2x64x129xf32, #tpu.memory_space<vmem>> -> memref<1x8x128xf32, #tpu.memory_space<vmem>>
    %dma_wait3A_110 = tpu.memref_squeeze %dma_wait3A_109 : memref<1x8x128xf32, #tpu.memory_space<vmem>> -> memref<8x128xf32, #tpu.memory_space<vmem>>
    %dma_wait3A_111 = arith.constant 0 : i32
    %dma_wait3A_112 = arith.constant 0 : i32
    %dma_wait3A_113 = tpu.memref_slice %arg4[%dma_wait3A_105, %dma_wait3A_106, %add3A, %dma_wait3A_111, %dma_wait3A_112] : memref<26x8x32x8x128xf32, #tpu.memory_space<hbm>> -> memref<1x1x1x8x128xf32, #tpu.memory_space<hbm>>
    %dma_wait3A_114 = tpu.memref_squeeze %dma_wait3A_113 : memref<1x1x1x8x128xf32, #tpu.memory_space<hbm>> -> memref<8x128xf32, #tpu.memory_space<hbm>>
    %dma_wait3A_115 = arith.constant 0 : i32
    %dma_wait3A_116 = arith.constant 0 : i32
    %dma_wait3A_117 = tpu.memref_slice %arg4[%dma_wait3A_105, %dma_wait3A_106, %add3A, %dma_wait3A_115, %dma_wait3A_116] : memref<26x8x32x8x128xf32, #tpu.memory_space<hbm>> -> memref<1x1x1x8x128xf32, #tpu.memory_space<hbm>>
    %dma_wait3A_118 = tpu.memref_squeeze %dma_wait3A_117 : memref<1x1x1x8x128xf32, #tpu.memory_space<hbm>> -> memref<8x128xf32, #tpu.memory_space<hbm>>
    %dma_wait3A_119 = arith.constant 32 : i32
    %dma_wait3A_120 = arith.constant 0 : i32
    %dma_wait3A_121 = tpu.memref_slice %arg7[%dma_wait3A_104, %dma_wait3A_119, %dma_wait3A_120] : memref<2x64x129xf32, #tpu.memory_space<vmem>> -> memref<1x8x128xf32, #tpu.memory_space<vmem>>
    %dma_wait3A_122 = tpu.memref_squeeze %dma_wait3A_121 : memref<1x8x128xf32, #tpu.memory_space<vmem>> -> memref<8x128xf32, #tpu.memory_space<vmem>>
    tpu.wait_dma2 semaphore(%arg10 : memref<!tpu.dma_semaphore, #tpu.memory_space<semaphore_mem>>) src(%dma_wait3A_122 : memref<8x128xf32, #tpu.memory_space<vmem>>) dst(%dma_wait3A_118 : memref<8x128xf32, #tpu.memory_space<hbm>>)
    %dma_wait3A_123 = arith.constant 0 : i32
    %dma_wait3A_124 = arith.constant 24 : i32
    %dma_wait3A_125 = arith.constant 5 : i32
    %dma_wait3A_126 = arith.constant 40 : i32
    %dma_wait3A_127 = arith.constant 0 : i32
    %dma_wait3A_128 = tpu.memref_slice %arg7[%dma_wait3A_123, %dma_wait3A_126, %dma_wait3A_127] : memref<2x64x129xf32, #tpu.memory_space<vmem>> -> memref<1x8x128xf32, #tpu.memory_space<vmem>>
    %dma_wait3A_129 = tpu.memref_squeeze %dma_wait3A_128 : memref<1x8x128xf32, #tpu.memory_space<vmem>> -> memref<8x128xf32, #tpu.memory_space<vmem>>
    %dma_wait3A_130 = arith.constant 0 : i32
    %dma_wait3A_131 = arith.constant 0 : i32
    %dma_wait3A_132 = tpu.memref_slice %arg4[%dma_wait3A_124, %dma_wait3A_125, %add3A, %dma_wait3A_130, %dma_wait3A_131] : memref<26x8x32x8x128xf32, #tpu.memory_space<hbm>> -> memref<1x1x1x8x128xf32, #tpu.memory_space<hbm>>
    %dma_wait3A_133 = tpu.memref_squeeze %dma_wait3A_132 : memref<1x1x1x8x128xf32, #tpu.memory_space<hbm>> -> memref<8x128xf32, #tpu.memory_space<hbm>>
    %dma_wait3A_134 = arith.constant 0 : i32
    %dma_wait3A_135 = arith.constant 0 : i32
    %dma_wait3A_136 = tpu.memref_slice %arg4[%dma_wait3A_124, %dma_wait3A_125, %add3A, %dma_wait3A_134, %dma_wait3A_135] : memref<26x8x32x8x128xf32, #tpu.memory_space<hbm>> -> memref<1x1x1x8x128xf32, #tpu.memory_space<hbm>>
    %dma_wait3A_137 = tpu.memref_squeeze %dma_wait3A_136 : memref<1x1x1x8x128xf32, #tpu.memory_space<hbm>> -> memref<8x128xf32, #tpu.memory_space<hbm>>
    %dma_wait3A_138 = arith.constant 40 : i32
    %dma_wait3A_139 = arith.constant 0 : i32
    %dma_wait3A_140 = tpu.memref_slice %arg7[%dma_wait3A_123, %dma_wait3A_138, %dma_wait3A_139] : memref<2x64x129xf32, #tpu.memory_space<vmem>> -> memref<1x8x128xf32, #tpu.memory_space<vmem>>
    %dma_wait3A_141 = tpu.memref_squeeze %dma_wait3A_140 : memref<1x8x128xf32, #tpu.memory_space<vmem>> -> memref<8x128xf32, #tpu.memory_space<vmem>>
    tpu.wait_dma2 semaphore(%arg10 : memref<!tpu.dma_semaphore, #tpu.memory_space<semaphore_mem>>) src(%dma_wait3A_141 : memref<8x128xf32, #tpu.memory_space<vmem>>) dst(%dma_wait3A_137 : memref<8x128xf32, #tpu.memory_space<hbm>>)
    %dma_wait3A_142 = arith.constant 0 : i32
    %dma_wait3A_143 = arith.constant 24 : i32
    %dma_wait3A_144 = arith.constant 6 : i32
    %dma_wait3A_145 = arith.constant 48 : i32
    %dma_wait3A_146 = arith.constant 0 : i32
    %dma_wait3A_147 = tpu.memref_slice %arg7[%dma_wait3A_142, %dma_wait3A_145, %dma_wait3A_146] : memref<2x64x129xf32, #tpu.memory_space<vmem>> -> memref<1x8x128xf32, #tpu.memory_space<vmem>>
    %dma_wait3A_148 = tpu.memref_squeeze %dma_wait3A_147 : memref<1x8x128xf32, #tpu.memory_space<vmem>> -> memref<8x128xf32, #tpu.memory_space<vmem>>
    %dma_wait3A_149 = arith.constant 0 : i32
    %dma_wait3A_150 = arith.constant 0 : i32
    %dma_wait3A_151 = tpu.memref_slice %arg4[%dma_wait3A_143, %dma_wait3A_144, %add3A, %dma_wait3A_149, %dma_wait3A_150] : memref<26x8x32x8x128xf32, #tpu.memory_space<hbm>> -> memref<1x1x1x8x128xf32, #tpu.memory_space<hbm>>
    %dma_wait3A_152 = tpu.memref_squeeze %dma_wait3A_151 : memref<1x1x1x8x128xf32, #tpu.memory_space<hbm>> -> memref<8x128xf32, #tpu.memory_space<hbm>>
    %dma_wait3A_153 = arith.constant 0 : i32
    %dma_wait3A_154 = arith.constant 0 : i32
    %dma_wait3A_155 = tpu.memref_slice %arg4[%dma_wait3A_143, %dma_wait3A_144, %add3A, %dma_wait3A_153, %dma_wait3A_154] : memref<26x8x32x8x128xf32, #tpu.memory_space<hbm>> -> memref<1x1x1x8x128xf32, #tpu.memory_space<hbm>>
    %dma_wait3A_156 = tpu.memref_squeeze %dma_wait3A_155 : memref<1x1x1x8x128xf32, #tpu.memory_space<hbm>> -> memref<8x128xf32, #tpu.memory_space<hbm>>
    %dma_wait3A_157 = arith.constant 48 : i32
    %dma_wait3A_158 = arith.constant 0 : i32
    %dma_wait3A_159 = tpu.memref_slice %arg7[%dma_wait3A_142, %dma_wait3A_157, %dma_wait3A_158] : memref<2x64x129xf32, #tpu.memory_space<vmem>> -> memref<1x8x128xf32, #tpu.memory_space<vmem>>
    %dma_wait3A_160 = tpu.memref_squeeze %dma_wait3A_159 : memref<1x8x128xf32, #tpu.memory_space<vmem>> -> memref<8x128xf32, #tpu.memory_space<vmem>>
    tpu.wait_dma2 semaphore(%arg10 : memref<!tpu.dma_semaphore, #tpu.memory_space<semaphore_mem>>) src(%dma_wait3A_160 : memref<8x128xf32, #tpu.memory_space<vmem>>) dst(%dma_wait3A_156 : memref<8x128xf32, #tpu.memory_space<hbm>>)
    %dma_wait3A_161 = arith.constant 0 : i32
    %dma_wait3A_162 = arith.constant 24 : i32
    %dma_wait3A_163 = arith.constant 7 : i32
    %dma_wait3A_164 = arith.constant 56 : i32
    %dma_wait3A_165 = arith.constant 0 : i32
    %dma_wait3A_166 = tpu.memref_slice %arg7[%dma_wait3A_161, %dma_wait3A_164, %dma_wait3A_165] : memref<2x64x129xf32, #tpu.memory_space<vmem>> -> memref<1x8x128xf32, #tpu.memory_space<vmem>>
    %dma_wait3A_167 = tpu.memref_squeeze %dma_wait3A_166 : memref<1x8x128xf32, #tpu.memory_space<vmem>> -> memref<8x128xf32, #tpu.memory_space<vmem>>
    %dma_wait3A_168 = arith.constant 0 : i32
    %dma_wait3A_169 = arith.constant 0 : i32
    %dma_wait3A_170 = tpu.memref_slice %arg4[%dma_wait3A_162, %dma_wait3A_163, %add3A, %dma_wait3A_168, %dma_wait3A_169] : memref<26x8x32x8x128xf32, #tpu.memory_space<hbm>> -> memref<1x1x1x8x128xf32, #tpu.memory_space<hbm>>
    %dma_wait3A_171 = tpu.memref_squeeze %dma_wait3A_170 : memref<1x1x1x8x128xf32, #tpu.memory_space<hbm>> -> memref<8x128xf32, #tpu.memory_space<hbm>>
    %dma_wait3A_172 = arith.constant 0 : i32
    %dma_wait3A_173 = arith.constant 0 : i32
    %dma_wait3A_174 = tpu.memref_slice %arg4[%dma_wait3A_162, %dma_wait3A_163, %add3A, %dma_wait3A_172, %dma_wait3A_173] : memref<26x8x32x8x128xf32, #tpu.memory_space<hbm>> -> memref<1x1x1x8x128xf32, #tpu.memory_space<hbm>>
    %dma_wait3A_175 = tpu.memref_squeeze %dma_wait3A_174 : memref<1x1x1x8x128xf32, #tpu.memory_space<hbm>> -> memref<8x128xf32, #tpu.memory_space<hbm>>
    %dma_wait3A_176 = arith.constant 56 : i32
    %dma_wait3A_177 = arith.constant 0 : i32
    %dma_wait3A_178 = tpu.memref_slice %arg7[%dma_wait3A_161, %dma_wait3A_176, %dma_wait3A_177] : memref<2x64x129xf32, #tpu.memory_space<vmem>> -> memref<1x8x128xf32, #tpu.memory_space<vmem>>
    %dma_wait3A_179 = tpu.memref_squeeze %dma_wait3A_178 : memref<1x8x128xf32, #tpu.memory_space<vmem>> -> memref<8x128xf32, #tpu.memory_space<vmem>>
    tpu.wait_dma2 semaphore(%arg10 : memref<!tpu.dma_semaphore, #tpu.memory_space<semaphore_mem>>) src(%dma_wait3A_179 : memref<8x128xf32, #tpu.memory_space<vmem>>) dst(%dma_wait3A_175 : memref<8x128xf32, #tpu.memory_space<hbm>>)
    %dma_wait3A_180 = arith.constant 1 : i32
    %dma_wait3A_181 = arith.constant 25 : i32
    %dma_wait3A_182 = arith.constant 0 : i32
    %dma_wait3A_183 = arith.constant 0 : i32
    %dma_wait3A_184 = arith.constant 0 : i32
    %dma_wait3A_185 = tpu.memref_slice %arg7[%dma_wait3A_180, %dma_wait3A_183, %dma_wait3A_184] : memref<2x64x129xf32, #tpu.memory_space<vmem>> -> memref<1x8x128xf32, #tpu.memory_space<vmem>>
    %dma_wait3A_186 = tpu.memref_squeeze %dma_wait3A_185 : memref<1x8x128xf32, #tpu.memory_space<vmem>> -> memref<8x128xf32, #tpu.memory_space<vmem>>
    %dma_wait3A_187 = arith.constant 0 : i32
    %dma_wait3A_188 = arith.constant 0 : i32
    %dma_wait3A_189 = tpu.memref_slice %arg4[%dma_wait3A_181, %dma_wait3A_182, %add3A, %dma_wait3A_187, %dma_wait3A_188] : memref<26x8x32x8x128xf32, #tpu.memory_space<hbm>> -> memref<1x1x1x8x128xf32, #tpu.memory_space<hbm>>
    %dma_wait3A_190 = tpu.memref_squeeze %dma_wait3A_189 : memref<1x1x1x8x128xf32, #tpu.memory_space<hbm>> -> memref<8x128xf32, #tpu.memory_space<hbm>>
    %dma_wait3A_191 = arith.constant 0 : i32
    %dma_wait3A_192 = arith.constant 0 : i32
    %dma_wait3A_193 = tpu.memref_slice %arg4[%dma_wait3A_181, %dma_wait3A_182, %add3A, %dma_wait3A_191, %dma_wait3A_192] : memref<26x8x32x8x128xf32, #tpu.memory_space<hbm>> -> memref<1x1x1x8x128xf32, #tpu.memory_space<hbm>>
    %dma_wait3A_194 = tpu.memref_squeeze %dma_wait3A_193 : memref<1x1x1x8x128xf32, #tpu.memory_space<hbm>> -> memref<8x128xf32, #tpu.memory_space<hbm>>
    %dma_wait3A_195 = arith.constant 0 : i32
    %dma_wait3A_196 = arith.constant 0 : i32
    %dma_wait3A_197 = tpu.memref_slice %arg7[%dma_wait3A_180, %dma_wait3A_195, %dma_wait3A_196] : memref<2x64x129xf32, #tpu.memory_space<vmem>> -> memref<1x8x128xf32, #tpu.memory_space<vmem>>
    %dma_wait3A_198 = tpu.memref_squeeze %dma_wait3A_197 : memref<1x8x128xf32, #tpu.memory_space<vmem>> -> memref<8x128xf32, #tpu.memory_space<vmem>>
    tpu.wait_dma2 semaphore(%arg11 : memref<!tpu.dma_semaphore, #tpu.memory_space<semaphore_mem>>) src(%dma_wait3A_198 : memref<8x128xf32, #tpu.memory_space<vmem>>) dst(%dma_wait3A_194 : memref<8x128xf32, #tpu.memory_space<hbm>>)
    %dma_wait3A_199 = arith.constant 1 : i32
    %dma_wait3A_200 = arith.constant 25 : i32
    %dma_wait3A_201 = arith.constant 1 : i32
    %dma_wait3A_202 = arith.constant 8 : i32
    %dma_wait3A_203 = arith.constant 0 : i32
    %dma_wait3A_204 = tpu.memref_slice %arg7[%dma_wait3A_199, %dma_wait3A_202, %dma_wait3A_203] : memref<2x64x129xf32, #tpu.memory_space<vmem>> -> memref<1x8x128xf32, #tpu.memory_space<vmem>>
    %dma_wait3A_205 = tpu.memref_squeeze %dma_wait3A_204 : memref<1x8x128xf32, #tpu.memory_space<vmem>> -> memref<8x128xf32, #tpu.memory_space<vmem>>
    %dma_wait3A_206 = arith.constant 0 : i32
    %dma_wait3A_207 = arith.constant 0 : i32
    %dma_wait3A_208 = tpu.memref_slice %arg4[%dma_wait3A_200, %dma_wait3A_201, %add3A, %dma_wait3A_206, %dma_wait3A_207] : memref<26x8x32x8x128xf32, #tpu.memory_space<hbm>> -> memref<1x1x1x8x128xf32, #tpu.memory_space<hbm>>
    %dma_wait3A_209 = tpu.memref_squeeze %dma_wait3A_208 : memref<1x1x1x8x128xf32, #tpu.memory_space<hbm>> -> memref<8x128xf32, #tpu.memory_space<hbm>>
    %dma_wait3A_210 = arith.constant 0 : i32
    %dma_wait3A_211 = arith.constant 0 : i32
    %dma_wait3A_212 = tpu.memref_slice %arg4[%dma_wait3A_200, %dma_wait3A_201, %add3A, %dma_wait3A_210, %dma_wait3A_211] : memref<26x8x32x8x128xf32, #tpu.memory_space<hbm>> -> memref<1x1x1x8x128xf32, #tpu.memory_space<hbm>>
    %dma_wait3A_213 = tpu.memref_squeeze %dma_wait3A_212 : memref<1x1x1x8x128xf32, #tpu.memory_space<hbm>> -> memref<8x128xf32, #tpu.memory_space<hbm>>
    %dma_wait3A_214 = arith.constant 8 : i32
    %dma_wait3A_215 = arith.constant 0 : i32
    %dma_wait3A_216 = tpu.memref_slice %arg7[%dma_wait3A_199, %dma_wait3A_214, %dma_wait3A_215] : memref<2x64x129xf32, #tpu.memory_space<vmem>> -> memref<1x8x128xf32, #tpu.memory_space<vmem>>
    %dma_wait3A_217 = tpu.memref_squeeze %dma_wait3A_216 : memref<1x8x128xf32, #tpu.memory_space<vmem>> -> memref<8x128xf32, #tpu.memory_space<vmem>>
    tpu.wait_dma2 semaphore(%arg11 : memref<!tpu.dma_semaphore, #tpu.memory_space<semaphore_mem>>) src(%dma_wait3A_217 : memref<8x128xf32, #tpu.memory_space<vmem>>) dst(%dma_wait3A_213 : memref<8x128xf32, #tpu.memory_space<hbm>>)
    %dma_wait3A_218 = arith.constant 1 : i32
    %dma_wait3A_219 = arith.constant 25 : i32
    %dma_wait3A_220 = arith.constant 2 : i32
    %dma_wait3A_221 = arith.constant 16 : i32
    %dma_wait3A_222 = arith.constant 0 : i32
    %dma_wait3A_223 = tpu.memref_slice %arg7[%dma_wait3A_218, %dma_wait3A_221, %dma_wait3A_222] : memref<2x64x129xf32, #tpu.memory_space<vmem>> -> memref<1x8x128xf32, #tpu.memory_space<vmem>>
    %dma_wait3A_224 = tpu.memref_squeeze %dma_wait3A_223 : memref<1x8x128xf32, #tpu.memory_space<vmem>> -> memref<8x128xf32, #tpu.memory_space<vmem>>
    %dma_wait3A_225 = arith.constant 0 : i32
    %dma_wait3A_226 = arith.constant 0 : i32
    %dma_wait3A_227 = tpu.memref_slice %arg4[%dma_wait3A_219, %dma_wait3A_220, %add3A, %dma_wait3A_225, %dma_wait3A_226] : memref<26x8x32x8x128xf32, #tpu.memory_space<hbm>> -> memref<1x1x1x8x128xf32, #tpu.memory_space<hbm>>
    %dma_wait3A_228 = tpu.memref_squeeze %dma_wait3A_227 : memref<1x1x1x8x128xf32, #tpu.memory_space<hbm>> -> memref<8x128xf32, #tpu.memory_space<hbm>>
    %dma_wait3A_229 = arith.constant 0 : i32
    %dma_wait3A_230 = arith.constant 0 : i32
    %dma_wait3A_231 = tpu.memref_slice %arg4[%dma_wait3A_219, %dma_wait3A_220, %add3A, %dma_wait3A_229, %dma_wait3A_230] : memref<26x8x32x8x128xf32, #tpu.memory_space<hbm>> -> memref<1x1x1x8x128xf32, #tpu.memory_space<hbm>>
    %dma_wait3A_232 = tpu.memref_squeeze %dma_wait3A_231 : memref<1x1x1x8x128xf32, #tpu.memory_space<hbm>> -> memref<8x128xf32, #tpu.memory_space<hbm>>
    %dma_wait3A_233 = arith.constant 16 : i32
    %dma_wait3A_234 = arith.constant 0 : i32
    %dma_wait3A_235 = tpu.memref_slice %arg7[%dma_wait3A_218, %dma_wait3A_233, %dma_wait3A_234] : memref<2x64x129xf32, #tpu.memory_space<vmem>> -> memref<1x8x128xf32, #tpu.memory_space<vmem>>
    %dma_wait3A_236 = tpu.memref_squeeze %dma_wait3A_235 : memref<1x8x128xf32, #tpu.memory_space<vmem>> -> memref<8x128xf32, #tpu.memory_space<vmem>>
    tpu.wait_dma2 semaphore(%arg11 : memref<!tpu.dma_semaphore, #tpu.memory_space<semaphore_mem>>) src(%dma_wait3A_236 : memref<8x128xf32, #tpu.memory_space<vmem>>) dst(%dma_wait3A_232 : memref<8x128xf32, #tpu.memory_space<hbm>>)
    %dma_wait3A_237 = arith.constant 1 : i32
    %dma_wait3A_238 = arith.constant 25 : i32
    %dma_wait3A_239 = arith.constant 3 : i32
    %dma_wait3A_240 = arith.constant 24 : i32
    %dma_wait3A_241 = arith.constant 0 : i32
    %dma_wait3A_242 = tpu.memref_slice %arg7[%dma_wait3A_237, %dma_wait3A_240, %dma_wait3A_241] : memref<2x64x129xf32, #tpu.memory_space<vmem>> -> memref<1x8x128xf32, #tpu.memory_space<vmem>>
    %dma_wait3A_243 = tpu.memref_squeeze %dma_wait3A_242 : memref<1x8x128xf32, #tpu.memory_space<vmem>> -> memref<8x128xf32, #tpu.memory_space<vmem>>
    %dma_wait3A_244 = arith.constant 0 : i32
    %dma_wait3A_245 = arith.constant 0 : i32
    %dma_wait3A_246 = tpu.memref_slice %arg4[%dma_wait3A_238, %dma_wait3A_239, %add3A, %dma_wait3A_244, %dma_wait3A_245] : memref<26x8x32x8x128xf32, #tpu.memory_space<hbm>> -> memref<1x1x1x8x128xf32, #tpu.memory_space<hbm>>
    %dma_wait3A_247 = tpu.memref_squeeze %dma_wait3A_246 : memref<1x1x1x8x128xf32, #tpu.memory_space<hbm>> -> memref<8x128xf32, #tpu.memory_space<hbm>>
    %dma_wait3A_248 = arith.constant 0 : i32
    %dma_wait3A_249 = arith.constant 0 : i32
    %dma_wait3A_250 = tpu.memref_slice %arg4[%dma_wait3A_238, %dma_wait3A_239, %add3A, %dma_wait3A_248, %dma_wait3A_249] : memref<26x8x32x8x128xf32, #tpu.memory_space<hbm>> -> memref<1x1x1x8x128xf32, #tpu.memory_space<hbm>>
    %dma_wait3A_251 = tpu.memref_squeeze %dma_wait3A_250 : memref<1x1x1x8x128xf32, #tpu.memory_space<hbm>> -> memref<8x128xf32, #tpu.memory_space<hbm>>
    %dma_wait3A_252 = arith.constant 24 : i32
    %dma_wait3A_253 = arith.constant 0 : i32
    %dma_wait3A_254 = tpu.memref_slice %arg7[%dma_wait3A_237, %dma_wait3A_252, %dma_wait3A_253] : memref<2x64x129xf32, #tpu.memory_space<vmem>> -> memref<1x8x128xf32, #tpu.memory_space<vmem>>
    %dma_wait3A_255 = tpu.memref_squeeze %dma_wait3A_254 : memref<1x8x128xf32, #tpu.memory_space<vmem>> -> memref<8x128xf32, #tpu.memory_space<vmem>>
    tpu.wait_dma2 semaphore(%arg11 : memref<!tpu.dma_semaphore, #tpu.memory_space<semaphore_mem>>) src(%dma_wait3A_255 : memref<8x128xf32, #tpu.memory_space<vmem>>) dst(%dma_wait3A_251 : memref<8x128xf32, #tpu.memory_space<hbm>>)
    %dma_wait3A_256 = arith.constant 1 : i32
    %dma_wait3A_257 = arith.constant 25 : i32
    %dma_wait3A_258 = arith.constant 4 : i32
    %dma_wait3A_259 = arith.constant 32 : i32
    %dma_wait3A_260 = arith.constant 0 : i32
    %dma_wait3A_261 = tpu.memref_slice %arg7[%dma_wait3A_256, %dma_wait3A_259, %dma_wait3A_260] : memref<2x64x129xf32, #tpu.memory_space<vmem>> -> memref<1x8x128xf32, #tpu.memory_space<vmem>>
    %dma_wait3A_262 = tpu.memref_squeeze %dma_wait3A_261 : memref<1x8x128xf32, #tpu.memory_space<vmem>> -> memref<8x128xf32, #tpu.memory_space<vmem>>
    %dma_wait3A_263 = arith.constant 0 : i32
    %dma_wait3A_264 = arith.constant 0 : i32
    %dma_wait3A_265 = tpu.memref_slice %arg4[%dma_wait3A_257, %dma_wait3A_258, %add3A, %dma_wait3A_263, %dma_wait3A_264] : memref<26x8x32x8x128xf32, #tpu.memory_space<hbm>> -> memref<1x1x1x8x128xf32, #tpu.memory_space<hbm>>
    %dma_wait3A_266 = tpu.memref_squeeze %dma_wait3A_265 : memref<1x1x1x8x128xf32, #tpu.memory_space<hbm>> -> memref<8x128xf32, #tpu.memory_space<hbm>>
    %dma_wait3A_267 = arith.constant 0 : i32
    %dma_wait3A_268 = arith.constant 0 : i32
    %dma_wait3A_269 = tpu.memref_slice %arg4[%dma_wait3A_257, %dma_wait3A_258, %add3A, %dma_wait3A_267, %dma_wait3A_268] : memref<26x8x32x8x128xf32, #tpu.memory_space<hbm>> -> memref<1x1x1x8x128xf32, #tpu.memory_space<hbm>>
    %dma_wait3A_270 = tpu.memref_squeeze %dma_wait3A_269 : memref<1x1x1x8x128xf32, #tpu.memory_space<hbm>> -> memref<8x128xf32, #tpu.memory_space<hbm>>
    %dma_wait3A_271 = arith.constant 32 : i32
    %dma_wait3A_272 = arith.constant 0 : i32
    %dma_wait3A_273 = tpu.memref_slice %arg7[%dma_wait3A_256, %dma_wait3A_271, %dma_wait3A_272] : memref<2x64x129xf32, #tpu.memory_space<vmem>> -> memref<1x8x128xf32, #tpu.memory_space<vmem>>
    %dma_wait3A_274 = tpu.memref_squeeze %dma_wait3A_273 : memref<1x8x128xf32, #tpu.memory_space<vmem>> -> memref<8x128xf32, #tpu.memory_space<vmem>>
    tpu.wait_dma2 semaphore(%arg11 : memref<!tpu.dma_semaphore, #tpu.memory_space<semaphore_mem>>) src(%dma_wait3A_274 : memref<8x128xf32, #tpu.memory_space<vmem>>) dst(%dma_wait3A_270 : memref<8x128xf32, #tpu.memory_space<hbm>>)
    %dma_wait3A_275 = arith.constant 1 : i32
    %dma_wait3A_276 = arith.constant 25 : i32
    %dma_wait3A_277 = arith.constant 5 : i32
    %dma_wait3A_278 = arith.constant 40 : i32
    %dma_wait3A_279 = arith.constant 0 : i32
    %dma_wait3A_280 = tpu.memref_slice %arg7[%dma_wait3A_275, %dma_wait3A_278, %dma_wait3A_279] : memref<2x64x129xf32, #tpu.memory_space<vmem>> -> memref<1x8x128xf32, #tpu.memory_space<vmem>>
    %dma_wait3A_281 = tpu.memref_squeeze %dma_wait3A_280 : memref<1x8x128xf32, #tpu.memory_space<vmem>> -> memref<8x128xf32, #tpu.memory_space<vmem>>
    %dma_wait3A_282 = arith.constant 0 : i32
    %dma_wait3A_283 = arith.constant 0 : i32
    %dma_wait3A_284 = tpu.memref_slice %arg4[%dma_wait3A_276, %dma_wait3A_277, %add3A, %dma_wait3A_282, %dma_wait3A_283] : memref<26x8x32x8x128xf32, #tpu.memory_space<hbm>> -> memref<1x1x1x8x128xf32, #tpu.memory_space<hbm>>
    %dma_wait3A_285 = tpu.memref_squeeze %dma_wait3A_284 : memref<1x1x1x8x128xf32, #tpu.memory_space<hbm>> -> memref<8x128xf32, #tpu.memory_space<hbm>>
    %dma_wait3A_286 = arith.constant 0 : i32
    %dma_wait3A_287 = arith.constant 0 : i32
    %dma_wait3A_288 = tpu.memref_slice %arg4[%dma_wait3A_276, %dma_wait3A_277, %add3A, %dma_wait3A_286, %dma_wait3A_287] : memref<26x8x32x8x128xf32, #tpu.memory_space<hbm>> -> memref<1x1x1x8x128xf32, #tpu.memory_space<hbm>>
    %dma_wait3A_289 = tpu.memref_squeeze %dma_wait3A_288 : memref<1x1x1x8x128xf32, #tpu.memory_space<hbm>> -> memref<8x128xf32, #tpu.memory_space<hbm>>
    %dma_wait3A_290 = arith.constant 40 : i32
    %dma_wait3A_291 = arith.constant 0 : i32
    %dma_wait3A_292 = tpu.memref_slice %arg7[%dma_wait3A_275, %dma_wait3A_290, %dma_wait3A_291] : memref<2x64x129xf32, #tpu.memory_space<vmem>> -> memref<1x8x128xf32, #tpu.memory_space<vmem>>
    %dma_wait3A_293 = tpu.memref_squeeze %dma_wait3A_292 : memref<1x8x128xf32, #tpu.memory_space<vmem>> -> memref<8x128xf32, #tpu.memory_space<vmem>>
    tpu.wait_dma2 semaphore(%arg11 : memref<!tpu.dma_semaphore, #tpu.memory_space<semaphore_mem>>) src(%dma_wait3A_293 : memref<8x128xf32, #tpu.memory_space<vmem>>) dst(%dma_wait3A_289 : memref<8x128xf32, #tpu.memory_space<hbm>>)
    %dma_wait3A_294 = arith.constant 1 : i32
    %dma_wait3A_295 = arith.constant 25 : i32
    %dma_wait3A_296 = arith.constant 6 : i32
    %dma_wait3A_297 = arith.constant 48 : i32
    %dma_wait3A_298 = arith.constant 0 : i32
    %dma_wait3A_299 = tpu.memref_slice %arg7[%dma_wait3A_294, %dma_wait3A_297, %dma_wait3A_298] : memref<2x64x129xf32, #tpu.memory_space<vmem>> -> memref<1x8x128xf32, #tpu.memory_space<vmem>>
    %dma_wait3A_300 = tpu.memref_squeeze %dma_wait3A_299 : memref<1x8x128xf32, #tpu.memory_space<vmem>> -> memref<8x128xf32, #tpu.memory_space<vmem>>
    %dma_wait3A_301 = arith.constant 0 : i32
    %dma_wait3A_302 = arith.constant 0 : i32
    %dma_wait3A_303 = tpu.memref_slice %arg4[%dma_wait3A_295, %dma_wait3A_296, %add3A, %dma_wait3A_301, %dma_wait3A_302] : memref<26x8x32x8x128xf32, #tpu.memory_space<hbm>> -> memref<1x1x1x8x128xf32, #tpu.memory_space<hbm>>
    %dma_wait3A_304 = tpu.memref_squeeze %dma_wait3A_303 : memref<1x1x1x8x128xf32, #tpu.memory_space<hbm>> -> memref<8x128xf32, #tpu.memory_space<hbm>>
    %dma_wait3A_305 = arith.constant 0 : i32
    %dma_wait3A_306 = arith.constant 0 : i32
    %dma_wait3A_307 = tpu.memref_slice %arg4[%dma_wait3A_295, %dma_wait3A_296, %add3A, %dma_wait3A_305, %dma_wait3A_306] : memref<26x8x32x8x128xf32, #tpu.memory_space<hbm>> -> memref<1x1x1x8x128xf32, #tpu.memory_space<hbm>>
    %dma_wait3A_308 = tpu.memref_squeeze %dma_wait3A_307 : memref<1x1x1x8x128xf32, #tpu.memory_space<hbm>> -> memref<8x128xf32, #tpu.memory_space<hbm>>
    %dma_wait3A_309 = arith.constant 48 : i32
    %dma_wait3A_310 = arith.constant 0 : i32
    %dma_wait3A_311 = tpu.memref_slice %arg7[%dma_wait3A_294, %dma_wait3A_309, %dma_wait3A_310] : memref<2x64x129xf32, #tpu.memory_space<vmem>> -> memref<1x8x128xf32, #tpu.memory_space<vmem>>
    %dma_wait3A_312 = tpu.memref_squeeze %dma_wait3A_311 : memref<1x8x128xf32, #tpu.memory_space<vmem>> -> memref<8x128xf32, #tpu.memory_space<vmem>>
    tpu.wait_dma2 semaphore(%arg11 : memref<!tpu.dma_semaphore, #tpu.memory_space<semaphore_mem>>) src(%dma_wait3A_312 : memref<8x128xf32, #tpu.memory_space<vmem>>) dst(%dma_wait3A_308 : memref<8x128xf32, #tpu.memory_space<hbm>>)
    %dma_wait3A_313 = arith.constant 1 : i32
    %dma_wait3A_314 = arith.constant 25 : i32
    %dma_wait3A_315 = arith.constant 7 : i32
    %dma_wait3A_316 = arith.constant 56 : i32
    %dma_wait3A_317 = arith.constant 0 : i32
    %dma_wait3A_318 = tpu.memref_slice %arg7[%dma_wait3A_313, %dma_wait3A_316, %dma_wait3A_317] : memref<2x64x129xf32, #tpu.memory_space<vmem>> -> memref<1x8x128xf32, #tpu.memory_space<vmem>>
    %dma_wait3A_319 = tpu.memref_squeeze %dma_wait3A_318 : memref<1x8x128xf32, #tpu.memory_space<vmem>> -> memref<8x128xf32, #tpu.memory_space<vmem>>
    %dma_wait3A_320 = arith.constant 0 : i32
    %dma_wait3A_321 = arith.constant 0 : i32
    %dma_wait3A_322 = tpu.memref_slice %arg4[%dma_wait3A_314, %dma_wait3A_315, %add3A, %dma_wait3A_320, %dma_wait3A_321] : memref<26x8x32x8x128xf32, #tpu.memory_space<hbm>> -> memref<1x1x1x8x128xf32, #tpu.memory_space<hbm>>
    %dma_wait3A_323 = tpu.memref_squeeze %dma_wait3A_322 : memref<1x1x1x8x128xf32, #tpu.memory_space<hbm>> -> memref<8x128xf32, #tpu.memory_space<hbm>>
    %dma_wait3A_324 = arith.constant 0 : i32
    %dma_wait3A_325 = arith.constant 0 : i32
    %dma_wait3A_326 = tpu.memref_slice %arg4[%dma_wait3A_314, %dma_wait3A_315, %add3A, %dma_wait3A_324, %dma_wait3A_325] : memref<26x8x32x8x128xf32, #tpu.memory_space<hbm>> -> memref<1x1x1x8x128xf32, #tpu.memory_space<hbm>>
    %dma_wait3A_327 = tpu.memref_squeeze %dma_wait3A_326 : memref<1x1x1x8x128xf32, #tpu.memory_space<hbm>> -> memref<8x128xf32, #tpu.memory_space<hbm>>
    %dma_wait3A_328 = arith.constant 56 : i32
    %dma_wait3A_329 = arith.constant 0 : i32
    %dma_wait3A_330 = tpu.memref_slice %arg7[%dma_wait3A_313, %dma_wait3A_328, %dma_wait3A_329] : memref<2x64x129xf32, #tpu.memory_space<vmem>> -> memref<1x8x128xf32, #tpu.memory_space<vmem>>
    %dma_wait3A_331 = tpu.memref_squeeze %dma_wait3A_330 : memref<1x8x128xf32, #tpu.memory_space<vmem>> -> memref<8x128xf32, #tpu.memory_space<vmem>>
    tpu.wait_dma2 semaphore(%arg11 : memref<!tpu.dma_semaphore, #tpu.memory_space<semaphore_mem>>) src(%dma_wait3A_331 : memref<8x128xf32, #tpu.memory_space<vmem>>) dst(%dma_wait3A_327 : memref<8x128xf32, #tpu.memory_space<hbm>>)
    return
  }
}

</mosaic_0001>

<sc_bundles>
// kernel: kernel.3.cloned.1.call-start
scs
__scs_entry_jumppad:
0x0: {  	(pc) =	sbr.rel $0x88, $3  }
0x1: {  	(tag) =	ssettag $0x0;
	lr =	simm.s32 $0x1  }
0x2: {  	[smem:$0x3F9F] =	sst lr;
	_ =	strace $0xD0000000  }
0x3: {  	_ = 	snop  }
0x4: {  	_ = 	snop  }
0x5: {  	_ = 	snop  }
0x6: {  	_ = 	snop  }
0x7: {  	_ = 	snop  }
__scs_overlays_trampoline_lowered:
0x8: {  	[smem:$0x3FAE] =	sst s0  }
0x9: {  	[smem:$0x3FAF] =	sst s1  }
0xa: {  	[smem:$0x3FB0] =	sst s2  }
0xb: {  	[smem:$0x3FB1] =	sst s3  }
0xc: {  	[smem:$0x3FB2] =	sst s4  }
0xd: {  	[smem:$0x3FB3] =	sst s5  }
0xe: {  	[smem:$0x3FB4] =	sst s6  }
0xf: {  	[smem:$0x3FB5] =	sst s7  }
0x10: {  	[smem:$0x3FB6] =	sst s8  }
0x11: {  	[smem:$0x3FB7] =	sst s9;
	s0 =	simm.s32 @!p0 $0x0  }
0x12: {  	s1 =	sld [smem:$0x3F9D];
	s0 =	simm.s32 @p0 $0x1  }
0x13: {  	[smem:$0x3FB8] =	sst s0;
	s0 =	simm.s32 @!p1 $0x0  }
0x14: {  	s2 =	sld [smem:$0x3F9C];
	s0 =	simm.s32 @p1 $0x1  }
0x15: {  	[smem:$0x3FB9] =	sst s0;
	s0 =	simm.s32 @!p2 $0x0  }
0x16: {  	s3 =	sld [smem:$0x3FDB];
	s0 =	simm.s32 @p2 $0x1  }
0x17: {  	s4 =	simm.s32 $0x1BF5;
	[smem:$0x3FBB] =	sst s0  }
0x18: {  	s0 =	sld [smem:$0x3F9E];
	_ =	swait.ge [sflag:s4], $0x0  }
0x19: {  	s7 =	sld [smem:$0x3F9F]  }
0x1a: {  	s8 =	sadd.s32 $0xFFFFE003, lr  }
0x1b: {  	s9 =	sadd.s32 $0xFFFFFEF7, lr;
	s5 =	simm.s32 $0xFFFFFFFF;
	p2 =	slt.u32 s8, $0xFFFFF086  }
0x1c: {  	p1 =	slt.u32 s9, $0xF7A;
	s5 =	simm.s32 @!p2 $0x0  }
0x1d: {  	s5 =	simm.s32 @p1 $0x1;
	p0 =	seq.s32 s7, s2  }
0x1e: {  	s7 =	smul.u32 @!p0 $0xF7A, s2;
	p2 =	seq.s32 @!p0 s5, $0x0  }
0x1f: {  	s9 =	smul.u32 $0xF7A, s1;
	s8 =	simm.s32 @!p0 $0x1BF5;
	p2 =	por !p2, p0  }
0x20: {  	[sflag:s8] =	ssyncset.s32 @!p0 $0xFFFFF086;
	s6 =	sadd.s32 @!p0 s3, s7;
	s7 =	simm.s32 @!p0 $0x108  }
0x21: {  	s3 =	sadd.s32 s3, s9;
	s6 =	sadd.s32 @!p0 $0x88, s6;
	s7 =	simm.s32 @p2 $0x1082  }
0x22: {  	[simem:s7], [sflag:s8] =	dma.local @!p0 [hbm:s6], $0xF7A  }
0x23: {  	s9 =	sor.u32 $0xD0000000, s2;
	s6 =	simm.s32 $0x108;
	_ =	swait.ge @!p0 [sflag:s8], $0x0  }
0x24: {  	s3 =	sadd.s32 $0x88, s3;
	s6 =	simm.s32 @!p1 $0x1082;
	[sflag:s4] =	ssyncset.s32 $0xFFFFF086  }
0x25: {  	[simem:s6], [sflag:s4] =	dma.local [hbm:s3], $0xF7A  }
0x26: {  	[smem:$0x3F9F] =	sst s1;
	(tag) =	ssettag s2;
	_ =	strace s9  }
0x27: {  	s1 =	sld [smem:$0x3FAF]  }
0x28: {  	s2 =	sld [smem:$0x3FB0]  }
0x29: {  	s4 =	sld [smem:$0x3FB2]  }
0x2a: {  	p0 =	seq.s32 s5, $0x0;
	s5 =	sld [smem:$0x3FB3]  }
0x2b: {  	s6 =	sld [smem:$0x3FB4]  }
0x2c: {  	s7 =	sld [smem:$0x3FB5]  }
0x2d: {  	s3 =	simm.s32 $0x108;
	s8 =	sld [smem:$0x3FB6]  }
0x2e: {  	s3 =	simm.s32 @!p0 $0x1082;
	s9 =	sld [smem:$0x3FB7]  }
0x2f: {  	lr =	sadd.s32 s0, s3;
	s0 =	sld [smem:$0x3FAE]  }
0x30: {  	s3 =	sld [smem:$0x3FB1]  }
0x31: {  	[smem:$0x3FBA] =	sst s10  }
0x32: {  	s10 =	sld [smem:$0x3FB8];
	_ =	sdelay $0x3  }
0x33: {  	p0 =	seq.s32 s10, $0x1;
	s10 =	sld [smem:$0x3FBA];
	_ =	sdelay $0x3  }
0x34: {  	[smem:$0x3FBA] =	sst s10  }
0x35: {  	s10 =	sld [smem:$0x3FB9];
	_ =	sdelay $0x3  }
0x36: {  	p1 =	seq.s32 s10, $0x1;
	s10 =	sld [smem:$0x3FBA];
	_ =	sdelay $0x3  }
0x37: {  	[smem:$0x3FBA] =	sst s10  }
0x38: {  	s10 =	sld [smem:$0x3FBB]  }
0x39: {  	_ = 	snop;
	(pc) =	sbr.ind lr, $3  }
0x3a: {  	_ = 	snop  }
0x3b: {  	_ = 	snop  }
0x3c: {  	p2 =	seq.s32 s10, $0x1;
	s10 =	sld [smem:$0x3FBA]  }
0x3d: {  	_ =	shalt  }
0x3e: {  	_ =	shalt  }
0x3f: {  	_ =	shalt  }
0x40: {  	_ =	shalt  }
0x41: {  	_ =	shalt  }
0x42: {  	_ =	shalt  }
0x43: {  	_ =	shalt  }
0x44: {  	_ =	shalt  }
0x45: {  	_ =	shalt  }
0x46: {  	_ =	shalt  }
0x47: {  	_ =	shalt  }
0x48: {  	_ =	shalt  }
0x49: {  	_ =	shalt  }
0x4a: {  	_ =	shalt  }
0x4b: {  	_ =	shalt  }
0x4c: {  	_ =	shalt  }
0x4d: {  	_ =	shalt  }
0x4e: {  	_ =	shalt  }
0x4f: {  	_ =	shalt  }
0x50: {  	_ =	shalt  }
0x51: {  	_ =	shalt  }
0x52: {  	_ =	shalt  }
0x53: {  	_ =	shalt  }
0x54: {  	_ =	shalt  }
0x55: {  	_ =	shalt  }
0x56: {  	_ =	shalt  }
0x57: {  	_ =	shalt  }
0x58: {  	_ =	shalt  }
0x59: {  	_ =	shalt  }
0x5a: {  	_ =	shalt  }
0x5b: {  	_ =	shalt  }
0x5c: {  	_ =	shalt  }
0x5d: {  	_ =	shalt  }
0x5e: {  	_ =	shalt  }
0x5f: {  	_ =	shalt  }
0x60: {  	_ =	shalt  }
0x61: {  	_ =	shalt  }
0x62: {  	_ =	shalt  }
0x63: {  	_ =	shalt  }
0x64: {  	_ =	shalt  }
0x65: {  	_ =	shalt  }
0x66: {  	_ =	shalt  }
0x67: {  	_ =	shalt  }
0x68: {  	_ =	shalt  }
0x69: {  	_ =	shalt  }
0x6a: {  	_ =	shalt  }
0x6b: {  	_ =	shalt  }
0x6c: {  	_ =	shalt  }
0x6d: {  	_ =	shalt  }
0x6e: {  	_ =	shalt  }
0x6f: {  	_ =	shalt  }
0x70: {  	_ =	shalt  }
0x71: {  	_ =	shalt  }
0x72: {  	_ =	shalt  }
0x73: {  	_ =	shalt  }
0x74: {  	_ =	shalt  }
0x75: {  	_ =	shalt  }
0x76: {  	_ =	shalt  }
0x77: {  	_ =	shalt  }
0x78: {  	_ =	shalt  }
0x79: {  	_ =	shalt  }
0x7a: {  	_ =	shalt  }
0x7b: {  	_ =	shalt  }
0x7c: {  	_ =	shalt  }
0x7d: {  	_ =	shalt  }
0x7e: {  	_ =	shalt  }
0x7f: {  	_ =	shalt  }
0x80: {  	_ =	shalt  }
0x81: {  	_ =	shalt  }
0x82: {  	_ =	shalt  }
0x83: {  	_ =	shalt  }
0x84: {  	_ =	shalt  }
0x85: {  	_ =	shalt  }
0x86: {  	_ =	shalt  }
0x87: {  	_ =	shalt  }
.Lfunc_end0:
.L_simem_size_0:
called_computation_lowered:
.L_overlay_start_0:
0x88: {  	s2 =	sld [smem:$0x3FD9]  }
0x89: {  	s3 =	sld [smem:$0x3FFE];
	_ =	sdelay $0x1  }
0x8a: {  	s1 =	srdreg.scid  }
0x8b: {  	s0 =	sand.u32 $0x1, s1  }
0x8c: {  	s17 =	sshll.u32 s0, $0xA;
	s2 =	sadd.s32 s3, s2  }
0x8d: {  	s2 =	sadd.s32 s2, s17  }
0x8e: {  	[smem:$0x3FC6] =	sst s2  }
0x8f: {  	_ = 	snop  }
0x90: {  	s2 =	sld [smem:$0x3FD0];
	(tm) =	ssettm $0x1  }
0x91: {  	s18 =	sld [smem:$0x3FFB];
	_ =	sdelay $0x3  }
0x92: {  	_ =	strace s18  }
0x93: {  	s3 =	sld [smem:$0x3FFC];
	_ =	sdelay $0x3  }
0x94: {  	_ =	strace s3  }
0x95: {  	s3 =	sld [smem:$0x3FFD];
	_ =	sdelay $0x3  }
0x96: {  	_ =	strace s3  }
0x97: {  	_ =	strace $0x8FFFFFFF  }
0x98: {  	s19 =	sld [smem:$0x3FDB];
	_ =	sdelay $0x1  }
0x99: {  	s4 =	simm.s32 $_scs_section_size  }
0x9a: {  	s5 =	simm.s32 $_size__tile_overlayer_lowered;
	s6 =	simm.s32 $_tile_overlayer_lowered  }
0x9b: {  	s22 =	simm.s32 $0x1BFF;
	s21 =	sshll.u32 s6, $0x1;
	s3 =	sadd.s32 s4, s19  }
0x9c: {  	s7 =	simm.s32 $0x0;
	s20 =	sshll.u32 s5, $0x1;
	s5 =	sadd.s32 s21, s3  }
0x9d: {  	[timem:s7], [sflag:s22] =	dma.local [hbm:s5], s20  }
0x9e: {  	_ =	swait.ge [sflag:s22], s20  }
0x9f: {  	s4 =	ssub.s32 $0x0, s20;
	[sflag:s22] =	ssyncset.done $0x0  }
0xa0: {  	[sflag:s22] =	ssyncadd.s32 s4;
	_ =	sdelay $0x1  }
0xa1: {  	s23 =	simm.s32 $0x1B8B  }
0xa2: {  	_ =	swait.ge [sflag:s23], $0x1  }
0xa3: {  	[sflag:s23] =	ssyncset.done $0x0  }
0xa4: {  	s25 =	simm.s32 $0x1B8E;
	s24 =	sld [smem:$0x3FFE];
	[sflag:s23] =	ssyncadd.s32 $0xFFFFFFFF  }
0xa5: {  	s26 =	simm.s32 $execute0_lowered;
	[smem:$0x3FD2] =	sst s25  }
0xa6: {  	s5 =	sshll.u32 s26, $0x1;
	_ =	strace $0x80000046;
	[dreg:$0x1] =	wrdreg $0xFFFFFFFF  }
0xa7: {  	s28 =	simm.s32 $_size_execute0_lowered;
	s3 =	sadd.s32 s3, s5;
	[dreg:$0x0] =	wrdreg $0x0  }
0xa8: {  	s5 =	sshll.u32 s28, $0x1;
	[dreg:$0x2] =	wrdreg s3  }
0xa9: {  	[dreg:$0x3] =	wrdreg s5  }
0xaa: {  	[dreg:$0x4] =	wrdreg $0xC0  }
0xab: {  	_ =	task [dreg:s7], $0x5FFFF  }
0xac: {  	[dreg:$0x1] =	wrdreg $0xFFFFFFFF  }
0xad: {  	[dreg:$0x0] =	wrdreg $0x60  }
0xae: {  	[dreg:$0x2] =	wrdreg s24  }
0xaf: {  	[dreg:$0x3] =	wrdreg s2  }
0xb0: {  	[dreg:$0x4] =	wrdreg $0x9  }
0xb1: {  	_ =	task.clear_ibuf [dreg:s7], $0x5FFFF;
	_ =	strace $0x90000046  }
0xb2: {  	s29 =	simm.s32 $0x9;
	_ =	strace $0x80000048  }
0xb3: {  	_ =	swait.ge [sflag:s29], $0x1  }
0xb4: {  	[sflag:s29] =	ssyncadd.s32 $0xFFFFFFFF  }
0xb5: {  	_ =	strace $0x90000048  }
0xb6: {  	_ =	sfence  }
0xb7: {  	s30 =	sld [smem:$0x0];
	_ =	sdelay $0x2  }
0xb8: {  	s31 =	sshll.u32 s1, $0xD;
	s1 =	sshrl.u32 s1, $0x2  }
0xb9: {  	s3 =	sand.u32 $0x4000, s31;
	s1 =	sadd.s32 s1, s30  }
0xba: {  	s0 =	sor.u32 s3, s0;
	s1 =	sshll.u32 s1, $0x11  }
0xbb: {  	s0 =	sor.u32 s1, s0  }
0xbc: {  	s0 =	sadd.s32 $0x8F2B, s0  }
0xbd: {  	[sflag:s0] =	ssyncadd.remote.s32 $0x1  }
0xbe: {  	_ =	sfence.sel $0xFFFF  }
0xbf: {  	[dreg:$0x0] =	wrdreg $0xFFFFFFFF;
	(pc) =	sbr.abs _section_cstart, $3  }
0xc0: {  	[dreg:$0x1] =	wrdreg $0xFFFFFFFF  }
0xc1: {  	_ =	task.clear_ibuf [dreg:s7], $0x2FFFF;
	_ =	strace $0x9FFFFFFF  }
0xc2: {  	(tm) =	ssettm $0x7FFFFFFF  }
0xc3: {  	_ =	shalt  }
tec
execute0_lowered:
.L_overlay_start_1:
0x0: {  	(tag) =	ssettag $0x1  }
0x1: {  	s0 =	rddreg [dreg:$0x0];
	s1 =	srdreg.scid  }
0x2: {  	s3 =	stileid.u32;
	s2 =	rddreg [dreg:$0x1];
	v0 =	vlaneseq.u32  }
0x3: {  	s15 =	simm.s32 $0x80;
	s20 =	simm.s32 $0x1;
	s21 =	simm.s32 $0x4D00;
	v0 =	vmul.u32 $0x88, v0  }
0x4: {  	s14 =	simm.s32 $0x4;
	s17 =	simm.s32 $0x6F00;
	v1 =	vimm.s32 $0x0;
	vm0 =	vcmask $0x300;
	s16 =	simm.s32 $0x8CC0  }
0x5: {  	s18 =	simm.s32 $0x8D48;
	s19 =	simm.s32 $0x8DD0;
	s22 =	simm.s32 $0x8E58;
	v1 =	vsel vm0, $0x3, v1;
	v2 =	vadd.s32 $0x880, v0  }
0x6: {  	s23 =	simm.s32 $0x8EE0;
	s24 =	simm.s32 $0x8F68;
	s25 =	simm.s32 $0x8FF0;
	v3 =	vadd.s32 $0x1100, v0;
	v4 =	vadd.s32 $0x1980, v0;
	v5 =	vor.u32 $0x1, v0  }
0x7: {  	s26 =	simm.s32 $0x9078;
	s1 =	sand.u32 $0x1, s1;
	s4 =	sshll.u32 s3, $0x1;
	v6 =	vadd.s32 $0x881, v0;
	v7 =	vadd.s32 $0x1101, v0;
	v8 =	vadd.s32 $0x1981, v0  }
0x8: {  	s3 =	simm.s32 $0x0;
	s8 =	sadd.s32 $0x2000, s2;
	s9 =	sadd.s32 $0x3000, s2;
	v9 =	vor.u32 $0x2, v0;
	v10 =	vadd.s32 $0x882, v0;
	v11 =	vadd.s32 $0x1102, v0  }
0x9: {  	s10 =	sadd.s32 $0x4000, s2;
	s11 =	sadd.s32 $0x5000, s2;
	s12 =	sadd.s32 $0x6000, s2;
	v12 =	vadd.s32 $0x1982, v0;
	v13 =	vor.u32 $0x3, v0;
	v14 =	vadd.s32 $0x883, v0  }
0xa: {  	s13 =	sadd.s32 $0x7000, s2;
	s5 =	sor.u32 s1, s4;
	[smem:$0x7FF] =	sst s3;
	v15 =	vadd.s32 $0x1103, v0;
	v16 =	vadd.s32 $0x1983, v0;
	v17 =	vor.u32 $0x4, v0  }
0xb: {  	s1 =	ssub.s32 $0x2, s1;
	s4 =	sshll.u32 s5, $0x4;
	_ =	strace $0x80000047;
	v18 =	vadd.s32 $0x884, v0;
	v19 =	vadd.s32 $0x1104, v0;
	v20 =	vadd.s32 $0x1984, v0  }
0xc: {  	s7 =	sshrl.u32 s1, $0x1;
	v21 =	vor.u32 $0x5, v0;
	v22 =	vadd.s32 $0x885, v0;
	v23 =	vadd.s32 $0x1105, v0;
	s6 =	sadd.s32 s4, s0;
	s4 =	sadd.s32 $0x187000, s0  }
0xd: {  	v24 =	vadd.s32 $0x1985, v0;
	v25 =	vor.u32 $0x6, v0;
	v26 =	vadd.s32 $0x886, v0;
	s30 =	ssub.s32 s1, s7;
	s7 =	sadd.s32 $0x1000, s2;
	s31 =	sadd.s32 $0x600, s6  }
0xe: {  	v27 =	vadd.s32 $0x1106, v0;
	v28 =	vadd.s32 $0x1986, v0;
	v29 =	vor.u32 $0x7, v0;
	s1 =	simm.s32 $0x0;
	s0 =	smax.u32 s30, $0x1;
	[dreg:$0x3] =	wrdreg s31  }
0xf: {  	v30 =	vadd.s32 $0x887, v0;
	v31 =	vadd.s32 $0x1107, v0;
	v32 =	vadd.s32 $0x1987, v0;
	s6 =	sshll.u32 s5, $0xA;
	s5 =	simm.s32 $0x2;
	[dreg:$0x4] =	wrdreg s0  }
.LBB2_1:
0x10: {  	[dreg:$0x5] =	wrdreg s1  }
0x11: {  	s0 =	rddreg [dreg:$0x3];
	s29 =	simm.s32 $0x1000;
	s30 =	simm.s32 $0x5  }
0x12: {  	[tilespmem:s3], [sflag:$0x5] =	stream.strided.gather [hbm4b:s0+s15], $0xD00, s29, s15, $0x38;
	[tilespmem:$0x9100] =	vst v63  }
0x13: {  	_ =	swait.ge [sflag:s30], $0xD00  }
0x14: {  	[sflag:s30] =	ssyncset.done $0x0  }
0x15: {  	s31 =	simm.s32 $0xD00;
	s28 =	simm.s32 $0x0;
	[sflag:s30] =	ssyncadd.s32 $0xFFFFF300  }
0x16: {  	[tilespmem:s31], [sflag:$0x1] =	stream.indirect.gather [hbm4b:s4+s15], $0x40, s3, s15, $0xb8;
	[tilespmem:$0x9100] =	vst v63  }
.LBB2_2:
0x17: {  	s29 =	sshllo.u32 s28, $0x1  }
0x18: {  	s0 =	sshll.u32 s29, $0x7  }
0x19: {  	s1 =	simm.s32 $0x2D00;
	s0 =	sand.u32 $0x3FFFFF80, s0  }
0x1a: {  	[tilespmem:s1], [sflag:$0x2] =	stream.indirect.gather [hbm4b:s4+s15], $0x40, s0, s15, $0xb8;
	[tilespmem:$0x9100] =	vst v63  }
0x1b: {  	_ =	swait.ge [sflag:s20], $0x2000  }
0x1c: {  	p0 =	seq.s32 s28, $0x0;
	[sflag:s20] =	ssyncset.done $0x0  }
0x1d: {  	s0 =	simm.s32 @!p0 $0x3;
	[sflag:s20] =	ssyncadd.s32 $0xFFFFE000  }
0x1e: {  	_ =	swait.ge @!p0 [sflag:s0], $0x400  }
0x1f: {  	[sflag:s0] =	ssyncset.done @!p0 $0x0  }
0x20: {  	[sflag:s0] =	ssyncadd.s32 @!p0 $0xFFFFFC00  }
0x21: {  	_ =	swait.ge @!p0 [sflag:s0], $0x400  }
0x22: {  	[sflag:s0] =	ssyncset.done @!p0 $0x0  }
0x23: {  	[sflag:s0] =	ssyncadd.s32 @!p0 $0xFFFFFC00  }
0x24: {  	_ =	swait.ge @!p0 [sflag:s0], $0x400  }
0x25: {  	[sflag:s0] =	ssyncset.done @!p0 $0x0  }
0x26: {  	[sflag:s0] =	ssyncadd.s32 @!p0 $0xFFFFFC00  }
0x27: {  	_ =	swait.ge @!p0 [sflag:s0], $0x400  }
0x28: {  	[sflag:s0] =	ssyncset.done @!p0 $0x0  }
0x29: {  	[sflag:s0] =	ssyncadd.s32 @!p0 $0xFFFFFC00  }
0x2a: {  	_ =	swait.ge @!p0 [sflag:s0], $0x400  }
0x2b: {  	[sflag:s0] =	ssyncset.done @!p0 $0x0  }
0x2c: {  	[sflag:s0] =	ssyncadd.s32 @!p0 $0xFFFFFC00  }
0x2d: {  	_ =	swait.ge @!p0 [sflag:s0], $0x400  }
0x2e: {  	[sflag:s0] =	ssyncset.done @!p0 $0x0  }
0x2f: {  	[sflag:s0] =	ssyncadd.s32 @!p0 $0xFFFFFC00  }
0x30: {  	s1 =	simm.s32 $0x0;
	_ =	swait.ge @!p0 [sflag:s0], $0x400  }
0x31: {  	v33 =	vmov s1;
	[sflag:s0] =	ssyncset.done @!p0 $0x0  }
0x32: {  	v33 =	vshrl.u32 v33, $0x3;
	[sflag:s0] =	ssyncadd.s32 @!p0 $0xFFFFFC00  }
0x33: {  	v33 =	vshll.u32 v33, v1;
	_ =	swait.ge @!p0 [sflag:s0], $0x400  }
0x34: {  	v33 =	vbroadcast v33, $0x0;
	[sflag:s0] =	ssyncset.done @!p0 $0x0  }
0x35: {  	s30 =	simm.s32 $0xE00;
	[sflag:s0] =	ssyncadd.s32 @!p0 $0xFFFFFC00  }
0x36: {  	v35 =	vadd.s32 v0, v33;
	v34 =	vld [tilespmem:s30+$0xFFFFFF00];
	_ =	sdelay $0x4  }
0x37: {  	[tilespmem:v35+s21+$0x0] =	vst.idx.msk $0xffff, v34  }
0x38: {  	v56 =	vadd.s32 v2, v33;
	v34 =	vld [tilespmem:s30+$0xFFFFFF10];
	_ =	sdelay $0x4  }
0x39: {  	[tilespmem:v56+s21+$0x0] =	vst.idx.msk $0xffff, v34  }
0x3a: {  	v57 =	vadd.s32 v3, v33;
	v34 =	vld [tilespmem:s30+$0xFFFFFF20];
	_ =	sdelay $0x4  }
0x3b: {  	[tilespmem:v57+s21+$0x0] =	vst.idx.msk $0xffff, v34  }
0x3c: {  	s1 =	simm.s32 $0x1;
	v33 =	vadd.s32 v4, v33;
	v34 =	vld [tilespmem:s30+$0xFFFFFF30]  }
0x3d: {  	v58 =	vmov s1  }
0x3e: {  	v35 =	vshrl.u32 v58, $0x3  }
0x3f: {  	v35 =	vshll.u32 v35, v1  }
0x40: {  	v35 =	vbroadcast v35, $0x0  }
0x41: {  	[tilespmem:v33+s21+$0x0] =	vst.idx.msk $0xffff, v34  }
0x42: {  	v59 =	vadd.s32 v5, v35;
	v33 =	vld [tilespmem:s30+$0xFFFFFF40];
	_ =	sdelay $0x4  }
0x43: {  	[tilespmem:v59+s21+$0x0] =	vst.idx.msk $0xffff, v33  }
0x44: {  	v60 =	vadd.s32 v6, v35;
	v33 =	vld [tilespmem:s30+$0xFFFFFF50];
	_ =	sdelay $0x4  }
0x45: {  	[tilespmem:v60+s21+$0x0] =	vst.idx.msk $0xffff, v33  }
0x46: {  	v61 =	vadd.s32 v7, v35;
	v33 =	vld [tilespmem:s30+$0xFFFFFF60];
	_ =	sdelay $0x4  }
0x47: {  	[tilespmem:v61+s21+$0x0] =	vst.idx.msk $0xffff, v33  }
0x48: {  	s1 =	simm.s32 $0x2;
	v62 =	vadd.s32 v8, v35;
	v33 =	vld [tilespmem:s30+$0xFFFFFF70]  }
0x49: {  	v63 =	vmov s1  }
0x4a: {  	v35 =	vshrl.u32 v63, $0x3  }
0x4b: {  	v35 =	vshll.u32 v35, v1  }
0x4c: {  	v35 =	vbroadcast v35, $0x0  }
0x4d: {  	[tilespmem:v62+s21+$0x0] =	vst.idx.msk $0xffff, v33  }
0x4e: {  	v36 =	vadd.s32 v9, v35;
	v33 =	vld [tilespmem:s30+$0xFFFFFF80];
	_ =	sdelay $0x4  }
0x4f: {  	[tilespmem:v36+s21+$0x0] =	vst.idx.msk $0xffff, v33  }
0x50: {  	v37 =	vadd.s32 v10, v35;
	v33 =	vld [tilespmem:s30+$0xFFFFFF90];
	_ =	sdelay $0x4  }
0x51: {  	[tilespmem:v37+s21+$0x0] =	vst.idx.msk $0xffff, v33  }
0x52: {  	v38 =	vadd.s32 v11, v35;
	v33 =	vld [tilespmem:s30+$0xFFFFFFA0];
	_ =	sdelay $0x4  }
0x53: {  	[tilespmem:v38+s21+$0x0] =	vst.idx.msk $0xffff, v33  }
0x54: {  	s1 =	simm.s32 $0x3;
	v39 =	vadd.s32 v12, v35;
	v33 =	vld [tilespmem:s30+$0xFFFFFFB0]  }
0x55: {  	v40 =	vmov s1  }
0x56: {  	v35 =	vshrl.u32 v40, $0x3  }
0x57: {  	v35 =	vshll.u32 v35, v1  }
0x58: {  	v35 =	vbroadcast v35, $0x0  }
0x59: {  	[tilespmem:v39+s21+$0x0] =	vst.idx.msk $0xffff, v33  }
0x5a: {  	v41 =	vadd.s32 v13, v35;
	v33 =	vld [tilespmem:s30+$0xFFFFFFC0];
	_ =	sdelay $0x4  }
0x5b: {  	[tilespmem:v41+s21+$0x0] =	vst.idx.msk $0xffff, v33  }
0x5c: {  	v42 =	vadd.s32 v14, v35;
	v33 =	vld [tilespmem:s30+$0xFFFFFFD0];
	_ =	sdelay $0x4  }
0x5d: {  	[tilespmem:v42+s21+$0x0] =	vst.idx.msk $0xffff, v33  }
0x5e: {  	v43 =	vadd.s32 v15, v35;
	v33 =	vld [tilespmem:s30+$0xFFFFFFE0];
	_ =	sdelay $0x4  }
0x5f: {  	[tilespmem:v43+s21+$0x0] =	vst.idx.msk $0xffff, v33  }
0x60: {  	s1 =	simm.s32 $0x4;
	v44 =	vadd.s32 v16, v35;
	v33 =	vld [tilespmem:s30+$0xFFFFFFF0]  }
0x61: {  	v45 =	vmov s1  }
0x62: {  	v35 =	vshrl.u32 v45, $0x3  }
0x63: {  	v35 =	vshll.u32 v35, v1  }
0x64: {  	v35 =	vbroadcast v35, $0x0  }
0x65: {  	[tilespmem:v44+s21+$0x0] =	vst.idx.msk $0xffff, v33  }
0x66: {  	v46 =	vadd.s32 v17, v35;
	v33 =	vld [tilespmem:s30+$0x0];
	_ =	sdelay $0x4  }
0x67: {  	[tilespmem:v46+s21+$0x0] =	vst.idx.msk $0xffff, v33  }
0x68: {  	v47 =	vadd.s32 v18, v35;
	v33 =	vld [tilespmem:s30+$0x10];
	_ =	sdelay $0x4  }
0x69: {  	[tilespmem:v47+s21+$0x0] =	vst.idx.msk $0xffff, v33  }
0x6a: {  	v48 =	vadd.s32 v19, v35;
	v33 =	vld [tilespmem:s30+$0x20];
	_ =	sdelay $0x4  }
0x6b: {  	[tilespmem:v48+s21+$0x0] =	vst.idx.msk $0xffff, v33  }
0x6c: {  	s1 =	simm.s32 $0x5;
	v49 =	vadd.s32 v20, v35;
	v33 =	vld [tilespmem:s30+$0x30]  }
0x6d: {  	v50 =	vmov s1  }
0x6e: {  	v35 =	vshrl.u32 v50, $0x3  }
0x6f: {  	v35 =	vshll.u32 v35, v1  }
0x70: {  	v35 =	vbroadcast v35, $0x0  }
0x71: {  	[tilespmem:v49+s21+$0x0] =	vst.idx.msk $0xffff, v33  }
0x72: {  	v51 =	vadd.s32 v21, v35;
	v33 =	vld [tilespmem:s30+$0x40];
	_ =	sdelay $0x4  }
0x73: {  	[tilespmem:v51+s21+$0x0] =	vst.idx.msk $0xffff, v33  }
0x74: {  	v52 =	vadd.s32 v22, v35;
	v33 =	vld [tilespmem:s30+$0x50];
	_ =	sdelay $0x4  }
0x75: {  	[tilespmem:v52+s21+$0x0] =	vst.idx.msk $0xffff, v33  }
0x76: {  	v53 =	vadd.s32 v23, v35;
	v33 =	vld [tilespmem:s30+$0x60];
	_ =	sdelay $0x4  }
0x77: {  	[tilespmem:v53+s21+$0x0] =	vst.idx.msk $0xffff, v33  }
0x78: {  	s1 =	simm.s32 $0x6;
	v54 =	vadd.s32 v24, v35;
	v33 =	vld [tilespmem:s30+$0x70]  }
0x79: {  	v55 =	vmov s1  }
0x7a: {  	v35 =	vshrl.u32 v55, $0x3  }
0x7b: {  	v35 =	vshll.u32 v35, v1  }
0x7c: {  	v35 =	vbroadcast v35, $0x0  }
0x7d: {  	[tilespmem:v54+s21+$0x0] =	vst.idx.msk $0xffff, v33  }
0x7e: {  	v56 =	vadd.s32 v25, v35;
	v33 =	vld [tilespmem:s30+$0x80];
	_ =	sdelay $0x4  }
0x7f: {  	[tilespmem:v56+s21+$0x0] =	vst.idx.msk $0xffff, v33  }
0x80: {  	v57 =	vadd.s32 v26, v35;
	v33 =	vld [tilespmem:s30+$0x90];
	_ =	sdelay $0x4  }
0x81: {  	[tilespmem:v57+s21+$0x0] =	vst.idx.msk $0xffff, v33  }
0x82: {  	v58 =	vadd.s32 v27, v35;
	v33 =	vld [tilespmem:s30+$0xA0];
	_ =	sdelay $0x4  }
0x83: {  	[tilespmem:v58+s21+$0x0] =	vst.idx.msk $0xffff, v33  }
0x84: {  	s1 =	simm.s32 $0x7;
	v59 =	vadd.s32 v28, v35;
	v33 =	vld [tilespmem:s30+$0xB0]  }
0x85: {  	v60 =	vmov s1  }
0x86: {  	v35 =	vshrl.u32 v60, $0x3  }
0x87: {  	v35 =	vshll.u32 v35, v1  }
0x88: {  	v35 =	vbroadcast v35, $0x0  }
0x89: {  	[tilespmem:v59+s21+$0x0] =	vst.idx.msk $0xffff, v33  }
0x8a: {  	v61 =	vadd.s32 v29, v35;
	v33 =	vld [tilespmem:s30+$0xC0];
	_ =	sdelay $0x4  }
0x8b: {  	[tilespmem:v61+s21+$0x0] =	vst.idx.msk $0xffff, v33  }
0x8c: {  	v62 =	vadd.s32 v30, v35;
	v33 =	vld [tilespmem:s30+$0xD0];
	_ =	sdelay $0x4  }
0x8d: {  	[tilespmem:v62+s21+$0x0] =	vst.idx.msk $0xffff, v33  }
0x8e: {  	v63 =	vadd.s32 v31, v35;
	v33 =	vld [tilespmem:s30+$0xE0];
	_ =	sdelay $0x4  }
0x8f: {  	[tilespmem:v63+s21+$0x0] =	vst.idx.msk $0xffff, v33  }
0x90: {  	s31 =	simm.s32 $0xF;
	s0 =	simm.s32 $0x8;
	s1 =	simm.s32 $0x17;
	v34 =	vadd.s32 v32, v35;
	v33 =	vld [tilespmem:s30+$0xF0]  }
.LBB2_3:
0x91: {  	p1 =	sne.s32 s1, $0x7F;
	v35 =	vmov s0  }
0x92: {  	v35 =	vshrl.u32 v35, $0x3  }
0x93: {  	v35 =	vshll.u32 v35, v1  }
0x94: {  	v35 =	vbroadcast v35, $0x0  }
0x95: {  	s30 =	sadd.s32 $0x200, s30;
	[tilespmem:v34+s21+$0x0] =	vst.idx.msk $0xffff, v33  }
0x96: {  	v33 =	vld [tilespmem:s30+$0xFFFFFF00];
	v34 =	vadd.s32 v0, v35;
	_ =	sdelay $0x4  }
0x97: {  	[tilespmem:v34+s21+$0x0] =	vst.idx.msk $0xffff, v33  }
0x98: {  	v34 =	vadd.s32 v2, v35;
	v33 =	vld [tilespmem:s30+$0xFFFFFF10];
	_ =	sdelay $0x4  }
0x99: {  	[tilespmem:v34+s21+$0x0] =	vst.idx.msk $0xffff, v33  }
0x9a: {  	v34 =	vadd.s32 v3, v35;
	v33 =	vld [tilespmem:s30+$0xFFFFFF20];
	_ =	sdelay $0x4  }
0x9b: {  	[tilespmem:v34+s21+$0x0] =	vst.idx.msk $0xffff, v33  }
0x9c: {  	s0 =	sadd.s32 $0xFFFFFFFA, s31;
	v34 =	vadd.s32 v4, v35;
	v33 =	vld [tilespmem:s30+$0xFFFFFF30]  }
0x9d: {  	v35 =	vmov s0  }
0x9e: {  	v35 =	vshrl.u32 v35, $0x3  }
0x9f: {  	v35 =	vshll.u32 v35, v1  }
0xa0: {  	v35 =	vbroadcast v35, $0x0  }
0xa1: {  	[tilespmem:v34+s21+$0x0] =	vst.idx.msk $0xffff, v33  }
0xa2: {  	v34 =	vadd.s32 v5, v35;
	v33 =	vld [tilespmem:s30+$0xFFFFFF40];
	_ =	sdelay $0x4  }
0xa3: {  	[tilespmem:v34+s21+$0x0] =	vst.idx.msk $0xffff, v33  }
0xa4: {  	v34 =	vadd.s32 v6, v35;
	v33 =	vld [tilespmem:s30+$0xFFFFFF50];
	_ =	sdelay $0x4  }
0xa5: {  	[tilespmem:v34+s21+$0x0] =	vst.idx.msk $0xffff, v33  }
0xa6: {  	v34 =	vadd.s32 v7, v35;
	v33 =	vld [tilespmem:s30+$0xFFFFFF60];
	_ =	sdelay $0x4  }
0xa7: {  	[tilespmem:v34+s21+$0x0] =	vst.idx.msk $0xffff, v33  }
0xa8: {  	s0 =	sadd.s32 $0xFFFFFFFB, s31;
	v34 =	vadd.s32 v8, v35;
	v33 =	vld [tilespmem:s30+$0xFFFFFF70]  }
0xa9: {  	v35 =	vmov s0  }
0xaa: {  	v35 =	vshrl.u32 v35, $0x3  }
0xab: {  	v35 =	vshll.u32 v35, v1  }
0xac: {  	v35 =	vbroadcast v35, $0x0  }
0xad: {  	[tilespmem:v34+s21+$0x0] =	vst.idx.msk $0xffff, v33  }
0xae: {  	v34 =	vadd.s32 v9, v35;
	v33 =	vld [tilespmem:s30+$0xFFFFFF80];
	_ =	sdelay $0x4  }
0xaf: {  	[tilespmem:v34+s21+$0x0] =	vst.idx.msk $0xffff, v33  }
0xb0: {  	v34 =	vadd.s32 v10, v35;
	v33 =	vld [tilespmem:s30+$0xFFFFFF90];
	_ =	sdelay $0x4  }
0xb1: {  	[tilespmem:v34+s21+$0x0] =	vst.idx.msk $0xffff, v33  }
0xb2: {  	v34 =	vadd.s32 v11, v35;
	v33 =	vld [tilespmem:s30+$0xFFFFFFA0];
	_ =	sdelay $0x4  }
0xb3: {  	[tilespmem:v34+s21+$0x0] =	vst.idx.msk $0xffff, v33  }
0xb4: {  	s0 =	sadd.s32 $0xFFFFFFFC, s31;
	v34 =	vadd.s32 v12, v35;
	v33 =	vld [tilespmem:s30+$0xFFFFFFB0]  }
0xb5: {  	v35 =	vmov s0  }
0xb6: {  	v35 =	vshrl.u32 v35, $0x3  }
0xb7: {  	v35 =	vshll.u32 v35, v1  }
0xb8: {  	v35 =	vbroadcast v35, $0x0  }
0xb9: {  	[tilespmem:v34+s21+$0x0] =	vst.idx.msk $0xffff, v33  }
0xba: {  	v34 =	vadd.s32 v13, v35;
	v33 =	vld [tilespmem:s30+$0xFFFFFFC0];
	_ =	sdelay $0x4  }
0xbb: {  	[tilespmem:v34+s21+$0x0] =	vst.idx.msk $0xffff, v33  }
0xbc: {  	v34 =	vadd.s32 v14, v35;
	v33 =	vld [tilespmem:s30+$0xFFFFFFD0];
	_ =	sdelay $0x4  }
0xbd: {  	[tilespmem:v34+s21+$0x0] =	vst.idx.msk $0xffff, v33  }
0xbe: {  	v34 =	vadd.s32 v15, v35;
	v33 =	vld [tilespmem:s30+$0xFFFFFFE0];
	_ =	sdelay $0x4  }
0xbf: {  	[tilespmem:v34+s21+$0x0] =	vst.idx.msk $0xffff, v33  }
0xc0: {  	s0 =	sadd.s32 $0xFFFFFFFD, s31;
	v34 =	vadd.s32 v16, v35;
	v33 =	vld [tilespmem:s30+$0xFFFFFFF0]  }
0xc1: {  	v35 =	vmov s0  }
0xc2: {  	v35 =	vshrl.u32 v35, $0x3  }
0xc3: {  	v35 =	vshll.u32 v35, v1  }
0xc4: {  	v35 =	vbroadcast v35, $0x0  }
0xc5: {  	[tilespmem:v34+s21+$0x0] =	vst.idx.msk $0xffff, v33  }
0xc6: {  	v34 =	vadd.s32 v17, v35;
	v33 =	vld [tilespmem:s30+$0x0];
	_ =	sdelay $0x4  }
0xc7: {  	[tilespmem:v34+s21+$0x0] =	vst.idx.msk $0xffff, v33  }
0xc8: {  	v34 =	vadd.s32 v18, v35;
	v33 =	vld [tilespmem:s30+$0x10];
	_ =	sdelay $0x4  }
0xc9: {  	[tilespmem:v34+s21+$0x0] =	vst.idx.msk $0xffff, v33  }
0xca: {  	v34 =	vadd.s32 v19, v35;
	v33 =	vld [tilespmem:s30+$0x20];
	_ =	sdelay $0x4  }
0xcb: {  	[tilespmem:v34+s21+$0x0] =	vst.idx.msk $0xffff, v33  }
0xcc: {  	s0 =	sadd.s32 $0xFFFFFFFE, s31;
	v34 =	vadd.s32 v20, v35;
	v33 =	vld [tilespmem:s30+$0x30]  }
0xcd: {  	v35 =	vmov s0  }
0xce: {  	v35 =	vshrl.u32 v35, $0x3  }
0xcf: {  	v35 =	vshll.u32 v35, v1  }
0xd0: {  	v35 =	vbroadcast v35, $0x0  }
0xd1: {  	[tilespmem:v34+s21+$0x0] =	vst.idx.msk $0xffff, v33  }
0xd2: {  	v34 =	vadd.s32 v21, v35;
	v33 =	vld [tilespmem:s30+$0x40];
	_ =	sdelay $0x4  }
0xd3: {  	[tilespmem:v34+s21+$0x0] =	vst.idx.msk $0xffff, v33  }
0xd4: {  	v34 =	vadd.s32 v22, v35;
	v33 =	vld [tilespmem:s30+$0x50];
	_ =	sdelay $0x4  }
0xd5: {  	[tilespmem:v34+s21+$0x0] =	vst.idx.msk $0xffff, v33  }
0xd6: {  	v34 =	vadd.s32 v23, v35;
	v33 =	vld [tilespmem:s30+$0x60];
	_ =	sdelay $0x4  }
0xd7: {  	[tilespmem:v34+s21+$0x0] =	vst.idx.msk $0xffff, v33  }
0xd8: {  	s0 =	sadd.s32 $0xFFFFFFFF, s31;
	v34 =	vadd.s32 v24, v35;
	v33 =	vld [tilespmem:s30+$0x70]  }
0xd9: {  	v35 =	vmov s0  }
0xda: {  	v35 =	vshrl.u32 v35, $0x3  }
0xdb: {  	v35 =	vshll.u32 v35, v1  }
0xdc: {  	v35 =	vbroadcast v35, $0x0  }
0xdd: {  	[tilespmem:v34+s21+$0x0] =	vst.idx.msk $0xffff, v33  }
0xde: {  	v34 =	vadd.s32 v25, v35;
	v33 =	vld [tilespmem:s30+$0x80];
	_ =	sdelay $0x4  }
0xdf: {  	[tilespmem:v34+s21+$0x0] =	vst.idx.msk $0xffff, v33  }
0xe0: {  	v34 =	vadd.s32 v26, v35;
	v33 =	vld [tilespmem:s30+$0x90];
	_ =	sdelay $0x4  }
0xe1: {  	[tilespmem:v34+s21+$0x0] =	vst.idx.msk $0xffff, v33  }
0xe2: {  	v34 =	vadd.s32 v27, v35;
	v33 =	vld [tilespmem:s30+$0xA0];
	_ =	sdelay $0x4  }
0xe3: {  	[tilespmem:v34+s21+$0x0] =	vst.idx.msk $0xffff, v33  }
0xe4: {  	v34 =	vadd.s32 v28, v35;
	v33 =	vld [tilespmem:s30+$0xB0]  }
0xe5: {  	v35 =	vmov s31;
	s31 =	smov.u32 s1  }
0xe6: {  	v35 =	vshrl.u32 v35, $0x3  }
0xe7: {  	v35 =	vshll.u32 v35, v1  }
0xe8: {  	v35 =	vbroadcast v35, $0x0  }
0xe9: {  	[tilespmem:v34+s21+$0x0] =	vst.idx.msk $0xffff, v33  }
0xea: {  	v34 =	vadd.s32 v29, v35;
	v33 =	vld [tilespmem:s30+$0xC0];
	_ =	sdelay $0x4  }
0xeb: {  	[tilespmem:v34+s21+$0x0] =	vst.idx.msk $0xffff, v33  }
0xec: {  	v34 =	vadd.s32 v30, v35;
	v33 =	vld [tilespmem:s30+$0xD0];
	_ =	sdelay $0x4  }
0xed: {  	[tilespmem:v34+s21+$0x0] =	vst.idx.msk $0xffff, v33  }
0xee: {  	v34 =	vadd.s32 v31, v35;
	v33 =	vld [tilespmem:s30+$0xE0];
	_ =	sdelay $0x1  }
.Ltmp0:
0xef: {  	(pc) =	sbr.rel @p1 .LBB2_3-.Ltmp0, $3  }
0xf0: {  	_ =	sdelay $0x1  }
0xf1: {  	[tilespmem:v34+s21+$0x0] =	vst.idx.msk $0xffff, v33  }
0xf2: {  	s1 =	sadd.s32 $0x8, s1;
	s0 =	sadd.s32 $0xFFFFFFF9, s31;
	v34 =	vadd.s32 v32, v35;
	v33 =	vld [tilespmem:s30+$0xF0]  }
0xf3: {  	v35 =	vmov s0  }
0xf4: {  	v35 =	vshrl.u32 v35, $0x3  }
0xf5: {  	v35 =	vshll.u32 v35, v1  }
0xf6: {  	v35 =	vbroadcast v35, $0x0  }
0xf7: {  	s1 =	sadd.s32 $0x200, s30;
	[tilespmem:v34+s21+$0x0] =	vst.idx.msk $0xffff, v33  }
0xf8: {  	v33 =	vld [tilespmem:s1+$0xFFFFFF00];
	v53 =	vadd.s32 v0, v35;
	_ =	sdelay $0x4  }
0xf9: {  	[tilespmem:v53+s21+$0x0] =	vst.idx.msk $0xffff, v33  }
0xfa: {  	v54 =	vadd.s32 v2, v35;
	v33 =	vld [tilespmem:s1+$0xFFFFFF10];
	_ =	sdelay $0x4  }
0xfb: {  	[tilespmem:v54+s21+$0x0] =	vst.idx.msk $0xffff, v33  }
0xfc: {  	v55 =	vadd.s32 v3, v35;
	v33 =	vld [tilespmem:s1+$0xFFFFFF20];
	_ =	sdelay $0x4  }
0xfd: {  	[tilespmem:v55+s21+$0x0] =	vst.idx.msk $0xffff, v33  }
0xfe: {  	s30 =	sadd.s32 $0xFFFFFFFA, s31;
	v56 =	vadd.s32 v4, v35;
	v33 =	vld [tilespmem:s1+$0xFFFFFF30]  }
0xff: {  	v57 =	vmov s30  }
0x100: {  	v35 =	vshrl.u32 v57, $0x3  }
0x101: {  	v35 =	vshll.u32 v35, v1  }
0x102: {  	v35 =	vbroadcast v35, $0x0  }
0x103: {  	[tilespmem:v56+s21+$0x0] =	vst.idx.msk $0xffff, v33  }
0x104: {  	v58 =	vadd.s32 v5, v35;
	v33 =	vld [tilespmem:s1+$0xFFFFFF40];
	_ =	sdelay $0x4  }
0x105: {  	[tilespmem:v58+s21+$0x0] =	vst.idx.msk $0xffff, v33  }
0x106: {  	v59 =	vadd.s32 v6, v35;
	v33 =	vld [tilespmem:s1+$0xFFFFFF50];
	_ =	sdelay $0x4  }
0x107: {  	[tilespmem:v59+s21+$0x0] =	vst.idx.msk $0xffff, v33  }
0x108: {  	v60 =	vadd.s32 v7, v35;
	v33 =	vld [tilespmem:s1+$0xFFFFFF60];
	_ =	sdelay $0x4  }
0x109: {  	[tilespmem:v60+s21+$0x0] =	vst.idx.msk $0xffff, v33  }
0x10a: {  	s30 =	sadd.s32 $0xFFFFFFFB, s31;
	v61 =	vadd.s32 v8, v35;
	v33 =	vld [tilespmem:s1+$0xFFFFFF70]  }
0x10b: {  	v62 =	vmov s30  }
0x10c: {  	v35 =	vshrl.u32 v62, $0x3  }
0x10d: {  	v35 =	vshll.u32 v35, v1  }
0x10e: {  	v35 =	vbroadcast v35, $0x0  }
0x10f: {  	[tilespmem:v61+s21+$0x0] =	vst.idx.msk $0xffff, v33  }
0x110: {  	v63 =	vadd.s32 v9, v35;
	v33 =	vld [tilespmem:s1+$0xFFFFFF80];
	_ =	sdelay $0x4  }
0x111: {  	[tilespmem:v63+s21+$0x0] =	vst.idx.msk $0xffff, v33  }
0x112: {  	v36 =	vadd.s32 v10, v35;
	v33 =	vld [tilespmem:s1+$0xFFFFFF90];
	_ =	sdelay $0x4  }
0x113: {  	[tilespmem:v36+s21+$0x0] =	vst.idx.msk $0xffff, v33  }
0x114: {  	v37 =	vadd.s32 v11, v35;
	v33 =	vld [tilespmem:s1+$0xFFFFFFA0];
	_ =	sdelay $0x4  }
0x115: {  	[tilespmem:v37+s21+$0x0] =	vst.idx.msk $0xffff, v33  }
0x116: {  	s30 =	sadd.s32 $0xFFFFFFFC, s31;
	v38 =	vadd.s32 v12, v35;
	v33 =	vld [tilespmem:s1+$0xFFFFFFB0]  }
0x117: {  	v39 =	vmov s30  }
0x118: {  	v35 =	vshrl.u32 v39, $0x3  }
0x119: {  	v35 =	vshll.u32 v35, v1  }
0x11a: {  	v35 =	vbroadcast v35, $0x0  }
0x11b: {  	[tilespmem:v38+s21+$0x0] =	vst.idx.msk $0xffff, v33  }
0x11c: {  	v40 =	vadd.s32 v13, v35;
	v33 =	vld [tilespmem:s1+$0xFFFFFFC0];
	_ =	sdelay $0x4  }
0x11d: {  	[tilespmem:v40+s21+$0x0] =	vst.idx.msk $0xffff, v33  }
0x11e: {  	v41 =	vadd.s32 v14, v35;
	v33 =	vld [tilespmem:s1+$0xFFFFFFD0];
	_ =	sdelay $0x4  }
0x11f: {  	[tilespmem:v41+s21+$0x0] =	vst.idx.msk $0xffff, v33  }
0x120: {  	v42 =	vadd.s32 v15, v35;
	v33 =	vld [tilespmem:s1+$0xFFFFFFE0];
	_ =	sdelay $0x4  }
0x121: {  	[tilespmem:v42+s21+$0x0] =	vst.idx.msk $0xffff, v33  }
0x122: {  	s30 =	sadd.s32 $0xFFFFFFFD, s31;
	v43 =	vadd.s32 v16, v35;
	v33 =	vld [tilespmem:s1+$0xFFFFFFF0]  }
0x123: {  	v44 =	vmov s30  }
0x124: {  	v35 =	vshrl.u32 v44, $0x3  }
0x125: {  	v35 =	vshll.u32 v35, v1  }
0x126: {  	v35 =	vbroadcast v35, $0x0  }
0x127: {  	[tilespmem:v43+s21+$0x0] =	vst.idx.msk $0xffff, v33  }
0x128: {  	v45 =	vadd.s32 v17, v35;
	v33 =	vld [tilespmem:s1+$0x0];
	_ =	sdelay $0x4  }
0x129: {  	[tilespmem:v45+s21+$0x0] =	vst.idx.msk $0xffff, v33  }
0x12a: {  	v46 =	vadd.s32 v18, v35;
	v33 =	vld [tilespmem:s1+$0x10];
	_ =	sdelay $0x4  }
0x12b: {  	[tilespmem:v46+s21+$0x0] =	vst.idx.msk $0xffff, v33  }
0x12c: {  	v47 =	vadd.s32 v19, v35;
	v33 =	vld [tilespmem:s1+$0x20];
	_ =	sdelay $0x4  }
0x12d: {  	[tilespmem:v47+s21+$0x0] =	vst.idx.msk $0xffff, v33  }
0x12e: {  	s30 =	sadd.s32 $0xFFFFFFFE, s31;
	v48 =	vadd.s32 v20, v35;
	v33 =	vld [tilespmem:s1+$0x30]  }
0x12f: {  	v49 =	vmov s30  }
0x130: {  	v35 =	vshrl.u32 v49, $0x3  }
0x131: {  	v35 =	vshll.u32 v35, v1  }
0x132: {  	v35 =	vbroadcast v35, $0x0  }
0x133: {  	[tilespmem:v48+s21+$0x0] =	vst.idx.msk $0xffff, v33  }
0x134: {  	v50 =	vadd.s32 v21, v35;
	v33 =	vld [tilespmem:s1+$0x40];
	_ =	sdelay $0x4  }
0x135: {  	[tilespmem:v50+s21+$0x0] =	vst.idx.msk $0xffff, v33  }
0x136: {  	v51 =	vadd.s32 v22, v35;
	v33 =	vld [tilespmem:s1+$0x50];
	_ =	sdelay $0x4  }
0x137: {  	[tilespmem:v51+s21+$0x0] =	vst.idx.msk $0xffff, v33  }
0x138: {  	v52 =	vadd.s32 v23, v35;
	v33 =	vld [tilespmem:s1+$0x60];
	_ =	sdelay $0x4  }
0x139: {  	[tilespmem:v52+s21+$0x0] =	vst.idx.msk $0xffff, v33  }
0x13a: {  	s30 =	sadd.s32 $0xFFFFFFFF, s31;
	v53 =	vadd.s32 v24, v35;
	v33 =	vld [tilespmem:s1+$0x70]  }
0x13b: {  	v54 =	vmov s30  }
0x13c: {  	v35 =	vshrl.u32 v54, $0x3  }
0x13d: {  	v35 =	vshll.u32 v35, v1  }
0x13e: {  	v35 =	vbroadcast v35, $0x0  }
0x13f: {  	[tilespmem:v53+s21+$0x0] =	vst.idx.msk $0xffff, v33  }
0x140: {  	v55 =	vadd.s32 v25, v35;
	v33 =	vld [tilespmem:s1+$0x80];
	_ =	sdelay $0x4  }
0x141: {  	[tilespmem:v55+s21+$0x0] =	vst.idx.msk $0xffff, v33  }
0x142: {  	v56 =	vadd.s32 v26, v35;
	v33 =	vld [tilespmem:s1+$0x90];
	_ =	sdelay $0x4  }
0x143: {  	[tilespmem:v56+s21+$0x0] =	vst.idx.msk $0xffff, v33  }
0x144: {  	v57 =	vadd.s32 v27, v35;
	v33 =	vld [tilespmem:s1+$0xA0];
	_ =	sdelay $0x4  }
0x145: {  	[tilespmem:v57+s21+$0x0] =	vst.idx.msk $0xffff, v33  }
0x146: {  	v58 =	vadd.s32 v28, v35;
	v33 =	vld [tilespmem:s1+$0xB0]  }
0x147: {  	v59 =	vmov s31  }
0x148: {  	v35 =	vshrl.u32 v59, $0x3  }
0x149: {  	v35 =	vshll.u32 v35, v1  }
0x14a: {  	v35 =	vbroadcast v35, $0x0  }
0x14b: {  	[tilespmem:v58+s21+$0x0] =	vst.idx.msk $0xffff, v33  }
0x14c: {  	v60 =	vadd.s32 v29, v35;
	v33 =	vld [tilespmem:s1+$0xC0];
	_ =	sdelay $0x4  }
0x14d: {  	[tilespmem:v60+s21+$0x0] =	vst.idx.msk $0xffff, v33  }
0x14e: {  	v61 =	vadd.s32 v30, v35;
	v33 =	vld [tilespmem:s1+$0xD0];
	_ =	sdelay $0x4  }
0x14f: {  	[tilespmem:v61+s21+$0x0] =	vst.idx.msk $0xffff, v33  }
0x150: {  	v62 =	vadd.s32 v31, v35;
	v33 =	vld [tilespmem:s1+$0xE0];
	_ =	sdelay $0x4  }
0x151: {  	[tilespmem:v62+s21+$0x0] =	vst.idx.msk $0xffff, v33  }
0x152: {  	v63 =	vadd.s32 v32, v35;
	v33 =	vld [tilespmem:s1+$0xF0];
	_ =	sdelay $0x1  }
0x153: {  	s30 =	sshll.u32 s28, $0x13  }
0x154: {  	s0 =	sor.u32 s6, s30  }
0x155: {  	s1 =	sshrl.u32 s0, $0x3  }
0x156: {  	s0 =	sadd.s32 s2, s1;
	[tilespmem:v63+s21+$0x0] =	vst.idx.msk $0xffff, v33  }
0x157: {  	[hbm4b:s0+s3] =	stream.linear.scatter [tilespmem:s21], [sflag:$0x3], $0x80, $0x38;
	[tilespmem:$0x9100] =	vst v63  }
0x158: {  	s31 =	simm.s32 $0x4D88;
	s30 =	sadd.s32 $0x10, s0  }
0x159: {  	[hbm4b:s30+s3] =	stream.linear.scatter [tilespmem:s31], [sflag:$0x3], $0x80, $0x38;
	[tilespmem:$0x9100] =	vst v63  }
0x15a: {  	s30 =	sadd.s32 $0x20, s0;
	s31 =	simm.s32 $0x4E10  }
0x15b: {  	[hbm4b:s30+s3] =	stream.linear.scatter [tilespmem:s31], [sflag:$0x3], $0x80, $0x38;
	[tilespmem:$0x9100] =	vst v63  }
0x15c: {  	s30 =	sadd.s32 $0x30, s0;
	s31 =	simm.s32 $0x4E98  }
0x15d: {  	[hbm4b:s30+s3] =	stream.linear.scatter [tilespmem:s31], [sflag:$0x3], $0x80, $0x38;
	[tilespmem:$0x9100] =	vst v63  }
0x15e: {  	s30 =	sadd.s32 $0x40, s0;
	s31 =	simm.s32 $0x4F20  }
0x15f: {  	[hbm4b:s30+s3] =	stream.linear.scatter [tilespmem:s31], [sflag:$0x3], $0x80, $0x38;
	[tilespmem:$0x9100] =	vst v63  }
0x160: {  	s30 =	sadd.s32 $0x50, s0;
	s31 =	simm.s32 $0x4FA8  }
0x161: {  	[hbm4b:s30+s3] =	stream.linear.scatter [tilespmem:s31], [sflag:$0x3], $0x80, $0x38;
	[tilespmem:$0x9100] =	vst v63  }
0x162: {  	s30 =	sadd.s32 $0x60, s0;
	s31 =	simm.s32 $0x5030  }
0x163: {  	[hbm4b:s30+s3] =	stream.linear.scatter [tilespmem:s31], [sflag:$0x3], $0x80, $0x38;
	[tilespmem:$0x9100] =	vst v63  }
0x164: {  	s0 =	sadd.s32 $0x70, s0;
	s31 =	simm.s32 $0x50B8  }
0x165: {  	[hbm4b:s0+s3] =	stream.linear.scatter [tilespmem:s31], [sflag:$0x3], $0x80, $0x38;
	[tilespmem:$0x9100] =	vst v63  }
0x166: {  	s0 =	sadd.s32 s1, s7;
	s31 =	simm.s32 $0x5140  }
0x167: {  	[hbm4b:s0+s3] =	stream.linear.scatter [tilespmem:s31], [sflag:$0x3], $0x80, $0x38;
	[tilespmem:$0x9100] =	vst v63  }
0x168: {  	s30 =	sadd.s32 $0x10, s0;
	s31 =	simm.s32 $0x51C8  }
0x169: {  	[hbm4b:s30+s3] =	stream.linear.scatter [tilespmem:s31], [sflag:$0x3], $0x80, $0x38;
	[tilespmem:$0x9100] =	vst v63  }
0x16a: {  	s30 =	sadd.s32 $0x20, s0;
	s31 =	simm.s32 $0x5250  }
0x16b: {  	[hbm4b:s30+s3] =	stream.linear.scatter [tilespmem:s31], [sflag:$0x3], $0x80, $0x38;
	[tilespmem:$0x9100] =	vst v63  }
0x16c: {  	s30 =	sadd.s32 $0x30, s0;
	s31 =	simm.s32 $0x52D8  }
0x16d: {  	[hbm4b:s30+s3] =	stream.linear.scatter [tilespmem:s31], [sflag:$0x3], $0x80, $0x38;
	[tilespmem:$0x9100] =	vst v63  }
0x16e: {  	s30 =	sadd.s32 $0x40, s0;
	s31 =	simm.s32 $0x5360  }
0x16f: {  	[hbm4b:s30+s3] =	stream.linear.scatter [tilespmem:s31], [sflag:$0x3], $0x80, $0x38;
	[tilespmem:$0x9100] =	vst v63  }
0x170: {  	s30 =	sadd.s32 $0x50, s0;
	s31 =	simm.s32 $0x53E8  }
0x171: {  	[hbm4b:s30+s3] =	stream.linear.scatter [tilespmem:s31], [sflag:$0x3], $0x80, $0x38;
	[tilespmem:$0x9100] =	vst v63  }
0x172: {  	s30 =	sadd.s32 $0x60, s0;
	s31 =	simm.s32 $0x5470  }
0x173: {  	[hbm4b:s30+s3] =	stream.linear.scatter [tilespmem:s31], [sflag:$0x3], $0x80, $0x38;
	[tilespmem:$0x9100] =	vst v63  }
0x174: {  	s0 =	sadd.s32 $0x70, s0;
	s31 =	simm.s32 $0x54F8  }
0x175: {  	[hbm4b:s0+s3] =	stream.linear.scatter [tilespmem:s31], [sflag:$0x3], $0x80, $0x38;
	[tilespmem:$0x9100] =	vst v63  }
0x176: {  	s0 =	sadd.s32 s1, s8;
	s31 =	simm.s32 $0x5580  }
0x177: {  	[hbm4b:s0+s3] =	stream.linear.scatter [tilespmem:s31], [sflag:$0x3], $0x80, $0x38;
	[tilespmem:$0x9100] =	vst v63  }
0x178: {  	s30 =	sadd.s32 $0x10, s0;
	s31 =	simm.s32 $0x5608  }
0x179: {  	[hbm4b:s30+s3] =	stream.linear.scatter [tilespmem:s31], [sflag:$0x3], $0x80, $0x38;
	[tilespmem:$0x9100] =	vst v63  }
0x17a: {  	s30 =	sadd.s32 $0x20, s0;
	s31 =	simm.s32 $0x5690  }
0x17b: {  	[hbm4b:s30+s3] =	stream.linear.scatter [tilespmem:s31], [sflag:$0x3], $0x80, $0x38;
	[tilespmem:$0x9100] =	vst v63  }
0x17c: {  	s30 =	sadd.s32 $0x30, s0;
	s31 =	simm.s32 $0x5718  }
0x17d: {  	[hbm4b:s30+s3] =	stream.linear.scatter [tilespmem:s31], [sflag:$0x3], $0x80, $0x38;
	[tilespmem:$0x9100] =	vst v63  }
0x17e: {  	s30 =	sadd.s32 $0x40, s0;
	s31 =	simm.s32 $0x57A0  }
0x17f: {  	[hbm4b:s30+s3] =	stream.linear.scatter [tilespmem:s31], [sflag:$0x3], $0x80, $0x38;
	[tilespmem:$0x9100] =	vst v63  }
0x180: {  	s30 =	sadd.s32 $0x50, s0;
	s31 =	simm.s32 $0x5828  }
0x181: {  	[hbm4b:s30+s3] =	stream.linear.scatter [tilespmem:s31], [sflag:$0x3], $0x80, $0x38;
	[tilespmem:$0x9100] =	vst v63  }
0x182: {  	s30 =	sadd.s32 $0x60, s0;
	s31 =	simm.s32 $0x58B0  }
0x183: {  	[hbm4b:s30+s3] =	stream.linear.scatter [tilespmem:s31], [sflag:$0x3], $0x80, $0x38;
	[tilespmem:$0x9100] =	vst v63  }
0x184: {  	s0 =	sadd.s32 $0x70, s0;
	s31 =	simm.s32 $0x5938  }
0x185: {  	[hbm4b:s0+s3] =	stream.linear.scatter [tilespmem:s31], [sflag:$0x3], $0x80, $0x38;
	[tilespmem:$0x9100] =	vst v63  }
0x186: {  	s0 =	sadd.s32 s1, s9;
	s31 =	simm.s32 $0x59C0  }
0x187: {  	[hbm4b:s0+s3] =	stream.linear.scatter [tilespmem:s31], [sflag:$0x3], $0x80, $0x38;
	[tilespmem:$0x9100] =	vst v63  }
0x188: {  	s30 =	sadd.s32 $0x10, s0;
	s31 =	simm.s32 $0x5A48  }
0x189: {  	[hbm4b:s30+s3] =	stream.linear.scatter [tilespmem:s31], [sflag:$0x3], $0x80, $0x38;
	[tilespmem:$0x9100] =	vst v63  }
0x18a: {  	s30 =	sadd.s32 $0x20, s0;
	s31 =	simm.s32 $0x5AD0  }
0x18b: {  	[hbm4b:s30+s3] =	stream.linear.scatter [tilespmem:s31], [sflag:$0x3], $0x80, $0x38;
	[tilespmem:$0x9100] =	vst v63  }
0x18c: {  	s30 =	sadd.s32 $0x30, s0;
	s31 =	simm.s32 $0x5B58  }
0x18d: {  	[hbm4b:s30+s3] =	stream.linear.scatter [tilespmem:s31], [sflag:$0x3], $0x80, $0x38;
	[tilespmem:$0x9100] =	vst v63  }
0x18e: {  	s30 =	sadd.s32 $0x40, s0;
	s31 =	simm.s32 $0x5BE0  }
0x18f: {  	[hbm4b:s30+s3] =	stream.linear.scatter [tilespmem:s31], [sflag:$0x3], $0x80, $0x38;
	[tilespmem:$0x9100] =	vst v63  }
0x190: {  	s30 =	sadd.s32 $0x50, s0;
	s31 =	simm.s32 $0x5C68  }
0x191: {  	[hbm4b:s30+s3] =	stream.linear.scatter [tilespmem:s31], [sflag:$0x3], $0x80, $0x38;
	[tilespmem:$0x9100] =	vst v63  }
0x192: {  	s30 =	sadd.s32 $0x60, s0;
	s31 =	simm.s32 $0x5CF0  }
0x193: {  	[hbm4b:s30+s3] =	stream.linear.scatter [tilespmem:s31], [sflag:$0x3], $0x80, $0x38;
	[tilespmem:$0x9100] =	vst v63  }
0x194: {  	s0 =	sadd.s32 $0x70, s0;
	s31 =	simm.s32 $0x5D78  }
0x195: {  	[hbm4b:s0+s3] =	stream.linear.scatter [tilespmem:s31], [sflag:$0x3], $0x80, $0x38;
	[tilespmem:$0x9100] =	vst v63  }
0x196: {  	s0 =	sadd.s32 s1, s10;
	s31 =	simm.s32 $0x5E00  }
0x197: {  	[hbm4b:s0+s3] =	stream.linear.scatter [tilespmem:s31], [sflag:$0x3], $0x80, $0x38;
	[tilespmem:$0x9100] =	vst v63  }
0x198: {  	s30 =	sadd.s32 $0x10, s0;
	s31 =	simm.s32 $0x5E88  }
0x199: {  	[hbm4b:s30+s3] =	stream.linear.scatter [tilespmem:s31], [sflag:$0x3], $0x80, $0x38;
	[tilespmem:$0x9100] =	vst v63  }
0x19a: {  	s30 =	sadd.s32 $0x20, s0;
	s31 =	simm.s32 $0x5F10  }
0x19b: {  	[hbm4b:s30+s3] =	stream.linear.scatter [tilespmem:s31], [sflag:$0x3], $0x80, $0x38;
	[tilespmem:$0x9100] =	vst v63  }
0x19c: {  	s30 =	sadd.s32 $0x30, s0;
	s31 =	simm.s32 $0x5F98  }
0x19d: {  	[hbm4b:s30+s3] =	stream.linear.scatter [tilespmem:s31], [sflag:$0x3], $0x80, $0x38;
	[tilespmem:$0x9100] =	vst v63  }
0x19e: {  	s30 =	sadd.s32 $0x40, s0;
	s31 =	simm.s32 $0x6020  }
0x19f: {  	[hbm4b:s30+s3] =	stream.linear.scatter [tilespmem:s31], [sflag:$0x3], $0x80, $0x38;
	[tilespmem:$0x9100] =	vst v63  }
0x1a0: {  	s30 =	sadd.s32 $0x50, s0;
	s31 =	simm.s32 $0x60A8  }
0x1a1: {  	[hbm4b:s30+s3] =	stream.linear.scatter [tilespmem:s31], [sflag:$0x3], $0x80, $0x38;
	[tilespmem:$0x9100] =	vst v63  }
0x1a2: {  	s30 =	sadd.s32 $0x60, s0;
	s31 =	simm.s32 $0x6130  }
0x1a3: {  	[hbm4b:s30+s3] =	stream.linear.scatter [tilespmem:s31], [sflag:$0x3], $0x80, $0x38;
	[tilespmem:$0x9100] =	vst v63  }
0x1a4: {  	s0 =	sadd.s32 $0x70, s0;
	s31 =	simm.s32 $0x61B8  }
0x1a5: {  	[hbm4b:s0+s3] =	stream.linear.scatter [tilespmem:s31], [sflag:$0x3], $0x80, $0x38;
	[tilespmem:$0x9100] =	vst v63  }
0x1a6: {  	s0 =	sadd.s32 s1, s11;
	s31 =	simm.s32 $0x6240  }
0x1a7: {  	[hbm4b:s0+s3] =	stream.linear.scatter [tilespmem:s31], [sflag:$0x3], $0x80, $0x38;
	[tilespmem:$0x9100] =	vst v63  }
0x1a8: {  	s30 =	sadd.s32 $0x10, s0;
	s31 =	simm.s32 $0x62C8  }
0x1a9: {  	[hbm4b:s30+s3] =	stream.linear.scatter [tilespmem:s31], [sflag:$0x3], $0x80, $0x38;
	[tilespmem:$0x9100] =	vst v63  }
0x1aa: {  	s30 =	sadd.s32 $0x20, s0;
	s31 =	simm.s32 $0x6350  }
0x1ab: {  	[hbm4b:s30+s3] =	stream.linear.scatter [tilespmem:s31], [sflag:$0x3], $0x80, $0x38;
	[tilespmem:$0x9100] =	vst v63  }
0x1ac: {  	s30 =	sadd.s32 $0x30, s0;
	s31 =	simm.s32 $0x63D8  }
0x1ad: {  	[hbm4b:s30+s3] =	stream.linear.scatter [tilespmem:s31], [sflag:$0x3], $0x80, $0x38;
	[tilespmem:$0x9100] =	vst v63  }
0x1ae: {  	s30 =	sadd.s32 $0x40, s0;
	s31 =	simm.s32 $0x6460  }
0x1af: {  	[hbm4b:s30+s3] =	stream.linear.scatter [tilespmem:s31], [sflag:$0x3], $0x80, $0x38;
	[tilespmem:$0x9100] =	vst v63  }
0x1b0: {  	s30 =	sadd.s32 $0x50, s0;
	s31 =	simm.s32 $0x64E8  }
0x1b1: {  	[hbm4b:s30+s3] =	stream.linear.scatter [tilespmem:s31], [sflag:$0x3], $0x80, $0x38;
	[tilespmem:$0x9100] =	vst v63  }
0x1b2: {  	s30 =	sadd.s32 $0x60, s0;
	s31 =	simm.s32 $0x6570  }
0x1b3: {  	[hbm4b:s30+s3] =	stream.linear.scatter [tilespmem:s31], [sflag:$0x3], $0x80, $0x38;
	[tilespmem:$0x9100] =	vst v63  }
0x1b4: {  	s0 =	sadd.s32 $0x70, s0;
	s31 =	simm.s32 $0x65F8  }
0x1b5: {  	[hbm4b:s0+s3] =	stream.linear.scatter [tilespmem:s31], [sflag:$0x3], $0x80, $0x38;
	[tilespmem:$0x9100] =	vst v63  }
0x1b6: {  	s0 =	sadd.s32 s1, s12;
	s31 =	simm.s32 $0x6680  }
0x1b7: {  	[hbm4b:s0+s3] =	stream.linear.scatter [tilespmem:s31], [sflag:$0x3], $0x80, $0x38;
	[tilespmem:$0x9100] =	vst v63  }
0x1b8: {  	s30 =	sadd.s32 $0x10, s0;
	s31 =	simm.s32 $0x6708  }
0x1b9: {  	[hbm4b:s30+s3] =	stream.linear.scatter [tilespmem:s31], [sflag:$0x3], $0x80, $0x38;
	[tilespmem:$0x9100] =	vst v63  }
0x1ba: {  	s30 =	sadd.s32 $0x20, s0;
	s31 =	simm.s32 $0x6790  }
0x1bb: {  	[hbm4b:s30+s3] =	stream.linear.scatter [tilespmem:s31], [sflag:$0x3], $0x80, $0x38;
	[tilespmem:$0x9100] =	vst v63  }
0x1bc: {  	s30 =	sadd.s32 $0x30, s0;
	s31 =	simm.s32 $0x6818  }
0x1bd: {  	[hbm4b:s30+s3] =	stream.linear.scatter [tilespmem:s31], [sflag:$0x3], $0x80, $0x38;
	[tilespmem:$0x9100] =	vst v63  }
0x1be: {  	s30 =	sadd.s32 $0x40, s0;
	s31 =	simm.s32 $0x68A0  }
0x1bf: {  	[hbm4b:s30+s3] =	stream.linear.scatter [tilespmem:s31], [sflag:$0x3], $0x80, $0x38;
	[tilespmem:$0x9100] =	vst v63  }
0x1c0: {  	s30 =	sadd.s32 $0x50, s0;
	s31 =	simm.s32 $0x6928  }
0x1c1: {  	[hbm4b:s30+s3] =	stream.linear.scatter [tilespmem:s31], [sflag:$0x3], $0x80, $0x38;
	[tilespmem:$0x9100] =	vst v63  }
0x1c2: {  	s30 =	sadd.s32 $0x60, s0;
	s31 =	simm.s32 $0x69B0  }
0x1c3: {  	[hbm4b:s30+s3] =	stream.linear.scatter [tilespmem:s31], [sflag:$0x3], $0x80, $0x38;
	[tilespmem:$0x9100] =	vst v63  }
0x1c4: {  	s0 =	sadd.s32 $0x70, s0;
	s31 =	simm.s32 $0x6A38  }
0x1c5: {  	[hbm4b:s0+s3] =	stream.linear.scatter [tilespmem:s31], [sflag:$0x3], $0x80, $0x38;
	[tilespmem:$0x9100] =	vst v63  }
0x1c6: {  	s30 =	simm.s32 $0x6AC0;
	s0 =	sadd.s32 s1, s13  }
0x1c7: {  	[hbm4b:s0+s3] =	stream.linear.scatter [tilespmem:s30], [sflag:$0x3], $0x80, $0x38;
	[tilespmem:$0x9100] =	vst v63  }
0x1c8: {  	s31 =	simm.s32 $0x6B48;
	s1 =	sadd.s32 $0x10, s0  }
0x1c9: {  	[hbm4b:s1+s3] =	stream.linear.scatter [tilespmem:s31], [sflag:$0x3], $0x80, $0x38;
	[tilespmem:$0x9100] =	vst v63  }
0x1ca: {  	s1 =	sadd.s32 $0x20, s0;
	s31 =	simm.s32 $0x6BD0  }
0x1cb: {  	[hbm4b:s1+s3] =	stream.linear.scatter [tilespmem:s31], [sflag:$0x3], $0x80, $0x38;
	[tilespmem:$0x9100] =	vst v63  }
0x1cc: {  	s1 =	sadd.s32 $0x30, s0;
	s31 =	simm.s32 $0x6C58  }
0x1cd: {  	[hbm4b:s1+s3] =	stream.linear.scatter [tilespmem:s31], [sflag:$0x3], $0x80, $0x38;
	[tilespmem:$0x9100] =	vst v63  }
0x1ce: {  	s1 =	sadd.s32 $0x40, s0;
	s31 =	simm.s32 $0x6CE0  }
0x1cf: {  	[hbm4b:s1+s3] =	stream.linear.scatter [tilespmem:s31], [sflag:$0x3], $0x80, $0x38;
	[tilespmem:$0x9100] =	vst v63  }
0x1d0: {  	p1 =	sne.s32 s28, $0xC;
	s1 =	sadd.s32 $0x50, s0;
	s31 =	simm.s32 $0x6D68  }
0x1d1: {  	[hbm4b:s1+s3] =	stream.linear.scatter [tilespmem:s31], [sflag:$0x3], $0x80, $0x38;
	[tilespmem:$0x9100] =	vst v63  }
.Ltmp1:
0x1d2: {  	_ = 	snop;
	(pc) =	sbr.rel @p1 .LBB2_6-.Ltmp1, $4  }
0x1d3: {  	s1 =	sadd.s32 $0x60, s0;
	s31 =	simm.s32 $0x6DF0  }
0x1d4: {  	[hbm4b:s1+s3] =	stream.linear.scatter [tilespmem:s31], [sflag:$0x3], $0x80, $0x38;
	[tilespmem:$0x9100] =	vst v63  }
0x1d5: {  	s0 =	sadd.s32 $0x70, s0;
	s31 =	simm.s32 $0x6E78  }
0x1d6: {  	[hbm4b:s0+s3] =	stream.linear.scatter [tilespmem:s31], [sflag:$0x3], $0x80, $0x38;
	[tilespmem:$0x9100] =	vst v63  }
.Ltmp2:
0x1d7: {  	(pc) =	sbr.rel .LBB2_7-.Ltmp2, $4  }
0x1d8: {  	_ = 	snop  }
0x1d9: {  	_ =	swait.ge [sflag:s5], $0x2000  }
0x1da: {  	[sflag:s5] =	ssyncset.done $0x0  }
0x1db: {  	[sflag:s5] =	ssyncadd.s32 $0xFFFFE000  }
.LBB2_6:
0x1dc: {  	s0 =	sshll.u32 s28, $0x8  }
0x1dd: {  	s0 =	sand.u32 $0x3FFFFF00, s0  }
.Ltmp3:
0x1de: {  	s1 =	simm.s32 $0xD00;
	s0 =	sadd.s32 $0x100, s0;
	(pc) =	sbr.rel @p0 .LBB2_8-.Ltmp3, $4  }
0x1df: {  	[tilespmem:s1], [sflag:$0x1] =	stream.indirect.gather [hbm4b:s4+s15], $0x40, s0, s15, $0xb8;
	[tilespmem:$0x9100] =	vst v63  }
0x1e0: {  	_ =	swait.ge [sflag:s5], $0x2000  }
0x1e1: {  	[sflag:s5] =	ssyncset.done $0x0  }
0x1e2: {  	[sflag:s5] =	ssyncadd.s32 $0xFFFFE000  }
.LBB2_7:
0x1e3: {  	_ =	swait.ge [sflag:s14], $0x400  }
0x1e4: {  	[sflag:s14] =	ssyncset.done $0x0  }
0x1e5: {  	[sflag:s14] =	ssyncadd.s32 $0xFFFFFC00  }
0x1e6: {  	_ =	swait.ge [sflag:s14], $0x400  }
0x1e7: {  	[sflag:s14] =	ssyncset.done $0x0  }
0x1e8: {  	[sflag:s14] =	ssyncadd.s32 $0xFFFFFC00  }
0x1e9: {  	_ =	swait.ge [sflag:s14], $0x400  }
0x1ea: {  	[sflag:s14] =	ssyncset.done $0x0  }
0x1eb: {  	[sflag:s14] =	ssyncadd.s32 $0xFFFFFC00  }
0x1ec: {  	_ =	swait.ge [sflag:s14], $0x400  }
0x1ed: {  	[sflag:s14] =	ssyncset.done $0x0  }
0x1ee: {  	[sflag:s14] =	ssyncadd.s32 $0xFFFFFC00  }
0x1ef: {  	_ =	swait.ge [sflag:s14], $0x400  }
0x1f0: {  	[sflag:s14] =	ssyncset.done $0x0  }
0x1f1: {  	[sflag:s14] =	ssyncadd.s32 $0xFFFFFC00  }
0x1f2: {  	_ =	swait.ge [sflag:s14], $0x400  }
0x1f3: {  	[sflag:s14] =	ssyncset.done $0x0  }
0x1f4: {  	[sflag:s14] =	ssyncadd.s32 $0xFFFFFC00  }
0x1f5: {  	_ =	swait.ge [sflag:s14], $0x400  }
0x1f6: {  	[sflag:s14] =	ssyncset.done $0x0  }
0x1f7: {  	[sflag:s14] =	ssyncadd.s32 $0xFFFFFC00  }
0x1f8: {  	_ =	swait.ge [sflag:s14], $0x400  }
0x1f9: {  	[sflag:s14] =	ssyncset.done $0x0  }
0x1fa: {  	[sflag:s14] =	ssyncadd.s32 $0xFFFFFC00  }
.LBB2_8:
0x1fb: {  	s0 =	simm.s32 $0x0  }
0x1fc: {  	v33 =	vmov s0  }
0x1fd: {  	v33 =	vshrl.u32 v33, $0x3  }
0x1fe: {  	v33 =	vshll.u32 v33, v1  }
0x1ff: {  	v33 =	vbroadcast v33, $0x0  }
0x200: {  	s30 =	simm.s32 $0x2EF0  }
0x201: {  	v34 =	vld [tilespmem:s30+$0xFFFFFE10];
	v35 =	vadd.s32 v0, v33;
	_ =	sdelay $0x4  }
0x202: {  	[tilespmem:v35+s17+$0x0] =	vst.idx.msk $0xffff, v34  }
0x203: {  	v56 =	vadd.s32 v2, v33;
	v34 =	vld [tilespmem:s30+$0xFFFFFE20];
	_ =	sdelay $0x4  }
0x204: {  	[tilespmem:v56+s17+$0x0] =	vst.idx.msk $0xffff, v34  }
0x205: {  	v57 =	vadd.s32 v3, v33;
	v34 =	vld [tilespmem:s30+$0xFFFFFE30];
	_ =	sdelay $0x4  }
0x206: {  	[tilespmem:v57+s17+$0x0] =	vst.idx.msk $0xffff, v34  }
0x207: {  	s1 =	simm.s32 $0x1;
	v33 =	vadd.s32 v4, v33;
	v34 =	vld [tilespmem:s30+$0xFFFFFE40]  }
0x208: {  	v58 =	vmov s1  }
0x209: {  	v35 =	vshrl.u32 v58, $0x3  }
0x20a: {  	v35 =	vshll.u32 v35, v1  }
0x20b: {  	v35 =	vbroadcast v35, $0x0  }
0x20c: {  	[tilespmem:v33+s17+$0x0] =	vst.idx.msk $0xffff, v34  }
0x20d: {  	v59 =	vadd.s32 v5, v35;
	v33 =	vld [tilespmem:s30+$0xFFFFFE50];
	_ =	sdelay $0x4  }
0x20e: {  	[tilespmem:v59+s17+$0x0] =	vst.idx.msk $0xffff, v33  }
0x20f: {  	v60 =	vadd.s32 v6, v35;
	v33 =	vld [tilespmem:s30+$0xFFFFFE60];
	_ =	sdelay $0x4  }
0x210: {  	[tilespmem:v60+s17+$0x0] =	vst.idx.msk $0xffff, v33  }
0x211: {  	v61 =	vadd.s32 v7, v35;
	v33 =	vld [tilespmem:s30+$0xFFFFFE70];
	_ =	sdelay $0x4  }
0x212: {  	[tilespmem:v61+s17+$0x0] =	vst.idx.msk $0xffff, v33  }
0x213: {  	s1 =	simm.s32 $0x2;
	v62 =	vadd.s32 v8, v35;
	v33 =	vld [tilespmem:s30+$0xFFFFFE80]  }
0x214: {  	v63 =	vmov s1  }
0x215: {  	v35 =	vshrl.u32 v63, $0x3  }
0x216: {  	v35 =	vshll.u32 v35, v1  }
0x217: {  	v35 =	vbroadcast v35, $0x0  }
0x218: {  	[tilespmem:v62+s17+$0x0] =	vst.idx.msk $0xffff, v33  }
0x219: {  	v36 =	vadd.s32 v9, v35;
	v33 =	vld [tilespmem:s30+$0xFFFFFE90];
	_ =	sdelay $0x4  }
0x21a: {  	[tilespmem:v36+s17+$0x0] =	vst.idx.msk $0xffff, v33  }
0x21b: {  	v37 =	vadd.s32 v10, v35;
	v33 =	vld [tilespmem:s30+$0xFFFFFEA0];
	_ =	sdelay $0x4  }
0x21c: {  	[tilespmem:v37+s17+$0x0] =	vst.idx.msk $0xffff, v33  }
0x21d: {  	v38 =	vadd.s32 v11, v35;
	v33 =	vld [tilespmem:s30+$0xFFFFFEB0];
	_ =	sdelay $0x4  }
0x21e: {  	[tilespmem:v38+s17+$0x0] =	vst.idx.msk $0xffff, v33  }
0x21f: {  	s1 =	simm.s32 $0x3;
	v39 =	vadd.s32 v12, v35;
	v33 =	vld [tilespmem:s30+$0xFFFFFEC0]  }
0x220: {  	v40 =	vmov s1  }
0x221: {  	v35 =	vshrl.u32 v40, $0x3  }
0x222: {  	v35 =	vshll.u32 v35, v1  }
0x223: {  	v35 =	vbroadcast v35, $0x0  }
0x224: {  	[tilespmem:v39+s17+$0x0] =	vst.idx.msk $0xffff, v33  }
0x225: {  	v41 =	vadd.s32 v13, v35;
	v33 =	vld [tilespmem:s30+$0xFFFFFED0];
	_ =	sdelay $0x4  }
0x226: {  	[tilespmem:v41+s17+$0x0] =	vst.idx.msk $0xffff, v33  }
0x227: {  	v42 =	vadd.s32 v14, v35;
	v33 =	vld [tilespmem:s30+$0xFFFFFEE0];
	_ =	sdelay $0x4  }
0x228: {  	[tilespmem:v42+s17+$0x0] =	vst.idx.msk $0xffff, v33  }
0x229: {  	v43 =	vadd.s32 v15, v35;
	v33 =	vld [tilespmem:s30+$0xFFFFFEF0];
	_ =	sdelay $0x4  }
0x22a: {  	[tilespmem:v43+s17+$0x0] =	vst.idx.msk $0xffff, v33  }
0x22b: {  	s1 =	simm.s32 $0x4;
	v44 =	vadd.s32 v16, v35;
	v33 =	vld [tilespmem:s30+$0xFFFFFF00]  }
0x22c: {  	v45 =	vmov s1  }
0x22d: {  	v35 =	vshrl.u32 v45, $0x3  }
0x22e: {  	v35 =	vshll.u32 v35, v1  }
0x22f: {  	v35 =	vbroadcast v35, $0x0  }
0x230: {  	[tilespmem:v44+s17+$0x0] =	vst.idx.msk $0xffff, v33  }
0x231: {  	v46 =	vadd.s32 v17, v35;
	v33 =	vld [tilespmem:s30+$0xFFFFFF10];
	_ =	sdelay $0x4  }
0x232: {  	[tilespmem:v46+s17+$0x0] =	vst.idx.msk $0xffff, v33  }
0x233: {  	v47 =	vadd.s32 v18, v35;
	v33 =	vld [tilespmem:s30+$0xFFFFFF20];
	_ =	sdelay $0x4  }
0x234: {  	[tilespmem:v47+s17+$0x0] =	vst.idx.msk $0xffff, v33  }
0x235: {  	v48 =	vadd.s32 v19, v35;
	v33 =	vld [tilespmem:s30+$0xFFFFFF30];
	_ =	sdelay $0x4  }
0x236: {  	[tilespmem:v48+s17+$0x0] =	vst.idx.msk $0xffff, v33  }
0x237: {  	s1 =	simm.s32 $0x5;
	v49 =	vadd.s32 v20, v35;
	v33 =	vld [tilespmem:s30+$0xFFFFFF40]  }
0x238: {  	v50 =	vmov s1  }
0x239: {  	v35 =	vshrl.u32 v50, $0x3  }
0x23a: {  	v35 =	vshll.u32 v35, v1  }
0x23b: {  	v35 =	vbroadcast v35, $0x0  }
0x23c: {  	[tilespmem:v49+s17+$0x0] =	vst.idx.msk $0xffff, v33  }
0x23d: {  	v51 =	vadd.s32 v21, v35;
	v33 =	vld [tilespmem:s30+$0xFFFFFF50];
	_ =	sdelay $0x4  }
0x23e: {  	[tilespmem:v51+s17+$0x0] =	vst.idx.msk $0xffff, v33  }
0x23f: {  	v52 =	vadd.s32 v22, v35;
	v33 =	vld [tilespmem:s30+$0xFFFFFF60];
	_ =	sdelay $0x4  }
0x240: {  	[tilespmem:v52+s17+$0x0] =	vst.idx.msk $0xffff, v33  }
0x241: {  	v53 =	vadd.s32 v23, v35;
	v33 =	vld [tilespmem:s30+$0xFFFFFF70];
	_ =	sdelay $0x4  }
0x242: {  	[tilespmem:v53+s17+$0x0] =	vst.idx.msk $0xffff, v33  }
0x243: {  	s1 =	simm.s32 $0x6;
	v54 =	vadd.s32 v24, v35;
	v33 =	vld [tilespmem:s30+$0xFFFFFF80]  }
0x244: {  	v55 =	vmov s1  }
0x245: {  	v35 =	vshrl.u32 v55, $0x3  }
0x246: {  	v35 =	vshll.u32 v35, v1  }
0x247: {  	v35 =	vbroadcast v35, $0x0  }
0x248: {  	[tilespmem:v54+s17+$0x0] =	vst.idx.msk $0xffff, v33  }
0x249: {  	v56 =	vadd.s32 v25, v35;
	v33 =	vld [tilespmem:s30+$0xFFFFFF90];
	_ =	sdelay $0x4  }
0x24a: {  	[tilespmem:v56+s17+$0x0] =	vst.idx.msk $0xffff, v33  }
0x24b: {  	v57 =	vadd.s32 v26, v35;
	v33 =	vld [tilespmem:s30+$0xFFFFFFA0];
	_ =	sdelay $0x4  }
0x24c: {  	[tilespmem:v57+s17+$0x0] =	vst.idx.msk $0xffff, v33  }
0x24d: {  	v58 =	vadd.s32 v27, v35;
	v33 =	vld [tilespmem:s30+$0xFFFFFFB0];
	_ =	sdelay $0x4  }
0x24e: {  	[tilespmem:v58+s17+$0x0] =	vst.idx.msk $0xffff, v33  }
0x24f: {  	s1 =	simm.s32 $0x7;
	v59 =	vadd.s32 v28, v35;
	v33 =	vld [tilespmem:s30+$0xFFFFFFC0]  }
0x250: {  	v60 =	vmov s1  }
0x251: {  	v35 =	vshrl.u32 v60, $0x3  }
0x252: {  	v35 =	vshll.u32 v35, v1  }
0x253: {  	v35 =	vbroadcast v35, $0x0  }
0x254: {  	[tilespmem:v59+s17+$0x0] =	vst.idx.msk $0xffff, v33  }
0x255: {  	v61 =	vadd.s32 v29, v35;
	v33 =	vld [tilespmem:s30+$0xFFFFFFD0];
	_ =	sdelay $0x4  }
0x256: {  	[tilespmem:v61+s17+$0x0] =	vst.idx.msk $0xffff, v33  }
0x257: {  	v62 =	vadd.s32 v30, v35;
	v33 =	vld [tilespmem:s30+$0xFFFFFFE0];
	_ =	sdelay $0x4  }
0x258: {  	[tilespmem:v62+s17+$0x0] =	vst.idx.msk $0xffff, v33  }
0x259: {  	v63 =	vadd.s32 v31, v35;
	v33 =	vld [tilespmem:s30+$0xFFFFFFF0];
	_ =	sdelay $0x4  }
0x25a: {  	[tilespmem:v63+s17+$0x0] =	vst.idx.msk $0xffff, v33  }
0x25b: {  	s31 =	simm.s32 $0xF;
	s0 =	simm.s32 $0x8;
	s1 =	simm.s32 $0x17;
	v34 =	vadd.s32 v32, v35;
	v33 =	vld [tilespmem:s30+$0x0]  }
.LBB2_9:
0x25c: {  	p0 =	sne.s32 s1, $0x7F;
	v35 =	vmov s0  }
0x25d: {  	v35 =	vshrl.u32 v35, $0x3  }
0x25e: {  	v35 =	vshll.u32 v35, v1  }
0x25f: {  	v35 =	vbroadcast v35, $0x0  }
0x260: {  	s30 =	sadd.s32 $0x200, s30;
	[tilespmem:v34+s17+$0x0] =	vst.idx.msk $0xffff, v33  }
0x261: {  	v33 =	vld [tilespmem:s30+$0xFFFFFE10];
	v34 =	vadd.s32 v0, v35;
	_ =	sdelay $0x4  }
0x262: {  	[tilespmem:v34+s17+$0x0] =	vst.idx.msk $0xffff, v33  }
0x263: {  	v34 =	vadd.s32 v2, v35;
	v33 =	vld [tilespmem:s30+$0xFFFFFE20];
	_ =	sdelay $0x4  }
0x264: {  	[tilespmem:v34+s17+$0x0] =	vst.idx.msk $0xffff, v33  }
0x265: {  	v34 =	vadd.s32 v3, v35;
	v33 =	vld [tilespmem:s30+$0xFFFFFE30];
	_ =	sdelay $0x4  }
0x266: {  	[tilespmem:v34+s17+$0x0] =	vst.idx.msk $0xffff, v33  }
0x267: {  	s0 =	sadd.s32 $0xFFFFFFFA, s31;
	v34 =	vadd.s32 v4, v35;
	v33 =	vld [tilespmem:s30+$0xFFFFFE40]  }
0x268: {  	v35 =	vmov s0  }
0x269: {  	v35 =	vshrl.u32 v35, $0x3  }
0x26a: {  	v35 =	vshll.u32 v35, v1  }
0x26b: {  	v35 =	vbroadcast v35, $0x0  }
0x26c: {  	[tilespmem:v34+s17+$0x0] =	vst.idx.msk $0xffff, v33  }
0x26d: {  	v34 =	vadd.s32 v5, v35;
	v33 =	vld [tilespmem:s30+$0xFFFFFE50];
	_ =	sdelay $0x4  }
0x26e: {  	[tilespmem:v34+s17+$0x0] =	vst.idx.msk $0xffff, v33  }
0x26f: {  	v34 =	vadd.s32 v6, v35;
	v33 =	vld [tilespmem:s30+$0xFFFFFE60];
	_ =	sdelay $0x4  }
0x270: {  	[tilespmem:v34+s17+$0x0] =	vst.idx.msk $0xffff, v33  }
0x271: {  	v34 =	vadd.s32 v7, v35;
	v33 =	vld [tilespmem:s30+$0xFFFFFE70];
	_ =	sdelay $0x4  }
0x272: {  	[tilespmem:v34+s17+$0x0] =	vst.idx.msk $0xffff, v33  }
0x273: {  	s0 =	sadd.s32 $0xFFFFFFFB, s31;
	v34 =	vadd.s32 v8, v35;
	v33 =	vld [tilespmem:s30+$0xFFFFFE80]  }
0x274: {  	v35 =	vmov s0  }
0x275: {  	v35 =	vshrl.u32 v35, $0x3  }
0x276: {  	v35 =	vshll.u32 v35, v1  }
0x277: {  	v35 =	vbroadcast v35, $0x0  }
0x278: {  	[tilespmem:v34+s17+$0x0] =	vst.idx.msk $0xffff, v33  }
0x279: {  	v34 =	vadd.s32 v9, v35;
	v33 =	vld [tilespmem:s30+$0xFFFFFE90];
	_ =	sdelay $0x4  }
0x27a: {  	[tilespmem:v34+s17+$0x0] =	vst.idx.msk $0xffff, v33  }
0x27b: {  	v34 =	vadd.s32 v10, v35;
	v33 =	vld [tilespmem:s30+$0xFFFFFEA0];
	_ =	sdelay $0x4  }
0x27c: {  	[tilespmem:v34+s17+$0x0] =	vst.idx.msk $0xffff, v33  }
0x27d: {  	v34 =	vadd.s32 v11, v35;
	v33 =	vld [tilespmem:s30+$0xFFFFFEB0];
	_ =	sdelay $0x4  }
0x27e: {  	[tilespmem:v34+s17+$0x0] =	vst.idx.msk $0xffff, v33  }
0x27f: {  	s0 =	sadd.s32 $0xFFFFFFFC, s31;
	v34 =	vadd.s32 v12, v35;
	v33 =	vld [tilespmem:s30+$0xFFFFFEC0]  }
0x280: {  	v35 =	vmov s0  }
0x281: {  	v35 =	vshrl.u32 v35, $0x3  }
0x282: {  	v35 =	vshll.u32 v35, v1  }
0x283: {  	v35 =	vbroadcast v35, $0x0  }
0x284: {  	[tilespmem:v34+s17+$0x0] =	vst.idx.msk $0xffff, v33  }
0x285: {  	v34 =	vadd.s32 v13, v35;
	v33 =	vld [tilespmem:s30+$0xFFFFFED0];
	_ =	sdelay $0x4  }
0x286: {  	[tilespmem:v34+s17+$0x0] =	vst.idx.msk $0xffff, v33  }
0x287: {  	v34 =	vadd.s32 v14, v35;
	v33 =	vld [tilespmem:s30+$0xFFFFFEE0];
	_ =	sdelay $0x4  }
0x288: {  	[tilespmem:v34+s17+$0x0] =	vst.idx.msk $0xffff, v33  }
0x289: {  	v34 =	vadd.s32 v15, v35;
	v33 =	vld [tilespmem:s30+$0xFFFFFEF0];
	_ =	sdelay $0x4  }
0x28a: {  	[tilespmem:v34+s17+$0x0] =	vst.idx.msk $0xffff, v33  }
0x28b: {  	s0 =	sadd.s32 $0xFFFFFFFD, s31;
	v34 =	vadd.s32 v16, v35;
	v33 =	vld [tilespmem:s30+$0xFFFFFF00]  }
0x28c: {  	v35 =	vmov s0  }
0x28d: {  	v35 =	vshrl.u32 v35, $0x3  }
0x28e: {  	v35 =	vshll.u32 v35, v1  }
0x28f: {  	v35 =	vbroadcast v35, $0x0  }
0x290: {  	[tilespmem:v34+s17+$0x0] =	vst.idx.msk $0xffff, v33  }
0x291: {  	v34 =	vadd.s32 v17, v35;
	v33 =	vld [tilespmem:s30+$0xFFFFFF10];
	_ =	sdelay $0x4  }
0x292: {  	[tilespmem:v34+s17+$0x0] =	vst.idx.msk $0xffff, v33  }
0x293: {  	v34 =	vadd.s32 v18, v35;
	v33 =	vld [tilespmem:s30+$0xFFFFFF20];
	_ =	sdelay $0x4  }
0x294: {  	[tilespmem:v34+s17+$0x0] =	vst.idx.msk $0xffff, v33  }
0x295: {  	v34 =	vadd.s32 v19, v35;
	v33 =	vld [tilespmem:s30+$0xFFFFFF30];
	_ =	sdelay $0x4  }
0x296: {  	[tilespmem:v34+s17+$0x0] =	vst.idx.msk $0xffff, v33  }
0x297: {  	s0 =	sadd.s32 $0xFFFFFFFE, s31;
	v34 =	vadd.s32 v20, v35;
	v33 =	vld [tilespmem:s30+$0xFFFFFF40]  }
0x298: {  	v35 =	vmov s0  }
0x299: {  	v35 =	vshrl.u32 v35, $0x3  }
0x29a: {  	v35 =	vshll.u32 v35, v1  }
0x29b: {  	v35 =	vbroadcast v35, $0x0  }
0x29c: {  	[tilespmem:v34+s17+$0x0] =	vst.idx.msk $0xffff, v33  }
0x29d: {  	v34 =	vadd.s32 v21, v35;
	v33 =	vld [tilespmem:s30+$0xFFFFFF50];
	_ =	sdelay $0x4  }
0x29e: {  	[tilespmem:v34+s17+$0x0] =	vst.idx.msk $0xffff, v33  }
0x29f: {  	v34 =	vadd.s32 v22, v35;
	v33 =	vld [tilespmem:s30+$0xFFFFFF60];
	_ =	sdelay $0x4  }
0x2a0: {  	[tilespmem:v34+s17+$0x0] =	vst.idx.msk $0xffff, v33  }
0x2a1: {  	v34 =	vadd.s32 v23, v35;
	v33 =	vld [tilespmem:s30+$0xFFFFFF70];
	_ =	sdelay $0x4  }
0x2a2: {  	[tilespmem:v34+s17+$0x0] =	vst.idx.msk $0xffff, v33  }
0x2a3: {  	s0 =	sadd.s32 $0xFFFFFFFF, s31;
	v34 =	vadd.s32 v24, v35;
	v33 =	vld [tilespmem:s30+$0xFFFFFF80]  }
0x2a4: {  	v35 =	vmov s0  }
0x2a5: {  	v35 =	vshrl.u32 v35, $0x3  }
0x2a6: {  	v35 =	vshll.u32 v35, v1  }
0x2a7: {  	v35 =	vbroadcast v35, $0x0  }
0x2a8: {  	[tilespmem:v34+s17+$0x0] =	vst.idx.msk $0xffff, v33  }
0x2a9: {  	v34 =	vadd.s32 v25, v35;
	v33 =	vld [tilespmem:s30+$0xFFFFFF90];
	_ =	sdelay $0x4  }
0x2aa: {  	[tilespmem:v34+s17+$0x0] =	vst.idx.msk $0xffff, v33  }
0x2ab: {  	v34 =	vadd.s32 v26, v35;
	v33 =	vld [tilespmem:s30+$0xFFFFFFA0];
	_ =	sdelay $0x4  }
0x2ac: {  	[tilespmem:v34+s17+$0x0] =	vst.idx.msk $0xffff, v33  }
0x2ad: {  	v34 =	vadd.s32 v27, v35;
	v33 =	vld [tilespmem:s30+$0xFFFFFFB0];
	_ =	sdelay $0x4  }
0x2ae: {  	[tilespmem:v34+s17+$0x0] =	vst.idx.msk $0xffff, v33  }
0x2af: {  	v34 =	vadd.s32 v28, v35;
	v33 =	vld [tilespmem:s30+$0xFFFFFFC0]  }
0x2b0: {  	v35 =	vmov s31;
	s31 =	smov.u32 s1  }
0x2b1: {  	v35 =	vshrl.u32 v35, $0x3  }
0x2b2: {  	v35 =	vshll.u32 v35, v1  }
0x2b3: {  	v35 =	vbroadcast v35, $0x0  }
0x2b4: {  	[tilespmem:v34+s17+$0x0] =	vst.idx.msk $0xffff, v33  }
0x2b5: {  	v34 =	vadd.s32 v29, v35;
	v33 =	vld [tilespmem:s30+$0xFFFFFFD0];
	_ =	sdelay $0x4  }
0x2b6: {  	[tilespmem:v34+s17+$0x0] =	vst.idx.msk $0xffff, v33  }
0x2b7: {  	v34 =	vadd.s32 v30, v35;
	v33 =	vld [tilespmem:s30+$0xFFFFFFE0];
	_ =	sdelay $0x4  }
0x2b8: {  	[tilespmem:v34+s17+$0x0] =	vst.idx.msk $0xffff, v33  }
0x2b9: {  	v34 =	vadd.s32 v31, v35;
	v33 =	vld [tilespmem:s30+$0xFFFFFFF0];
	_ =	sdelay $0x1  }
.Ltmp4:
0x2ba: {  	(pc) =	sbr.rel @p0 .LBB2_9-.Ltmp4, $3  }
0x2bb: {  	_ =	sdelay $0x1  }
0x2bc: {  	[tilespmem:v34+s17+$0x0] =	vst.idx.msk $0xffff, v33  }
0x2bd: {  	s1 =	sadd.s32 $0x8, s1;
	s0 =	sadd.s32 $0xFFFFFFF9, s31;
	v34 =	vadd.s32 v32, v35;
	v33 =	vld [tilespmem:s30+$0x0]  }
0x2be: {  	v35 =	vmov s0  }
0x2bf: {  	v35 =	vshrl.u32 v35, $0x3  }
0x2c0: {  	v35 =	vshll.u32 v35, v1  }
0x2c1: {  	v35 =	vbroadcast v35, $0x0  }
0x2c2: {  	s1 =	sadd.s32 $0x200, s30;
	[tilespmem:v34+s17+$0x0] =	vst.idx.msk $0xffff, v33  }
0x2c3: {  	v33 =	vld [tilespmem:s1+$0xFFFFFE10];
	v53 =	vadd.s32 v0, v35;
	_ =	sdelay $0x4  }
0x2c4: {  	[tilespmem:v53+s17+$0x0] =	vst.idx.msk $0xffff, v33  }
0x2c5: {  	v54 =	vadd.s32 v2, v35;
	v33 =	vld [tilespmem:s1+$0xFFFFFE20];
	_ =	sdelay $0x4  }
0x2c6: {  	[tilespmem:v54+s17+$0x0] =	vst.idx.msk $0xffff, v33  }
0x2c7: {  	v55 =	vadd.s32 v3, v35;
	v33 =	vld [tilespmem:s1+$0xFFFFFE30];
	_ =	sdelay $0x4  }
0x2c8: {  	[tilespmem:v55+s17+$0x0] =	vst.idx.msk $0xffff, v33  }
0x2c9: {  	s30 =	sadd.s32 $0xFFFFFFFA, s31;
	v56 =	vadd.s32 v4, v35;
	v33 =	vld [tilespmem:s1+$0xFFFFFE40]  }
0x2ca: {  	v57 =	vmov s30  }
0x2cb: {  	v35 =	vshrl.u32 v57, $0x3  }
0x2cc: {  	v35 =	vshll.u32 v35, v1  }
0x2cd: {  	v35 =	vbroadcast v35, $0x0  }
0x2ce: {  	[tilespmem:v56+s17+$0x0] =	vst.idx.msk $0xffff, v33  }
0x2cf: {  	v58 =	vadd.s32 v5, v35;
	v33 =	vld [tilespmem:s1+$0xFFFFFE50];
	_ =	sdelay $0x4  }
0x2d0: {  	[tilespmem:v58+s17+$0x0] =	vst.idx.msk $0xffff, v33  }
0x2d1: {  	v59 =	vadd.s32 v6, v35;
	v33 =	vld [tilespmem:s1+$0xFFFFFE60];
	_ =	sdelay $0x4  }
0x2d2: {  	[tilespmem:v59+s17+$0x0] =	vst.idx.msk $0xffff, v33  }
0x2d3: {  	v60 =	vadd.s32 v7, v35;
	v33 =	vld [tilespmem:s1+$0xFFFFFE70];
	_ =	sdelay $0x4  }
0x2d4: {  	[tilespmem:v60+s17+$0x0] =	vst.idx.msk $0xffff, v33  }
0x2d5: {  	s30 =	sadd.s32 $0xFFFFFFFB, s31;
	v61 =	vadd.s32 v8, v35;
	v33 =	vld [tilespmem:s1+$0xFFFFFE80]  }
0x2d6: {  	v62 =	vmov s30  }
0x2d7: {  	v35 =	vshrl.u32 v62, $0x3  }
0x2d8: {  	v35 =	vshll.u32 v35, v1  }
0x2d9: {  	v35 =	vbroadcast v35, $0x0  }
0x2da: {  	[tilespmem:v61+s17+$0x0] =	vst.idx.msk $0xffff, v33  }
0x2db: {  	v63 =	vadd.s32 v9, v35;
	v33 =	vld [tilespmem:s1+$0xFFFFFE90];
	_ =	sdelay $0x4  }
0x2dc: {  	[tilespmem:v63+s17+$0x0] =	vst.idx.msk $0xffff, v33  }
0x2dd: {  	v36 =	vadd.s32 v10, v35;
	v33 =	vld [tilespmem:s1+$0xFFFFFEA0];
	_ =	sdelay $0x4  }
0x2de: {  	[tilespmem:v36+s17+$0x0] =	vst.idx.msk $0xffff, v33  }
0x2df: {  	v37 =	vadd.s32 v11, v35;
	v33 =	vld [tilespmem:s1+$0xFFFFFEB0];
	_ =	sdelay $0x4  }
0x2e0: {  	[tilespmem:v37+s17+$0x0] =	vst.idx.msk $0xffff, v33  }
0x2e1: {  	s30 =	sadd.s32 $0xFFFFFFFC, s31;
	v38 =	vadd.s32 v12, v35;
	v33 =	vld [tilespmem:s1+$0xFFFFFEC0]  }
0x2e2: {  	v39 =	vmov s30  }
0x2e3: {  	v35 =	vshrl.u32 v39, $0x3  }
0x2e4: {  	v35 =	vshll.u32 v35, v1  }
0x2e5: {  	v35 =	vbroadcast v35, $0x0  }
0x2e6: {  	[tilespmem:v38+s17+$0x0] =	vst.idx.msk $0xffff, v33  }
0x2e7: {  	v40 =	vadd.s32 v13, v35;
	v33 =	vld [tilespmem:s1+$0xFFFFFED0];
	_ =	sdelay $0x4  }
0x2e8: {  	[tilespmem:v40+s17+$0x0] =	vst.idx.msk $0xffff, v33  }
0x2e9: {  	v41 =	vadd.s32 v14, v35;
	v33 =	vld [tilespmem:s1+$0xFFFFFEE0];
	_ =	sdelay $0x4  }
0x2ea: {  	[tilespmem:v41+s17+$0x0] =	vst.idx.msk $0xffff, v33  }
0x2eb: {  	v42 =	vadd.s32 v15, v35;
	v33 =	vld [tilespmem:s1+$0xFFFFFEF0];
	_ =	sdelay $0x4  }
0x2ec: {  	[tilespmem:v42+s17+$0x0] =	vst.idx.msk $0xffff, v33  }
0x2ed: {  	s30 =	sadd.s32 $0xFFFFFFFD, s31;
	v43 =	vadd.s32 v16, v35;
	v33 =	vld [tilespmem:s1+$0xFFFFFF00]  }
0x2ee: {  	v44 =	vmov s30  }
0x2ef: {  	v35 =	vshrl.u32 v44, $0x3  }
0x2f0: {  	v35 =	vshll.u32 v35, v1  }
0x2f1: {  	v35 =	vbroadcast v35, $0x0  }
0x2f2: {  	[tilespmem:v43+s17+$0x0] =	vst.idx.msk $0xffff, v33  }
0x2f3: {  	v45 =	vadd.s32 v17, v35;
	v33 =	vld [tilespmem:s1+$0xFFFFFF10];
	_ =	sdelay $0x4  }
0x2f4: {  	[tilespmem:v45+s17+$0x0] =	vst.idx.msk $0xffff, v33  }
0x2f5: {  	v46 =	vadd.s32 v18, v35;
	v33 =	vld [tilespmem:s1+$0xFFFFFF20];
	_ =	sdelay $0x4  }
0x2f6: {  	[tilespmem:v46+s17+$0x0] =	vst.idx.msk $0xffff, v33  }
0x2f7: {  	v47 =	vadd.s32 v19, v35;
	v33 =	vld [tilespmem:s1+$0xFFFFFF30];
	_ =	sdelay $0x4  }
0x2f8: {  	[tilespmem:v47+s17+$0x0] =	vst.idx.msk $0xffff, v33  }
0x2f9: {  	s30 =	sadd.s32 $0xFFFFFFFE, s31;
	v48 =	vadd.s32 v20, v35;
	v33 =	vld [tilespmem:s1+$0xFFFFFF40]  }
0x2fa: {  	v49 =	vmov s30  }
0x2fb: {  	v35 =	vshrl.u32 v49, $0x3  }
0x2fc: {  	v35 =	vshll.u32 v35, v1  }
0x2fd: {  	v35 =	vbroadcast v35, $0x0  }
0x2fe: {  	[tilespmem:v48+s17+$0x0] =	vst.idx.msk $0xffff, v33  }
0x2ff: {  	v50 =	vadd.s32 v21, v35;
	v33 =	vld [tilespmem:s1+$0xFFFFFF50];
	_ =	sdelay $0x4  }
0x300: {  	[tilespmem:v50+s17+$0x0] =	vst.idx.msk $0xffff, v33  }
0x301: {  	v51 =	vadd.s32 v22, v35;
	v33 =	vld [tilespmem:s1+$0xFFFFFF60];
	_ =	sdelay $0x4  }
0x302: {  	[tilespmem:v51+s17+$0x0] =	vst.idx.msk $0xffff, v33  }
0x303: {  	v52 =	vadd.s32 v23, v35;
	v33 =	vld [tilespmem:s1+$0xFFFFFF70];
	_ =	sdelay $0x4  }
0x304: {  	[tilespmem:v52+s17+$0x0] =	vst.idx.msk $0xffff, v33  }
0x305: {  	s30 =	sadd.s32 $0xFFFFFFFF, s31;
	v53 =	vadd.s32 v24, v35;
	v33 =	vld [tilespmem:s1+$0xFFFFFF80]  }
0x306: {  	v54 =	vmov s30  }
0x307: {  	v35 =	vshrl.u32 v54, $0x3  }
0x308: {  	v35 =	vshll.u32 v35, v1  }
0x309: {  	v35 =	vbroadcast v35, $0x0  }
0x30a: {  	[tilespmem:v53+s17+$0x0] =	vst.idx.msk $0xffff, v33  }
0x30b: {  	v55 =	vadd.s32 v25, v35;
	v33 =	vld [tilespmem:s1+$0xFFFFFF90];
	_ =	sdelay $0x4  }
0x30c: {  	[tilespmem:v55+s17+$0x0] =	vst.idx.msk $0xffff, v33  }
0x30d: {  	v56 =	vadd.s32 v26, v35;
	v33 =	vld [tilespmem:s1+$0xFFFFFFA0];
	_ =	sdelay $0x4  }
0x30e: {  	[tilespmem:v56+s17+$0x0] =	vst.idx.msk $0xffff, v33  }
0x30f: {  	v57 =	vadd.s32 v27, v35;
	v33 =	vld [tilespmem:s1+$0xFFFFFFB0];
	_ =	sdelay $0x4  }
0x310: {  	[tilespmem:v57+s17+$0x0] =	vst.idx.msk $0xffff, v33  }
0x311: {  	v58 =	vadd.s32 v28, v35;
	v33 =	vld [tilespmem:s1+$0xFFFFFFC0]  }
0x312: {  	v59 =	vmov s31  }
0x313: {  	v35 =	vshrl.u32 v59, $0x3  }
0x314: {  	v35 =	vshll.u32 v35, v1  }
0x315: {  	v35 =	vbroadcast v35, $0x0  }
0x316: {  	[tilespmem:v58+s17+$0x0] =	vst.idx.msk $0xffff, v33  }
0x317: {  	v60 =	vadd.s32 v29, v35;
	v33 =	vld [tilespmem:s1+$0xFFFFFFD0];
	_ =	sdelay $0x4  }
0x318: {  	[tilespmem:v60+s17+$0x0] =	vst.idx.msk $0xffff, v33  }
0x319: {  	v61 =	vadd.s32 v30, v35;
	v33 =	vld [tilespmem:s1+$0xFFFFFFE0];
	_ =	sdelay $0x4  }
0x31a: {  	[tilespmem:v61+s17+$0x0] =	vst.idx.msk $0xffff, v33  }
0x31b: {  	v62 =	vadd.s32 v31, v35;
	v33 =	vld [tilespmem:s1+$0xFFFFFFF0];
	_ =	sdelay $0x4  }
0x31c: {  	[tilespmem:v62+s17+$0x0] =	vst.idx.msk $0xffff, v33  }
0x31d: {  	v63 =	vadd.s32 v32, v35;
	v33 =	vld [tilespmem:s1+$0x0];
	_ =	sdelay $0x1  }
0x31e: {  	s30 =	sshll.u32 s29, $0x12  }
0x31f: {  	s0 =	sor.u32 s6, s30  }
0x320: {  	s1 =	sshrl.u32 s0, $0x3  }
0x321: {  	s0 =	sadd.s32 s2, s1;
	[tilespmem:v63+s17+$0x0] =	vst.idx.msk $0xffff, v33  }
0x322: {  	[hbm4b:s0+s3] =	stream.linear.scatter [tilespmem:s17], [sflag:$0x4], $0x80, $0x38;
	[tilespmem:$0x9100] =	vst v63  }
0x323: {  	s31 =	simm.s32 $0x6F88;
	s29 =	sadd.s32 $0x10, s0  }
0x324: {  	[hbm4b:s29+s3] =	stream.linear.scatter [tilespmem:s31], [sflag:$0x4], $0x80, $0x38;
	[tilespmem:$0x9100] =	vst v63  }
0x325: {  	s29 =	sadd.s32 $0x20, s0;
	s31 =	simm.s32 $0x7010  }
0x326: {  	[hbm4b:s29+s3] =	stream.linear.scatter [tilespmem:s31], [sflag:$0x4], $0x80, $0x38;
	[tilespmem:$0x9100] =	vst v63  }
0x327: {  	s29 =	sadd.s32 $0x30, s0;
	s31 =	simm.s32 $0x7098  }
0x328: {  	[hbm4b:s29+s3] =	stream.linear.scatter [tilespmem:s31], [sflag:$0x4], $0x80, $0x38;
	[tilespmem:$0x9100] =	vst v63  }
0x329: {  	s29 =	sadd.s32 $0x40, s0;
	s31 =	simm.s32 $0x7120  }
0x32a: {  	[hbm4b:s29+s3] =	stream.linear.scatter [tilespmem:s31], [sflag:$0x4], $0x80, $0x38;
	[tilespmem:$0x9100] =	vst v63  }
0x32b: {  	s29 =	sadd.s32 $0x50, s0;
	s31 =	simm.s32 $0x71A8  }
0x32c: {  	[hbm4b:s29+s3] =	stream.linear.scatter [tilespmem:s31], [sflag:$0x4], $0x80, $0x38;
	[tilespmem:$0x9100] =	vst v63  }
0x32d: {  	s29 =	sadd.s32 $0x60, s0;
	s31 =	simm.s32 $0x7230  }
0x32e: {  	[hbm4b:s29+s3] =	stream.linear.scatter [tilespmem:s31], [sflag:$0x4], $0x80, $0x38;
	[tilespmem:$0x9100] =	vst v63  }
0x32f: {  	s0 =	sadd.s32 $0x70, s0;
	s31 =	simm.s32 $0x72B8  }
0x330: {  	[hbm4b:s0+s3] =	stream.linear.scatter [tilespmem:s31], [sflag:$0x4], $0x80, $0x38;
	[tilespmem:$0x9100] =	vst v63  }
0x331: {  	s30 =	simm.s32 $0x7340;
	s0 =	sadd.s32 s1, s7  }
0x332: {  	[hbm4b:s0+s3] =	stream.linear.scatter [tilespmem:s30], [sflag:$0x4], $0x80, $0x38;
	[tilespmem:$0x9100] =	vst v63  }
0x333: {  	s31 =	simm.s32 $0x73C8;
	s29 =	sadd.s32 $0x10, s0  }
0x334: {  	[hbm4b:s29+s3] =	stream.linear.scatter [tilespmem:s31], [sflag:$0x4], $0x80, $0x38;
	[tilespmem:$0x9100] =	vst v63  }
0x335: {  	s29 =	sadd.s32 $0x20, s0;
	s31 =	simm.s32 $0x7450  }
0x336: {  	[hbm4b:s29+s3] =	stream.linear.scatter [tilespmem:s31], [sflag:$0x4], $0x80, $0x38;
	[tilespmem:$0x9100] =	vst v63  }
0x337: {  	s29 =	sadd.s32 $0x30, s0;
	s31 =	simm.s32 $0x74D8  }
0x338: {  	[hbm4b:s29+s3] =	stream.linear.scatter [tilespmem:s31], [sflag:$0x4], $0x80, $0x38;
	[tilespmem:$0x9100] =	vst v63  }
0x339: {  	s29 =	sadd.s32 $0x40, s0;
	s31 =	simm.s32 $0x7560  }
0x33a: {  	[hbm4b:s29+s3] =	stream.linear.scatter [tilespmem:s31], [sflag:$0x4], $0x80, $0x38;
	[tilespmem:$0x9100] =	vst v63  }
0x33b: {  	s29 =	sadd.s32 $0x50, s0;
	s31 =	simm.s32 $0x75E8  }
0x33c: {  	[hbm4b:s29+s3] =	stream.linear.scatter [tilespmem:s31], [sflag:$0x4], $0x80, $0x38;
	[tilespmem:$0x9100] =	vst v63  }
0x33d: {  	s29 =	sadd.s32 $0x60, s0;
	s31 =	simm.s32 $0x7670  }
0x33e: {  	[hbm4b:s29+s3] =	stream.linear.scatter [tilespmem:s31], [sflag:$0x4], $0x80, $0x38;
	[tilespmem:$0x9100] =	vst v63  }
0x33f: {  	s0 =	sadd.s32 $0x70, s0;
	s31 =	simm.s32 $0x76F8  }
0x340: {  	[hbm4b:s0+s3] =	stream.linear.scatter [tilespmem:s31], [sflag:$0x4], $0x80, $0x38;
	[tilespmem:$0x9100] =	vst v63  }
0x341: {  	s30 =	simm.s32 $0x7780;
	s0 =	sadd.s32 s1, s8  }
0x342: {  	[hbm4b:s0+s3] =	stream.linear.scatter [tilespmem:s30], [sflag:$0x4], $0x80, $0x38;
	[tilespmem:$0x9100] =	vst v63  }
0x343: {  	s31 =	simm.s32 $0x7808;
	s29 =	sadd.s32 $0x10, s0  }
0x344: {  	[hbm4b:s29+s3] =	stream.linear.scatter [tilespmem:s31], [sflag:$0x4], $0x80, $0x38;
	[tilespmem:$0x9100] =	vst v63  }
0x345: {  	s29 =	sadd.s32 $0x20, s0;
	s31 =	simm.s32 $0x7890  }
0x346: {  	[hbm4b:s29+s3] =	stream.linear.scatter [tilespmem:s31], [sflag:$0x4], $0x80, $0x38;
	[tilespmem:$0x9100] =	vst v63  }
0x347: {  	s29 =	sadd.s32 $0x30, s0;
	s31 =	simm.s32 $0x7918  }
0x348: {  	[hbm4b:s29+s3] =	stream.linear.scatter [tilespmem:s31], [sflag:$0x4], $0x80, $0x38;
	[tilespmem:$0x9100] =	vst v63  }
0x349: {  	s29 =	sadd.s32 $0x40, s0;
	s31 =	simm.s32 $0x79A0  }
0x34a: {  	[hbm4b:s29+s3] =	stream.linear.scatter [tilespmem:s31], [sflag:$0x4], $0x80, $0x38;
	[tilespmem:$0x9100] =	vst v63  }
0x34b: {  	s29 =	sadd.s32 $0x50, s0;
	s31 =	simm.s32 $0x7A28  }
0x34c: {  	[hbm4b:s29+s3] =	stream.linear.scatter [tilespmem:s31], [sflag:$0x4], $0x80, $0x38;
	[tilespmem:$0x9100] =	vst v63  }
0x34d: {  	s29 =	sadd.s32 $0x60, s0;
	s31 =	simm.s32 $0x7AB0  }
0x34e: {  	[hbm4b:s29+s3] =	stream.linear.scatter [tilespmem:s31], [sflag:$0x4], $0x80, $0x38;
	[tilespmem:$0x9100] =	vst v63  }
0x34f: {  	s0 =	sadd.s32 $0x70, s0;
	s31 =	simm.s32 $0x7B38  }
0x350: {  	[hbm4b:s0+s3] =	stream.linear.scatter [tilespmem:s31], [sflag:$0x4], $0x80, $0x38;
	[tilespmem:$0x9100] =	vst v63  }
0x351: {  	s30 =	simm.s32 $0x7BC0;
	s0 =	sadd.s32 s1, s9  }
0x352: {  	[hbm4b:s0+s3] =	stream.linear.scatter [tilespmem:s30], [sflag:$0x4], $0x80, $0x38;
	[tilespmem:$0x9100] =	vst v63  }
0x353: {  	s31 =	simm.s32 $0x7C48;
	s29 =	sadd.s32 $0x10, s0  }
0x354: {  	[hbm4b:s29+s3] =	stream.linear.scatter [tilespmem:s31], [sflag:$0x4], $0x80, $0x38;
	[tilespmem:$0x9100] =	vst v63  }
0x355: {  	s29 =	sadd.s32 $0x20, s0;
	s31 =	simm.s32 $0x7CD0  }
0x356: {  	[hbm4b:s29+s3] =	stream.linear.scatter [tilespmem:s31], [sflag:$0x4], $0x80, $0x38;
	[tilespmem:$0x9100] =	vst v63  }
0x357: {  	s29 =	sadd.s32 $0x30, s0;
	s31 =	simm.s32 $0x7D58  }
0x358: {  	[hbm4b:s29+s3] =	stream.linear.scatter [tilespmem:s31], [sflag:$0x4], $0x80, $0x38;
	[tilespmem:$0x9100] =	vst v63  }
0x359: {  	s29 =	sadd.s32 $0x40, s0;
	s31 =	simm.s32 $0x7DE0  }
0x35a: {  	[hbm4b:s29+s3] =	stream.linear.scatter [tilespmem:s31], [sflag:$0x4], $0x80, $0x38;
	[tilespmem:$0x9100] =	vst v63  }
0x35b: {  	s29 =	sadd.s32 $0x50, s0;
	s31 =	simm.s32 $0x7E68  }
0x35c: {  	[hbm4b:s29+s3] =	stream.linear.scatter [tilespmem:s31], [sflag:$0x4], $0x80, $0x38;
	[tilespmem:$0x9100] =	vst v63  }
0x35d: {  	s29 =	sadd.s32 $0x60, s0;
	s31 =	simm.s32 $0x7EF0  }
0x35e: {  	[hbm4b:s29+s3] =	stream.linear.scatter [tilespmem:s31], [sflag:$0x4], $0x80, $0x38;
	[tilespmem:$0x9100] =	vst v63  }
0x35f: {  	s0 =	sadd.s32 $0x70, s0;
	s31 =	simm.s32 $0x7F78  }
0x360: {  	[hbm4b:s0+s3] =	stream.linear.scatter [tilespmem:s31], [sflag:$0x4], $0x80, $0x38;
	[tilespmem:$0x9100] =	vst v63  }
0x361: {  	s30 =	simm.s32 $0x8000;
	s0 =	sadd.s32 s1, s10  }
0x362: {  	[hbm4b:s0+s3] =	stream.linear.scatter [tilespmem:s30], [sflag:$0x4], $0x80, $0x38;
	[tilespmem:$0x9100] =	vst v63  }
0x363: {  	s31 =	simm.s32 $0x8088;
	s29 =	sadd.s32 $0x10, s0  }
0x364: {  	[hbm4b:s29+s3] =	stream.linear.scatter [tilespmem:s31], [sflag:$0x4], $0x80, $0x38;
	[tilespmem:$0x9100] =	vst v63  }
0x365: {  	s29 =	sadd.s32 $0x20, s0;
	s31 =	simm.s32 $0x8110  }
0x366: {  	[hbm4b:s29+s3] =	stream.linear.scatter [tilespmem:s31], [sflag:$0x4], $0x80, $0x38;
	[tilespmem:$0x9100] =	vst v63  }
0x367: {  	s29 =	sadd.s32 $0x30, s0;
	s31 =	simm.s32 $0x8198  }
0x368: {  	[hbm4b:s29+s3] =	stream.linear.scatter [tilespmem:s31], [sflag:$0x4], $0x80, $0x38;
	[tilespmem:$0x9100] =	vst v63  }
0x369: {  	s29 =	sadd.s32 $0x40, s0;
	s31 =	simm.s32 $0x8220  }
0x36a: {  	[hbm4b:s29+s3] =	stream.linear.scatter [tilespmem:s31], [sflag:$0x4], $0x80, $0x38;
	[tilespmem:$0x9100] =	vst v63  }
0x36b: {  	s29 =	sadd.s32 $0x50, s0;
	s31 =	simm.s32 $0x82A8  }
0x36c: {  	[hbm4b:s29+s3] =	stream.linear.scatter [tilespmem:s31], [sflag:$0x4], $0x80, $0x38;
	[tilespmem:$0x9100] =	vst v63  }
0x36d: {  	s29 =	sadd.s32 $0x60, s0;
	s31 =	simm.s32 $0x8330  }
0x36e: {  	[hbm4b:s29+s3] =	stream.linear.scatter [tilespmem:s31], [sflag:$0x4], $0x80, $0x38;
	[tilespmem:$0x9100] =	vst v63  }
0x36f: {  	s0 =	sadd.s32 $0x70, s0;
	s31 =	simm.s32 $0x83B8  }
0x370: {  	[hbm4b:s0+s3] =	stream.linear.scatter [tilespmem:s31], [sflag:$0x4], $0x80, $0x38;
	[tilespmem:$0x9100] =	vst v63  }
0x371: {  	s30 =	simm.s32 $0x8440;
	s0 =	sadd.s32 s1, s11  }
0x372: {  	[hbm4b:s0+s3] =	stream.linear.scatter [tilespmem:s30], [sflag:$0x4], $0x80, $0x38;
	[tilespmem:$0x9100] =	vst v63  }
0x373: {  	s31 =	simm.s32 $0x84C8;
	s29 =	sadd.s32 $0x10, s0  }
0x374: {  	[hbm4b:s29+s3] =	stream.linear.scatter [tilespmem:s31], [sflag:$0x4], $0x80, $0x38;
	[tilespmem:$0x9100] =	vst v63  }
0x375: {  	s29 =	sadd.s32 $0x20, s0;
	s31 =	simm.s32 $0x8550  }
0x376: {  	[hbm4b:s29+s3] =	stream.linear.scatter [tilespmem:s31], [sflag:$0x4], $0x80, $0x38;
	[tilespmem:$0x9100] =	vst v63  }
0x377: {  	s29 =	sadd.s32 $0x30, s0;
	s31 =	simm.s32 $0x85D8  }
0x378: {  	[hbm4b:s29+s3] =	stream.linear.scatter [tilespmem:s31], [sflag:$0x4], $0x80, $0x38;
	[tilespmem:$0x9100] =	vst v63  }
0x379: {  	s29 =	sadd.s32 $0x40, s0;
	s31 =	simm.s32 $0x8660  }
0x37a: {  	[hbm4b:s29+s3] =	stream.linear.scatter [tilespmem:s31], [sflag:$0x4], $0x80, $0x38;
	[tilespmem:$0x9100] =	vst v63  }
0x37b: {  	s29 =	sadd.s32 $0x50, s0;
	s31 =	simm.s32 $0x86E8  }
0x37c: {  	[hbm4b:s29+s3] =	stream.linear.scatter [tilespmem:s31], [sflag:$0x4], $0x80, $0x38;
	[tilespmem:$0x9100] =	vst v63  }
0x37d: {  	s29 =	sadd.s32 $0x60, s0;
	s31 =	simm.s32 $0x8770  }
0x37e: {  	[hbm4b:s29+s3] =	stream.linear.scatter [tilespmem:s31], [sflag:$0x4], $0x80, $0x38;
	[tilespmem:$0x9100] =	vst v63  }
0x37f: {  	s0 =	sadd.s32 $0x70, s0;
	s31 =	simm.s32 $0x87F8  }
0x380: {  	[hbm4b:s0+s3] =	stream.linear.scatter [tilespmem:s31], [sflag:$0x4], $0x80, $0x38;
	[tilespmem:$0x9100] =	vst v63  }
0x381: {  	s30 =	simm.s32 $0x8880;
	s0 =	sadd.s32 s1, s12  }
0x382: {  	[hbm4b:s0+s3] =	stream.linear.scatter [tilespmem:s30], [sflag:$0x4], $0x80, $0x38;
	[tilespmem:$0x9100] =	vst v63  }
0x383: {  	s31 =	simm.s32 $0x8908;
	s29 =	sadd.s32 $0x10, s0  }
0x384: {  	[hbm4b:s29+s3] =	stream.linear.scatter [tilespmem:s31], [sflag:$0x4], $0x80, $0x38;
	[tilespmem:$0x9100] =	vst v63  }
0x385: {  	s29 =	sadd.s32 $0x20, s0;
	s31 =	simm.s32 $0x8990  }
0x386: {  	[hbm4b:s29+s3] =	stream.linear.scatter [tilespmem:s31], [sflag:$0x4], $0x80, $0x38;
	[tilespmem:$0x9100] =	vst v63  }
0x387: {  	s29 =	sadd.s32 $0x30, s0;
	s31 =	simm.s32 $0x8A18  }
0x388: {  	[hbm4b:s29+s3] =	stream.linear.scatter [tilespmem:s31], [sflag:$0x4], $0x80, $0x38;
	[tilespmem:$0x9100] =	vst v63  }
0x389: {  	s29 =	sadd.s32 $0x40, s0;
	s31 =	simm.s32 $0x8AA0  }
0x38a: {  	[hbm4b:s29+s3] =	stream.linear.scatter [tilespmem:s31], [sflag:$0x4], $0x80, $0x38;
	[tilespmem:$0x9100] =	vst v63  }
0x38b: {  	s29 =	sadd.s32 $0x50, s0;
	s31 =	simm.s32 $0x8B28  }
0x38c: {  	[hbm4b:s29+s3] =	stream.linear.scatter [tilespmem:s31], [sflag:$0x4], $0x80, $0x38;
	[tilespmem:$0x9100] =	vst v63  }
0x38d: {  	s29 =	sadd.s32 $0x60, s0;
	s31 =	simm.s32 $0x8BB0  }
0x38e: {  	[hbm4b:s29+s3] =	stream.linear.scatter [tilespmem:s31], [sflag:$0x4], $0x80, $0x38;
	[tilespmem:$0x9100] =	vst v63  }
0x38f: {  	s0 =	sadd.s32 $0x70, s0;
	s31 =	simm.s32 $0x8C38  }
0x390: {  	[hbm4b:s0+s3] =	stream.linear.scatter [tilespmem:s31], [sflag:$0x4], $0x80, $0x38;
	[tilespmem:$0x9100] =	vst v63  }
0x391: {  	s0 =	sadd.s32 s1, s13  }
0x392: {  	[hbm4b:s0+s3] =	stream.linear.scatter [tilespmem:s16], [sflag:$0x4], $0x80, $0x38;
	[tilespmem:$0x9100] =	vst v63  }
0x393: {  	s1 =	sadd.s32 $0x10, s0  }
0x394: {  	[hbm4b:s1+s3] =	stream.linear.scatter [tilespmem:s18], [sflag:$0x4], $0x80, $0x38;
	[tilespmem:$0x9100] =	vst v63  }
0x395: {  	s30 =	sadd.s32 $0x20, s0  }
0x396: {  	[hbm4b:s30+s3] =	stream.linear.scatter [tilespmem:s19], [sflag:$0x4], $0x80, $0x38;
	[tilespmem:$0x9100] =	vst v63  }
0x397: {  	s31 =	sadd.s32 $0x30, s0  }
0x398: {  	[hbm4b:s31+s3] =	stream.linear.scatter [tilespmem:s22], [sflag:$0x4], $0x80, $0x38;
	[tilespmem:$0x9100] =	vst v63  }
0x399: {  	s28 =	sadd.s32 $0x1, s28;
	s29 =	sadd.s32 $0x40, s0  }
0x39a: {  	[hbm4b:s29+s3] =	stream.linear.scatter [tilespmem:s23], [sflag:$0x4], $0x80, $0x38;
	[tilespmem:$0x9100] =	vst v63  }
0x39b: {  	p0 =	sne.s32 s28, $0xD;
	s30 =	sadd.s32 $0x50, s0  }
0x39c: {  	[hbm4b:s30+s3] =	stream.linear.scatter [tilespmem:s24], [sflag:$0x4], $0x80, $0x38;
	[tilespmem:$0x9100] =	vst v63  }
.Ltmp5:
0x39d: {  	_ = 	snop;
	(pc) =	sbr.rel @p0 .LBB2_2-.Ltmp5, $4  }
0x39e: {  	s31 =	sadd.s32 $0x60, s0  }
0x39f: {  	[hbm4b:s31+s3] =	stream.linear.scatter [tilespmem:s25], [sflag:$0x4], $0x80, $0x38;
	[tilespmem:$0x9100] =	vst v63  }
0x3a0: {  	s0 =	sadd.s32 $0x70, s0  }
0x3a1: {  	[hbm4b:s0+s3] =	stream.linear.scatter [tilespmem:s26], [sflag:$0x4], $0x80, $0x38;
	[tilespmem:$0x9100] =	vst v63  }
0x3a2: {  	s0 =	simm.s32 $0x3  }
0x3a3: {  	_ =	swait.ge [sflag:s0], $0x400  }
0x3a4: {  	[sflag:s0] =	ssyncset.done $0x0  }
0x3a5: {  	[sflag:s0] =	ssyncadd.s32 $0xFFFFFC00  }
0x3a6: {  	_ =	swait.ge [sflag:s0], $0x400  }
0x3a7: {  	[sflag:s0] =	ssyncset.done $0x0  }
0x3a8: {  	[sflag:s0] =	ssyncadd.s32 $0xFFFFFC00  }
0x3a9: {  	_ =	swait.ge [sflag:s0], $0x400  }
0x3aa: {  	[sflag:s0] =	ssyncset.done $0x0  }
0x3ab: {  	[sflag:s0] =	ssyncadd.s32 $0xFFFFFC00  }
0x3ac: {  	_ =	swait.ge [sflag:s0], $0x400  }
0x3ad: {  	[sflag:s0] =	ssyncset.done $0x0  }
0x3ae: {  	[sflag:s0] =	ssyncadd.s32 $0xFFFFFC00  }
0x3af: {  	_ =	swait.ge [sflag:s0], $0x400  }
0x3b0: {  	[sflag:s0] =	ssyncset.done $0x0  }
0x3b1: {  	[sflag:s0] =	ssyncadd.s32 $0xFFFFFC00  }
0x3b2: {  	_ =	swait.ge [sflag:s0], $0x400  }
0x3b3: {  	[sflag:s0] =	ssyncset.done $0x0  }
0x3b4: {  	[sflag:s0] =	ssyncadd.s32 $0xFFFFFC00  }
0x3b5: {  	_ =	swait.ge [sflag:s0], $0x400  }
0x3b6: {  	[sflag:s0] =	ssyncset.done $0x0  }
0x3b7: {  	[sflag:s0] =	ssyncadd.s32 $0xFFFFFC00  }
0x3b8: {  	_ =	swait.ge [sflag:s0], $0x400  }
0x3b9: {  	[sflag:s0] =	ssyncset.done $0x0  }
0x3ba: {  	[sflag:s0] =	ssyncadd.s32 $0xFFFFFC00  }
0x3bb: {  	_ =	swait.ge [sflag:s14], $0x400  }
0x3bc: {  	[sflag:s14] =	ssyncset.done $0x0  }
0x3bd: {  	[sflag:s14] =	ssyncadd.s32 $0xFFFFFC00  }
0x3be: {  	_ =	swait.ge [sflag:s14], $0x400  }
0x3bf: {  	[sflag:s14] =	ssyncset.done $0x0  }
0x3c0: {  	[sflag:s14] =	ssyncadd.s32 $0xFFFFFC00  }
0x3c1: {  	_ =	swait.ge [sflag:s14], $0x400  }
0x3c2: {  	[sflag:s14] =	ssyncset.done $0x0  }
0x3c3: {  	[sflag:s14] =	ssyncadd.s32 $0xFFFFFC00  }
0x3c4: {  	_ =	swait.ge [sflag:s14], $0x400  }
0x3c5: {  	[sflag:s14] =	ssyncset.done $0x0  }
0x3c6: {  	[sflag:s14] =	ssyncadd.s32 $0xFFFFFC00  }
0x3c7: {  	_ =	swait.ge [sflag:s14], $0x400  }
0x3c8: {  	[sflag:s14] =	ssyncset.done $0x0  }
0x3c9: {  	[sflag:s14] =	ssyncadd.s32 $0xFFFFFC00  }
0x3ca: {  	_ =	swait.ge [sflag:s14], $0x400  }
0x3cb: {  	[sflag:s14] =	ssyncset.done $0x0  }
0x3cc: {  	[sflag:s14] =	ssyncadd.s32 $0xFFFFFC00  }
0x3cd: {  	_ =	swait.ge [sflag:s14], $0x400  }
0x3ce: {  	[sflag:s14] =	ssyncset.done $0x0  }
0x3cf: {  	[sflag:s14] =	ssyncadd.s32 $0xFFFFFC00  }
0x3d0: {  	_ =	swait.ge [sflag:s14], $0x400  }
0x3d1: {  	s1 =	rddreg [dreg:$0x5]  }
0x3d2: {  	s31 =	rddreg [dreg:$0x4];
	s1 =	sadd.s32 $0x1, s1  }
0x3d3: {  	p0 =	sne.s32 s1, s31  }
.Ltmp6:
0x3d4: {  	_ = 	snop;
	(pc) =	sbr.rel @p0 .LBB2_1-.Ltmp6, $3  }
0x3d5: {  	_ =	sdelay $0x1  }
0x3d6: {  	[sflag:s14] =	ssyncset.done $0x0  }
0x3d7: {  	[sflag:s14] =	ssyncadd.s32 $0xFFFFFC00  }
0x3d8: {  	_ =	sfence.sel $0x180000  }
0x3d9: {  	[bflag:$0x0] =	sbarrier.arrive $0xFFFF  }
0x3da: {  	_ =	strace $0x90000047  }
0x3db: {  	s0 =	stileid.u32;
	[bflag:$0x2] =	sbarrier.arrive $0xFFFF  }
0x3dc: {  	p0 =	sne.s32 s0, $0x0;
	s0 =	rddreg [dreg:$0x2]  }
0x3dd: {  	s0 =	sadd.s32 @!p0 $0x100000, s0  }
0x3de: {  	[sflag:s0] =	ssyncadd.tile.s32 @!p0 $0x1;
	_ =	shalt  }
.Lfunc_end2:
_tile_overlayer_lowered:
.L_overlay_start_2:
0x3df: {  	(tag) =	ssettag $0x2  }
0x3e0: {  	s0 =	rddreg [dreg:$0x0];
	s2 =	stileid.u32  }
0x3e1: {  	s1 =	rddreg [dreg:$0x1];
	p0 =	sne.s32 s2, $0x0  }
0x3e2: {  	s3 =	rddreg [dreg:$0x2];
	[bflag:$0x3] =	sbarrier.arrive $0xFFFF;
	s2 =	simm.s32 @!p0 $0x1C05  }
0x3e3: {  	[timem:s3], [sflag:s2] =	dma.local @!p0 [hbm:s0], s1  }
0x3e4: {  	s0 =	simm.s32 @!p0 $0x5  }
0x3e5: {  	_ =	swait.ge @!p0 [sflag:s0], s1  }
0x3e6: {  	s1 =	ssub.s32 @!p0 $0x0, s1;
	[sflag:s0] =	ssyncset.done @!p0 $0x0  }
0x3e7: {  	[sflag:s0] =	ssyncadd.s32 @!p0 s1  }
0x3e8: {  	[bflag:$0x3] =	sbarrier.arrive $0xFFFF  }
0x3e9: {  	_ =	shalt  }

</sc_bundles>
